<compile_context>
chip_gen: v7x
topology: tpu7x:2x2x1
jax: 0.10.2.dev20260603
libtpu: 0.0.44.dev20260713+nightly
codegen_flags: <defaults>
</compile_context>

<pallas_src>
import functools

import jax
import jax.numpy as jnp
from jax import lax
from jax.experimental import pallas as pl
from jax.experimental.pallas import tpu as pltpu
from jax.experimental.pallas import tpu_sc as plsc

_N = 10000
_E = 320000
_D = 128
_DH = 64
_NC = 2
_NS = 16
_EPS = _E // _NS
_CH = 125
_NCH = _EPS // _CH
_NP = 10240
_RPS = _NP // _NS
_CW = 16


def _sc_aggregate(x0, x1, src2d, dst2d, with_cnt):
    mesh = plsc.VectorSubcoreMesh(core_axis_name="c", subcore_axis_name="s")

    out_type = [jax.ShapeDtypeStruct((_NC, _NP, _DH), jnp.float32)]
    scratch = [
        pltpu.VMEM((_NCH, _CH), jnp.int32),
        pltpu.VMEM((_NCH, _CH), jnp.int32),
        pltpu.VMEM((4, _CH, _DH), jnp.float32),
        pltpu.VMEM((_CH, _CW), jnp.float32),
        pltpu.VMEM_SHARED((_NP, _DH), jnp.float32),
        pltpu.SemaphoreType.DMA,
        pltpu.SemaphoreType.DMA,
        pltpu.SemaphoreType.DMA,
        pltpu.SemaphoreType.DMA,
        pltpu.SemaphoreType.DMA,
        pltpu.SemaphoreType.DMA,
        pltpu.SemaphoreType.DMA,
        pltpu.SemaphoreType.DMA,
        pltpu.SemaphoreType.DMA,
    ]
    if with_cnt:
        out_type.append(jax.ShapeDtypeStruct((_NC, _NP, _CW), jnp.float32))
        scratch.insert(5, pltpu.VMEM_SHARED((_NP, _CW), jnp.float32))

    @functools.partial(
        pl.kernel,
        out_type=tuple(out_type),
        mesh=mesh,
        scratch_types=tuple(scratch),
        compiler_params=pltpu.CompilerParams(use_tc_tiling_on_sc=False),
        cost_estimate=pl.CostEstimate(
            flops=2 * _E * _DH, transcendentals=0,
            bytes_accessed=2 * _E * _DH * 4 + _E * 8 + _NC * _NP * _DH * 4),
    )
    def agg_kernel(x0_hbm, x1_hbm, src_hbm, dst_hbm, agg_hbm, *rest):
        if with_cnt:
            cnt_hbm, sidx_v, didx_v, rows_v, ones_v, agg_sh, cnt_sh, *sems = rest
        else:
            sidx_v, didx_v, rows_v, ones_v, agg_sh, *sems = rest
        gsems, ssems, osem = sems[0:4], sems[4:8], sems[8]
        cid = lax.axis_index("c")
        sid = lax.axis_index("s")

        pltpu.sync_copy(src_hbm.at[pl.ds(sid * _NCH, _NCH)], sidx_v)
        pltpu.sync_copy(dst_hbm.at[pl.ds(sid * _NCH, _NCH)], didx_v)

        def zrow(r, _):
            for c in range(_DH // 16):
                rows_v[0, r, pl.ds(c * 16, 16)] = jnp.zeros((16,), jnp.float32)
            return 0
        lax.fori_loop(0, _CH, zrow, 0)

        def zcnt(r, _):
            ones_v[r, :] = jnp.zeros((16,), jnp.float32)
            return 0
        lax.fori_loop(0, _CH, zcnt, 0)

        for k, w in ((0, 120), (1, 120), (2, 120), (3, 120), (4, 120), (5, 40)):
            off = sid * _RPS + k * 120
            pltpu.sync_copy(rows_v.at[0, pl.ds(0, w)], agg_sh.at[pl.ds(off, w)])
            if with_cnt:
                pltpu.sync_copy(ones_v.at[pl.ds(0, w)], cnt_sh.at[pl.ds(off, w)])

        def ocnt(r, _):
            ones_v[r, :] = jnp.ones((16,), jnp.float32)
            return 0
        lax.fori_loop(0, _CH, ocnt, 0)

        def gather_start(buf, j):
            @pl.when(cid == 0)
            def _():
                pltpu.async_copy(x0_hbm.at[sidx_v.at[j]], rows_v.at[buf],
                                 gsems[buf])

            @pl.when(cid == 1)
            def _():
                pltpu.async_copy(x1_hbm.at[sidx_v.at[j]], rows_v.at[buf],
                                 gsems[buf])

        def gather_wait(buf):
            pltpu.make_async_copy(
                x0_hbm.at[pl.ds(0, _CH)], rows_v.at[buf], gsems[buf]).wait()

        def scatter_wait(buf):
            pltpu.make_async_copy(
                x0_hbm.at[pl.ds(0, _CH)], rows_v.at[buf], ssems[buf]).wait()

        def ones_wait():
            pltpu.make_async_copy(
                x0_hbm.at[pl.ds(0, _CH), pl.ds(0, _CW)], ones_v, osem).wait()

        gather_start(0, 0)
        gather_start(1, 1)
        plsc.subcore_barrier()

        def edge_quad(i, _):
            for b in range(4):
                j = 4 * i + b
                nb = (b + 2) % 4
                gather_wait(b)
                pltpu.async_copy(rows_v.at[b], agg_sh.at[didx_v.at[j]],
                                 ssems[b], add=True)
                if with_cnt:
                    @pl.when((cid == b % 2) & (i > 0))
                    def _():
                        ones_wait()

                    @pl.when(cid == b % 2)
                    def _():
                        pltpu.async_copy(ones_v, cnt_sh.at[didx_v.at[j]],
                                         osem, add=True)
                if b < 2:
                    @pl.when(i > 0)
                    def _():
                        scatter_wait(nb)
                else:
                    scatter_wait(nb)
                gather_start(nb, jnp.where(j + 2 < _NCH, j + 2, b))
            return 0
        lax.fori_loop(0, _NCH // 4, edge_quad, 0)

        gather_wait(0)
        gather_wait(1)
        scatter_wait(2)
        scatter_wait(3)
        if with_cnt:
            ones_wait()
            ones_wait()

        plsc.subcore_barrier()

        off = sid * _RPS
        pltpu.sync_copy(agg_sh.at[pl.ds(off, _RPS)],
                        agg_hbm.at[cid, pl.ds(off, _RPS)])
        if with_cnt:
            pltpu.sync_copy(cnt_sh.at[pl.ds(off, _RPS)],
                            cnt_hbm.at[cid, pl.ds(off, _RPS)])

    out = agg_kernel(x0, x1, src2d, dst2d)
    return out if with_cnt else out[0]


def _dense_xr(xcat, Wr, b):
    bn = 1000
    dims = (((1,), (1,)), ((), ()))

    def body(x_ref, wr_ref, b_ref, o_ref):
        acc = b_ref[...]
        for c in range(_NC):
            cols = pl.ds(c * _DH, _DH)
            acc = acc + lax.dot_general(x_ref[c], wr_ref[:, cols],
                                        dims, preferred_element_type=jnp.float32)
        o_ref[...] = acc

    return pl.pallas_call(
        body,
        grid=(_N // bn,),
        in_specs=[
            pl.BlockSpec((_NC, bn, _DH), lambda i: (0, i, 0)),
            pl.BlockSpec((_D, _D), lambda i: (0, 0)),
            pl.BlockSpec((1, _D), lambda i: (0, 0)),
        ],
        out_specs=pl.BlockSpec((bn, _D), lambda i: (i, 0)),
        out_shape=jax.ShapeDtypeStruct((_N, _D), jnp.float32),
    )(xcat, Wr, b)


def _dense_combine(agg, cnt, xr, Wl, relu, split_out):
    bn = 1000
    dims = (((1,), (1,)), ((), ()))

    def body(agg_ref, cnt_ref, xr_ref, wl_ref, o_ref):
        cnt = cnt_ref[0, :, 0:1] + cnt_ref[1, :, 0:1]
        inv = 1.0 / jnp.maximum(cnt, 1.0)
        acc = xr_ref[...]
        for c in range(_NC):
            cols = pl.ds(c * _DH, _DH)
            acc = acc + lax.dot_general(agg_ref[c] * inv, wl_ref[:, cols],
                                        dims, preferred_element_type=jnp.float32)
        if relu:
            acc = jnp.maximum(acc, 0.0)
        if split_out:
            o_ref[0] = acc[:, : _DH]
            o_ref[1] = acc[:, _DH:]
        else:
            o_ref[...] = acc

    if split_out:
        out_shape = jax.ShapeDtypeStruct((_NC, _N, _DH), jnp.float32)
        out_specs = pl.BlockSpec((_NC, bn, _DH), lambda i: (0, i, 0))
    else:
        out_shape = jax.ShapeDtypeStruct((_N, _D), jnp.float32)
        out_specs = pl.BlockSpec((bn, _D), lambda i: (i, 0))

    return pl.pallas_call(
        body,
        grid=(_N // bn,),
        in_specs=[
            pl.BlockSpec((_NC, bn, _DH), lambda i: (0, i, 0)),
            pl.BlockSpec((_NC, bn, _CW), lambda i: (0, i, 0)),
            pl.BlockSpec((bn, _D), lambda i: (i, 0)),
            pl.BlockSpec((_D, _D), lambda i: (0, 0)),
        ],
        out_specs=out_specs,
        out_shape=out_shape,
    )(agg, cnt, xr, Wl)


def kernel(x, edge_index, W1l, b1l, W1r, W2l, b2l, W2r):
    x = x.astype(jnp.float32)
    src = edge_index[0].astype(jnp.int32).reshape(_E // _CH, _CH)
    dst = edge_index[1].astype(jnp.int32).reshape(_E // _CH, _CH)
    xcat = jnp.transpose(x.reshape(_N, _NC, _DH), (1, 0, 2))
    agg1, cnt = _sc_aggregate(xcat[0], xcat[1], src, dst, with_cnt=True)
    xr1 = _dense_xr(xcat, W1r, b1l.reshape(1, _D))
    hcat = _dense_combine(agg1, cnt, xr1, W1l, relu=True, split_out=True)
    agg2 = _sc_aggregate(hcat[0], hcat[1], src, dst, with_cnt=False)
    xr2 = _dense_xr(hcat, W2r, b2l.reshape(1, _D))
    out = _dense_combine(agg2, cnt, xr2, W2l, relu=False, split_out=False)
    return out

# --- scband reference (transcript-rebuilt; emitter-appended) ---
"""Pipeline reference for scband-graph-sage-12558484373614 (READ-ONLY COPY).

The authoritative reference and input builder live on the scoring server;
editing this copy changes nothing except your own understanding.
"""

import jax, jax.numpy as jnp
import numpy as np

N_NODES = 10000
N_EDGES = 320000
D_IN = 128
D_HID = 128


def setup_inputs(seed: int = 0) -> dict:
    key = jax.random.key(seed)
    ks = jax.random.split(key, 8)
    x = jax.random.normal(ks[0], (N_NODES, D_IN), dtype=jnp.float32)
    edge_index = jax.random.randint(ks[1], (2, N_EDGES), 0, N_NODES, dtype=jnp.int64)
    s1 = 1.0 / np.sqrt(D_IN)
    s2 = 1.0 / np.sqrt(D_HID)
    W1l = jax.random.uniform(ks[2], (D_HID, D_IN), jnp.float32, -s1, s1)
    b1l = jax.random.uniform(ks[3], (D_HID,), jnp.float32, -s1, s1)
    W1r = jax.random.uniform(ks[4], (D_HID, D_IN), jnp.float32, -s1, s1)
    W2l = jax.random.uniform(ks[5], (D_HID, D_HID), jnp.float32, -s2, s2)
    b2l = jax.random.uniform(ks[6], (D_HID,), jnp.float32, -s2, s2)
    W2r = jax.random.uniform(ks[7], (D_HID, D_HID), jnp.float32, -s2, s2)
    return {"x": x, "edge_index": edge_index, "W1l": W1l, "b1l": b1l, "W1r": W1r,
            "W2l": W2l, "b2l": b2l, "W2r": W2r}


def _sage_conv(x, edge_index, Wl, bl, Wr):
    # PyG SAGEConv with mean aggregation:
    #   out = lin_l(mean_{j in N(i)} x_j) + lin_r(x_i)
    src = edge_index[0]
    dst = edge_index[1]
    msgs = jnp.take(x, src, axis=0)                       # gather (SparseCore)
    agg = jax.ops.segment_sum(msgs, dst, num_segments=N_NODES)   # scatter-add
    cnt = jax.ops.segment_sum(jnp.ones((msgs.shape[0],), dtype=x.dtype), dst,
                              num_segments=N_NODES)
    mean = agg / jnp.clip(cnt, 1.0)[:, None]
    return mean @ Wl.T + bl + x @ Wr.T


def reference(x, edge_index, W1l, b1l, W1r, W2l, b2l, W2r):
    x = x.astype(jnp.float32)
    h = jax.nn.relu(_sage_conv(x, edge_index, W1l, b1l, W1r))
    # dropout is identity in eval mode (training=False)
    out = _sage_conv(h, edge_index, W2l, b2l, W2r)
    return out

if __name__ == "__main__":
    import jax
    _d = setup_inputs()
    print(jax.jit(kernel)(*tuple(_d.values())))

</pallas_src>

<mosaic_0001>
#map = affine_map<(d0, d1) -> (0, 0)>
#map1 = affine_map<(d0, d1) -> (0, 0, 0)>
module attributes {stable_mosaic.version = 14 : i64} {
  func.func @agg_kernel(%arg0: i32, %arg1: i32, %arg2: memref<10000x64xf32, #tpu.memory_space<hbm>>, %arg3: memref<10000x64xf32, #tpu.memory_space<hbm>>, %arg4: memref<2560x125xi32, #tpu.memory_space<hbm>>, %arg5: memref<2560x125xi32, #tpu.memory_space<hbm>>, %arg6: memref<2x10240x64xf32, #tpu.memory_space<hbm>>, %arg7: memref<2x10240x16xf32, #tpu.memory_space<hbm>>, %arg8: memref<160x125xi32, #tpu.memory_space<vmem>>, %arg9: memref<160x125xi32, #tpu.memory_space<vmem>>, %arg10: memref<4x125x64xf32, #tpu.memory_space<vmem>>, %arg11: memref<125x16xf32, #tpu.memory_space<vmem>>, %arg12: memref<10240x64xf32, #tpu.memory_space<vmem_shared>>, %arg13: memref<10240x16xf32, #tpu.memory_space<vmem_shared>>, %arg14: memref<!tpu.dma_semaphore, #tpu.memory_space<semaphore_mem>>, %arg15: memref<!tpu.dma_semaphore, #tpu.memory_space<semaphore_mem>>, %arg16: memref<!tpu.dma_semaphore, #tpu.memory_space<semaphore_mem>>, %arg17: memref<!tpu.dma_semaphore, #tpu.memory_space<semaphore_mem>>, %arg18: memref<!tpu.dma_semaphore, #tpu.memory_space<semaphore_mem>>, %arg19: memref<!tpu.dma_semaphore, #tpu.memory_space<semaphore_mem>>, %arg20: memref<!tpu.dma_semaphore, #tpu.memory_space<semaphore_mem>>, %arg21: memref<!tpu.dma_semaphore, #tpu.memory_space<semaphore_mem>>, %arg22: memref<!tpu.dma_semaphore, #tpu.memory_space<semaphore_mem>>) attributes {dimension_semantics = [#tpu.dimension_semantics<core_parallel>, #tpu.dimension_semantics<subcore_parallel>], iteration_bounds = array<i64: 2, 16>, scalar_prefetch = 0 : i64, scratch_operands = 15 : i64, tpu.core_type = #tpu.core_type<sc_vector_subcore>, window_params = [{transform_indices = #map}, {transform_indices = #map}, {transform_indices = #map}, {transform_indices = #map}, {transform_indices = #map1}, {transform_indices = #map1}]} {
    %mul3A = arith.constant 160 : i32
    %mul3A_0 = arith.muli %arg1, %mul3A : i32
    "tpu.region"() ({
      %run_scoped3A_149 = tpu.sem_alloc : memref<!tpu.dma_semaphore, #tpu.memory_space<semaphore_mem>>
      %dma_start3A = arith.constant 0 : i32
      %dma_start3A_150 = tpu.memref_slice %arg4[%mul3A_0, %dma_start3A] : memref<2560x125xi32, #tpu.memory_space<hbm>> -> memref<160x125xi32, #tpu.memory_space<hbm>>
      %dma_start3A_151 = arith.constant 0 : i32
      %dma_start3A_152 = tpu.memref_slice %arg4[%mul3A_0, %dma_start3A_151] : memref<2560x125xi32, #tpu.memory_space<hbm>> -> memref<160x125xi32, #tpu.memory_space<hbm>>
      tpu.enqueue_dma source(%dma_start3A_152 : memref<160x125xi32, #tpu.memory_space<hbm>>) target(%arg8 : memref<160x125xi32, #tpu.memory_space<vmem>>) target_semaphore(%run_scoped3A_149 : memref<!tpu.dma_semaphore, #tpu.memory_space<semaphore_mem>>)
      %dma_wait3A_153 = arith.constant 0 : i32
      %dma_wait3A_154 = tpu.memref_slice %arg4[%mul3A_0, %dma_wait3A_153] : memref<2560x125xi32, #tpu.memory_space<hbm>> -> memref<160x125xi32, #tpu.memory_space<hbm>>
      %dma_wait3A_155 = arith.constant 0 : i32
      %dma_wait3A_156 = tpu.memref_slice %arg4[%mul3A_0, %dma_wait3A_155] : memref<2560x125xi32, #tpu.memory_space<hbm>> -> memref<160x125xi32, #tpu.memory_space<hbm>>
      tpu.wait_dma2 semaphore(%run_scoped3A_149 : memref<!tpu.dma_semaphore, #tpu.memory_space<semaphore_mem>>) src(%dma_wait3A_156 : memref<160x125xi32, #tpu.memory_space<hbm>>) dst(%arg8 : memref<160x125xi32, #tpu.memory_space<vmem>>)
      tpu.yield
    }) : () -> ()
    %mul3A_1 = arith.constant 160 : i32
    %mul3A_2 = arith.muli %arg1, %mul3A_1 : i32
    "tpu.region"() ({
      %run_scoped3A_149 = tpu.sem_alloc : memref<!tpu.dma_semaphore, #tpu.memory_space<semaphore_mem>>
      %dma_start3A = arith.constant 0 : i32
      %dma_start3A_150 = tpu.memref_slice %arg5[%mul3A_2, %dma_start3A] : memref<2560x125xi32, #tpu.memory_space<hbm>> -> memref<160x125xi32, #tpu.memory_space<hbm>>
      %dma_start3A_151 = arith.constant 0 : i32
      %dma_start3A_152 = tpu.memref_slice %arg5[%mul3A_2, %dma_start3A_151] : memref<2560x125xi32, #tpu.memory_space<hbm>> -> memref<160x125xi32, #tpu.memory_space<hbm>>
      tpu.enqueue_dma source(%dma_start3A_152 : memref<160x125xi32, #tpu.memory_space<hbm>>) target(%arg9 : memref<160x125xi32, #tpu.memory_space<vmem>>) target_semaphore(%run_scoped3A_149 : memref<!tpu.dma_semaphore, #tpu.memory_space<semaphore_mem>>)
      %dma_wait3A_153 = arith.constant 0 : i32
      %dma_wait3A_154 = tpu.memref_slice %arg5[%mul3A_2, %dma_wait3A_153] : memref<2560x125xi32, #tpu.memory_space<hbm>> -> memref<160x125xi32, #tpu.memory_space<hbm>>
      %dma_wait3A_155 = arith.constant 0 : i32
      %dma_wait3A_156 = tpu.memref_slice %arg5[%mul3A_2, %dma_wait3A_155] : memref<2560x125xi32, #tpu.memory_space<hbm>> -> memref<160x125xi32, #tpu.memory_space<hbm>>
      tpu.wait_dma2 semaphore(%run_scoped3A_149 : memref<!tpu.dma_semaphore, #tpu.memory_space<semaphore_mem>>) src(%dma_wait3A_156 : memref<160x125xi32, #tpu.memory_space<hbm>>) dst(%arg9 : memref<160x125xi32, #tpu.memory_space<vmem>>)
      tpu.yield
    }) : () -> ()
    %scan3A = arith.constant 0 : i32
    %scan3A_3 = arith.constant 0 : i32
    %scan3A_4 = arith.constant 125 : i32
    %scan3A_5 = arith.addi %scan3A_3, %scan3A_4 : i32
    %scan3A_6 = arith.constant 1 : i32
    %scan3A_7 = scf.for %scan3A_149 = %scan3A_3 to %scan3A_5 step %scan3A_6 iter_args(%scan3A_150 = %scan3A) -> (i32)  : i32 {
      %broadcast_in_dim3A = arith.constant 0.000000e+00 : f32
      %broadcast_in_dim3A_151 = vector.broadcast %broadcast_in_dim3A : f32 to vector<16xf32>
      %swap3A = arith.constant 0 : i32
      %swap3A_152 = arith.index_cast %swap3A : i32 to index
      %swap3A_153 = arith.index_cast %scan3A_149 : i32 to index
      %swap3A_154 = arith.constant 0 : index
      %swap3A_155 = tpu.vector_load %arg10[%swap3A_152, %swap3A_153, %swap3A_154] {strides = array<i32>} : memref<4x125x64xf32, #tpu.memory_space<vmem>>, vector<1x1x16xf32>,
      %swap3A_156 = vector.shape_cast %swap3A_155 : vector<1x1x16xf32> to vector<16xf32>
      %swap3A_157 = vector.shape_cast %broadcast_in_dim3A_151 : vector<16xf32> to vector<1x1x16xf32>
      tpu.vector_store %arg10[%swap3A_152, %swap3A_153, %swap3A_154], %swap3A_157 {strides = array<i32>} : memref<4x125x64xf32, #tpu.memory_space<vmem>>, vector<1x1x16xf32>,
      %broadcast_in_dim3A_158 = arith.constant 0.000000e+00 : f32
      %broadcast_in_dim3A_159 = vector.broadcast %broadcast_in_dim3A_158 : f32 to vector<16xf32>
      %swap3A_160 = arith.constant 0 : i32
      %swap3A_161 = arith.index_cast %swap3A_160 : i32 to index
      %swap3A_162 = arith.index_cast %scan3A_149 : i32 to index
      %swap3A_163 = arith.constant 16 : index
      %swap3A_164 = tpu.vector_load %arg10[%swap3A_161, %swap3A_162, %swap3A_163] {strides = array<i32>} : memref<4x125x64xf32, #tpu.memory_space<vmem>>, vector<1x1x16xf32>,
      %swap3A_165 = vector.shape_cast %swap3A_164 : vector<1x1x16xf32> to vector<16xf32>
      %swap3A_166 = vector.shape_cast %broadcast_in_dim3A_159 : vector<16xf32> to vector<1x1x16xf32>
      tpu.vector_store %arg10[%swap3A_161, %swap3A_162, %swap3A_163], %swap3A_166 {strides = array<i32>} : memref<4x125x64xf32, #tpu.memory_space<vmem>>, vector<1x1x16xf32>,
      %broadcast_in_dim3A_167 = arith.constant 0.000000e+00 : f32
      %broadcast_in_dim3A_168 = vector.broadcast %broadcast_in_dim3A_167 : f32 to vector<16xf32>
      %swap3A_169 = arith.constant 0 : i32
      %swap3A_170 = arith.index_cast %swap3A_169 : i32 to index
      %swap3A_171 = arith.index_cast %scan3A_149 : i32 to index
      %swap3A_172 = arith.constant 32 : index
      %swap3A_173 = tpu.vector_load %arg10[%swap3A_170, %swap3A_171, %swap3A_172] {strides = array<i32>} : memref<4x125x64xf32, #tpu.memory_space<vmem>>, vector<1x1x16xf32>,
      %swap3A_174 = vector.shape_cast %swap3A_173 : vector<1x1x16xf32> to vector<16xf32>
      %swap3A_175 = vector.shape_cast %broadcast_in_dim3A_168 : vector<16xf32> to vector<1x1x16xf32>
      tpu.vector_store %arg10[%swap3A_170, %swap3A_171, %swap3A_172], %swap3A_175 {strides = array<i32>} : memref<4x125x64xf32, #tpu.memory_space<vmem>>, vector<1x1x16xf32>,
      %broadcast_in_dim3A_176 = arith.constant 0.000000e+00 : f32
      %broadcast_in_dim3A_177 = vector.broadcast %broadcast_in_dim3A_176 : f32 to vector<16xf32>
      %swap3A_178 = arith.constant 0 : i32
      %swap3A_179 = arith.index_cast %swap3A_178 : i32 to index
      %swap3A_180 = arith.index_cast %scan3A_149 : i32 to index
      %swap3A_181 = arith.constant 48 : index
      %swap3A_182 = tpu.vector_load %arg10[%swap3A_179, %swap3A_180, %swap3A_181] {strides = array<i32>} : memref<4x125x64xf32, #tpu.memory_space<vmem>>, vector<1x1x16xf32>,
      %swap3A_183 = vector.shape_cast %swap3A_182 : vector<1x1x16xf32> to vector<16xf32>
      %swap3A_184 = vector.shape_cast %broadcast_in_dim3A_177 : vector<16xf32> to vector<1x1x16xf32>
      tpu.vector_store %arg10[%swap3A_179, %swap3A_180, %swap3A_181], %swap3A_184 {strides = array<i32>} : memref<4x125x64xf32, #tpu.memory_space<vmem>>, vector<1x1x16xf32>,
      %scan3A_185 = arith.constant 0 : i32
      scf.yield %scan3A_185 : i32
    }
    %scan3A_8 = arith.constant 125 : i32
    %scan3A_9 = arith.constant 0 : i32
    %scan3A_10 = arith.constant 0 : i32
    %scan3A_11 = arith.constant 125 : i32
    %scan3A_12 = arith.addi %scan3A_10, %scan3A_11 : i32
    %scan3A_13 = arith.constant 1 : i32
    %scan3A_14 = scf.for %scan3A_149 = %scan3A_10 to %scan3A_12 step %scan3A_13 iter_args(%scan3A_150 = %scan3A_9) -> (i32)  : i32 {
      %broadcast_in_dim3A = arith.constant 0.000000e+00 : f32
      %broadcast_in_dim3A_151 = vector.broadcast %broadcast_in_dim3A : f32 to vector<16xf32>
      %swap3A = arith.index_cast %scan3A_149 : i32 to index
      %swap3A_152 = arith.constant 0 : index
      %swap3A_153 = tpu.vector_load %arg11[%swap3A, %swap3A_152] {strides = array<i32>} : memref<125x16xf32, #tpu.memory_space<vmem>>, vector<1x16xf32>,
      %swap3A_154 = vector.shape_cast %swap3A_153 : vector<1x16xf32> to vector<16xf32>
      %swap3A_155 = vector.shape_cast %broadcast_in_dim3A_151 : vector<16xf32> to vector<1x16xf32>
      tpu.vector_store %arg11[%swap3A, %swap3A_152], %swap3A_155 {strides = array<i32>} : memref<125x16xf32, #tpu.memory_space<vmem>>, vector<1x16xf32>,
      %scan3A_156 = arith.constant 0 : i32
      scf.yield %scan3A_156 : i32
    }
    %scan3A_15 = arith.constant 125 : i32
    %mul3A_16 = arith.constant 640 : i32
    %mul3A_17 = arith.muli %arg1, %mul3A_16 : i32
    %add3A = arith.constant 0 : i32
    %add3A_18 = arith.addi %mul3A_17, %add3A : i32
    %run_scoped3A = arith.constant 0 : i32
    "tpu.region"() ({
      %run_scoped3A_149 = tpu.sem_alloc : memref<!tpu.dma_semaphore, #tpu.memory_space<semaphore_mem>>
      %dma_start3A = arith.constant 0 : i32
      %dma_start3A_150 = arith.constant 0 : i32
      %dma_start3A_151 = tpu.memref_slice %arg10[%run_scoped3A, %dma_start3A, %dma_start3A_150] : memref<4x125x64xf32, #tpu.memory_space<vmem>> -> memref<1x120x64xf32, #tpu.memory_space<vmem>>
      %dma_start3A_152 = tpu.memref_squeeze %dma_start3A_151 : memref<1x120x64xf32, #tpu.memory_space<vmem>> -> memref<120x64xf32, #tpu.memory_space<vmem>>
      %dma_start3A_153 = arith.constant 0 : i32
      %dma_start3A_154 = tpu.memref_slice %arg12[%add3A_18, %dma_start3A_153] : memref<10240x64xf32, #tpu.memory_space<vmem_shared>> -> memref<120x64xf32, #tpu.memory_space<vmem_shared>>
      %dma_start3A_155 = arith.constant 0 : i32
      %dma_start3A_156 = tpu.memref_slice %arg12[%add3A_18, %dma_start3A_155] : memref<10240x64xf32, #tpu.memory_space<vmem_shared>> -> memref<120x64xf32, #tpu.memory_space<vmem_shared>>
      %dma_start3A_157 = arith.constant 0 : i32
      %dma_start3A_158 = arith.constant 0 : i32
      %dma_start3A_159 = tpu.memref_slice %arg10[%run_scoped3A, %dma_start3A_157, %dma_start3A_158] : memref<4x125x64xf32, #tpu.memory_space<vmem>> -> memref<1x120x64xf32, #tpu.memory_space<vmem>>
      %dma_start3A_160 = tpu.memref_squeeze %dma_start3A_159 : memref<1x120x64xf32, #tpu.memory_space<vmem>> -> memref<120x64xf32, #tpu.memory_space<vmem>>
      tpu.enqueue_dma source(%dma_start3A_160 : memref<120x64xf32, #tpu.memory_space<vmem>>) target(%dma_start3A_156 : memref<120x64xf32, #tpu.memory_space<vmem_shared>>) target_semaphore(%run_scoped3A_149 : memref<!tpu.dma_semaphore, #tpu.memory_space<semaphore_mem>>)
      %dma_wait3A_161 = arith.constant 0 : i32
      %dma_wait3A_162 = arith.constant 0 : i32
      %dma_wait3A_163 = tpu.memref_slice %arg10[%run_scoped3A, %dma_wait3A_161, %dma_wait3A_162] : memref<4x125x64xf32, #tpu.memory_space<vmem>> -> memref<1x120x64xf32, #tpu.memory_space<vmem>>
      %dma_wait3A_164 = tpu.memref_squeeze %dma_wait3A_163 : memref<1x120x64xf32, #tpu.memory_space<vmem>> -> memref<120x64xf32, #tpu.memory_space<vmem>>
      %dma_wait3A_165 = arith.constant 0 : i32
      %dma_wait3A_166 = tpu.memref_slice %arg12[%add3A_18, %dma_wait3A_165] : memref<10240x64xf32, #tpu.memory_space<vmem_shared>> -> memref<120x64xf32, #tpu.memory_space<vmem_shared>>
      %dma_wait3A_167 = arith.constant 0 : i32
      %dma_wait3A_168 = tpu.memref_slice %arg12[%add3A_18, %dma_wait3A_167] : memref<10240x64xf32, #tpu.memory_space<vmem_shared>> -> memref<120x64xf32, #tpu.memory_space<vmem_shared>>
      %dma_wait3A_169 = arith.constant 0 : i32
      %dma_wait3A_170 = arith.constant 0 : i32
      %dma_wait3A_171 = tpu.memref_slice %arg10[%run_scoped3A, %dma_wait3A_169, %dma_wait3A_170] : memref<4x125x64xf32, #tpu.memory_space<vmem>> -> memref<1x120x64xf32, #tpu.memory_space<vmem>>
      %dma_wait3A_172 = tpu.memref_squeeze %dma_wait3A_171 : memref<1x120x64xf32, #tpu.memory_space<vmem>> -> memref<120x64xf32, #tpu.memory_space<vmem>>
      tpu.wait_dma2 semaphore(%run_scoped3A_149 : memref<!tpu.dma_semaphore, #tpu.memory_space<semaphore_mem>>) src(%dma_wait3A_172 : memref<120x64xf32, #tpu.memory_space<vmem>>) dst(%dma_wait3A_168 : memref<120x64xf32, #tpu.memory_space<vmem_shared>>)
      tpu.yield
    }) : () -> ()
    "tpu.region"() ({
      %run_scoped3A_149 = tpu.sem_alloc : memref<!tpu.dma_semaphore, #tpu.memory_space<semaphore_mem>>
      %dma_start3A = arith.constant 0 : i32
      %dma_start3A_150 = arith.constant 0 : i32
      %dma_start3A_151 = tpu.memref_slice %arg11[%dma_start3A, %dma_start3A_150] : memref<125x16xf32, #tpu.memory_space<vmem>> -> memref<120x16xf32, #tpu.memory_space<vmem>>
      %dma_start3A_152 = arith.constant 0 : i32
      %dma_start3A_153 = tpu.memref_slice %arg13[%add3A_18, %dma_start3A_152] : memref<10240x16xf32, #tpu.memory_space<vmem_shared>> -> memref<120x16xf32, #tpu.memory_space<vmem_shared>>
      %dma_start3A_154 = arith.constant 0 : i32
      %dma_start3A_155 = tpu.memref_slice %arg13[%add3A_18, %dma_start3A_154] : memref<10240x16xf32, #tpu.memory_space<vmem_shared>> -> memref<120x16xf32, #tpu.memory_space<vmem_shared>>
      %dma_start3A_156 = arith.constant 0 : i32
      %dma_start3A_157 = arith.constant 0 : i32
      %dma_start3A_158 = tpu.memref_slice %arg11[%dma_start3A_156, %dma_start3A_157] : memref<125x16xf32, #tpu.memory_space<vmem>> -> memref<120x16xf32, #tpu.memory_space<vmem>>
      tpu.enqueue_dma source(%dma_start3A_158 : memref<120x16xf32, #tpu.memory_space<vmem>>) target(%dma_start3A_155 : memref<120x16xf32, #tpu.memory_space<vmem_shared>>) target_semaphore(%run_scoped3A_149 : memref<!tpu.dma_semaphore, #tpu.memory_space<semaphore_mem>>)
      %dma_wait3A_159 = arith.constant 0 : i32
      %dma_wait3A_160 = arith.constant 0 : i32
      %dma_wait3A_161 = tpu.memref_slice %arg11[%dma_wait3A_159, %dma_wait3A_160] : memref<125x16xf32, #tpu.memory_space<vmem>> -> memref<120x16xf32, #tpu.memory_space<vmem>>
      %dma_wait3A_162 = arith.constant 0 : i32
      %dma_wait3A_163 = tpu.memref_slice %arg13[%add3A_18, %dma_wait3A_162] : memref<10240x16xf32, #tpu.memory_space<vmem_shared>> -> memref<120x16xf32, #tpu.memory_space<vmem_shared>>
      %dma_wait3A_164 = arith.constant 0 : i32
      %dma_wait3A_165 = tpu.memref_slice %arg13[%add3A_18, %dma_wait3A_164] : memref<10240x16xf32, #tpu.memory_space<vmem_shared>> -> memref<120x16xf32, #tpu.memory_space<vmem_shared>>
      %dma_wait3A_166 = arith.constant 0 : i32
      %dma_wait3A_167 = arith.constant 0 : i32
      %dma_wait3A_168 = tpu.memref_slice %arg11[%dma_wait3A_166, %dma_wait3A_167] : memref<125x16xf32, #tpu.memory_space<vmem>> -> memref<120x16xf32, #tpu.memory_space<vmem>>
      tpu.wait_dma2 semaphore(%run_scoped3A_149 : memref<!tpu.dma_semaphore, #tpu.memory_space<semaphore_mem>>) src(%dma_wait3A_168 : memref<120x16xf32, #tpu.memory_space<vmem>>) dst(%dma_wait3A_165 : memref<120x16xf32, #tpu.memory_space<vmem_shared>>)
      tpu.yield
    }) : () -> ()
    %mul3A_19 = arith.constant 640 : i32
    %mul3A_20 = arith.muli %arg1, %mul3A_19 : i32
    %add3A_21 = arith.constant 120 : i32
    %add3A_22 = arith.addi %mul3A_20, %add3A_21 : i32
    %run_scoped3A_23 = arith.constant 0 : i32
    "tpu.region"() ({
      %run_scoped3A_149 = tpu.sem_alloc : memref<!tpu.dma_semaphore, #tpu.memory_space<semaphore_mem>>
      %dma_start3A = arith.constant 0 : i32
      %dma_start3A_150 = arith.constant 0 : i32
      %dma_start3A_151 = tpu.memref_slice %arg10[%run_scoped3A_23, %dma_start3A, %dma_start3A_150] : memref<4x125x64xf32, #tpu.memory_space<vmem>> -> memref<1x120x64xf32, #tpu.memory_space<vmem>>
      %dma_start3A_152 = tpu.memref_squeeze %dma_start3A_151 : memref<1x120x64xf32, #tpu.memory_space<vmem>> -> memref<120x64xf32, #tpu.memory_space<vmem>>
      %dma_start3A_153 = arith.constant 0 : i32
      %dma_start3A_154 = tpu.memref_slice %arg12[%add3A_22, %dma_start3A_153] : memref<10240x64xf32, #tpu.memory_space<vmem_shared>> -> memref<120x64xf32, #tpu.memory_space<vmem_shared>>
      %dma_start3A_155 = arith.constant 0 : i32
      %dma_start3A_156 = tpu.memref_slice %arg12[%add3A_22, %dma_start3A_155] : memref<10240x64xf32, #tpu.memory_space<vmem_shared>> -> memref<120x64xf32, #tpu.memory_space<vmem_shared>>
      %dma_start3A_157 = arith.constant 0 : i32
      %dma_start3A_158 = arith.constant 0 : i32
      %dma_start3A_159 = tpu.memref_slice %arg10[%run_scoped3A_23, %dma_start3A_157, %dma_start3A_158] : memref<4x125x64xf32, #tpu.memory_space<vmem>> -> memref<1x120x64xf32, #tpu.memory_space<vmem>>
      %dma_start3A_160 = tpu.memref_squeeze %dma_start3A_159 : memref<1x120x64xf32, #tpu.memory_space<vmem>> -> memref<120x64xf32, #tpu.memory_space<vmem>>
      tpu.enqueue_dma source(%dma_start3A_160 : memref<120x64xf32, #tpu.memory_space<vmem>>) target(%dma_start3A_156 : memref<120x64xf32, #tpu.memory_space<vmem_shared>>) target_semaphore(%run_scoped3A_149 : memref<!tpu.dma_semaphore, #tpu.memory_space<semaphore_mem>>)
      %dma_wait3A_161 = arith.constant 0 : i32
      %dma_wait3A_162 = arith.constant 0 : i32
      %dma_wait3A_163 = tpu.memref_slice %arg10[%run_scoped3A_23, %dma_wait3A_161, %dma_wait3A_162] : memref<4x125x64xf32, #tpu.memory_space<vmem>> -> memref<1x120x64xf32, #tpu.memory_space<vmem>>
      %dma_wait3A_164 = tpu.memref_squeeze %dma_wait3A_163 : memref<1x120x64xf32, #tpu.memory_space<vmem>> -> memref<120x64xf32, #tpu.memory_space<vmem>>
      %dma_wait3A_165 = arith.constant 0 : i32
      %dma_wait3A_166 = tpu.memref_slice %arg12[%add3A_22, %dma_wait3A_165] : memref<10240x64xf32, #tpu.memory_space<vmem_shared>> -> memref<120x64xf32, #tpu.memory_space<vmem_shared>>
      %dma_wait3A_167 = arith.constant 0 : i32
      %dma_wait3A_168 = tpu.memref_slice %arg12[%add3A_22, %dma_wait3A_167] : memref<10240x64xf32, #tpu.memory_space<vmem_shared>> -> memref<120x64xf32, #tpu.memory_space<vmem_shared>>
      %dma_wait3A_169 = arith.constant 0 : i32
      %dma_wait3A_170 = arith.constant 0 : i32
      %dma_wait3A_171 = tpu.memref_slice %arg10[%run_scoped3A_23, %dma_wait3A_169, %dma_wait3A_170] : memref<4x125x64xf32, #tpu.memory_space<vmem>> -> memref<1x120x64xf32, #tpu.memory_space<vmem>>
      %dma_wait3A_172 = tpu.memref_squeeze %dma_wait3A_171 : memref<1x120x64xf32, #tpu.memory_space<vmem>> -> memref<120x64xf32, #tpu.memory_space<vmem>>
      tpu.wait_dma2 semaphore(%run_scoped3A_149 : memref<!tpu.dma_semaphore, #tpu.memory_space<semaphore_mem>>) src(%dma_wait3A_172 : memref<120x64xf32, #tpu.memory_space<vmem>>) dst(%dma_wait3A_168 : memref<120x64xf32, #tpu.memory_space<vmem_shared>>)
      tpu.yield
    }) : () -> ()
    "tpu.region"() ({
      %run_scoped3A_149 = tpu.sem_alloc : memref<!tpu.dma_semaphore, #tpu.memory_space<semaphore_mem>>
      %dma_start3A = arith.constant 0 : i32
      %dma_start3A_150 = arith.constant 0 : i32
      %dma_start3A_151 = tpu.memref_slice %arg11[%dma_start3A, %dma_start3A_150] : memref<125x16xf32, #tpu.memory_space<vmem>> -> memref<120x16xf32, #tpu.memory_space<vmem>>
      %dma_start3A_152 = arith.constant 0 : i32
      %dma_start3A_153 = tpu.memref_slice %arg13[%add3A_22, %dma_start3A_152] : memref<10240x16xf32, #tpu.memory_space<vmem_shared>> -> memref<120x16xf32, #tpu.memory_space<vmem_shared>>
      %dma_start3A_154 = arith.constant 0 : i32
      %dma_start3A_155 = tpu.memref_slice %arg13[%add3A_22, %dma_start3A_154] : memref<10240x16xf32, #tpu.memory_space<vmem_shared>> -> memref<120x16xf32, #tpu.memory_space<vmem_shared>>
      %dma_start3A_156 = arith.constant 0 : i32
      %dma_start3A_157 = arith.constant 0 : i32
      %dma_start3A_158 = tpu.memref_slice %arg11[%dma_start3A_156, %dma_start3A_157] : memref<125x16xf32, #tpu.memory_space<vmem>> -> memref<120x16xf32, #tpu.memory_space<vmem>>
      tpu.enqueue_dma source(%dma_start3A_158 : memref<120x16xf32, #tpu.memory_space<vmem>>) target(%dma_start3A_155 : memref<120x16xf32, #tpu.memory_space<vmem_shared>>) target_semaphore(%run_scoped3A_149 : memref<!tpu.dma_semaphore, #tpu.memory_space<semaphore_mem>>)
      %dma_wait3A_159 = arith.constant 0 : i32
      %dma_wait3A_160 = arith.constant 0 : i32
      %dma_wait3A_161 = tpu.memref_slice %arg11[%dma_wait3A_159, %dma_wait3A_160] : memref<125x16xf32, #tpu.memory_space<vmem>> -> memref<120x16xf32, #tpu.memory_space<vmem>>
      %dma_wait3A_162 = arith.constant 0 : i32
      %dma_wait3A_163 = tpu.memref_slice %arg13[%add3A_22, %dma_wait3A_162] : memref<10240x16xf32, #tpu.memory_space<vmem_shared>> -> memref<120x16xf32, #tpu.memory_space<vmem_shared>>
      %dma_wait3A_164 = arith.constant 0 : i32
      %dma_wait3A_165 = tpu.memref_slice %arg13[%add3A_22, %dma_wait3A_164] : memref<10240x16xf32, #tpu.memory_space<vmem_shared>> -> memref<120x16xf32, #tpu.memory_space<vmem_shared>>
      %dma_wait3A_166 = arith.constant 0 : i32
      %dma_wait3A_167 = arith.constant 0 : i32
      %dma_wait3A_168 = tpu.memref_slice %arg11[%dma_wait3A_166, %dma_wait3A_167] : memref<125x16xf32, #tpu.memory_space<vmem>> -> memref<120x16xf32, #tpu.memory_space<vmem>>
      tpu.wait_dma2 semaphore(%run_scoped3A_149 : memref<!tpu.dma_semaphore, #tpu.memory_space<semaphore_mem>>) src(%dma_wait3A_168 : memref<120x16xf32, #tpu.memory_space<vmem>>) dst(%dma_wait3A_165 : memref<120x16xf32, #tpu.memory_space<vmem_shared>>)
      tpu.yield
    }) : () -> ()
    %mul3A_24 = arith.constant 640 : i32
    %mul3A_25 = arith.muli %arg1, %mul3A_24 : i32
    %add3A_26 = arith.constant 240 : i32
    %add3A_27 = arith.addi %mul3A_25, %add3A_26 : i32
    %run_scoped3A_28 = arith.constant 0 : i32
    "tpu.region"() ({
      %run_scoped3A_149 = tpu.sem_alloc : memref<!tpu.dma_semaphore, #tpu.memory_space<semaphore_mem>>
      %dma_start3A = arith.constant 0 : i32
      %dma_start3A_150 = arith.constant 0 : i32
      %dma_start3A_151 = tpu.memref_slice %arg10[%run_scoped3A_28, %dma_start3A, %dma_start3A_150] : memref<4x125x64xf32, #tpu.memory_space<vmem>> -> memref<1x120x64xf32, #tpu.memory_space<vmem>>
      %dma_start3A_152 = tpu.memref_squeeze %dma_start3A_151 : memref<1x120x64xf32, #tpu.memory_space<vmem>> -> memref<120x64xf32, #tpu.memory_space<vmem>>
      %dma_start3A_153 = arith.constant 0 : i32
      %dma_start3A_154 = tpu.memref_slice %arg12[%add3A_27, %dma_start3A_153] : memref<10240x64xf32, #tpu.memory_space<vmem_shared>> -> memref<120x64xf32, #tpu.memory_space<vmem_shared>>
      %dma_start3A_155 = arith.constant 0 : i32
      %dma_start3A_156 = tpu.memref_slice %arg12[%add3A_27, %dma_start3A_155] : memref<10240x64xf32, #tpu.memory_space<vmem_shared>> -> memref<120x64xf32, #tpu.memory_space<vmem_shared>>
      %dma_start3A_157 = arith.constant 0 : i32
      %dma_start3A_158 = arith.constant 0 : i32
      %dma_start3A_159 = tpu.memref_slice %arg10[%run_scoped3A_28, %dma_start3A_157, %dma_start3A_158] : memref<4x125x64xf32, #tpu.memory_space<vmem>> -> memref<1x120x64xf32, #tpu.memory_space<vmem>>
      %dma_start3A_160 = tpu.memref_squeeze %dma_start3A_159 : memref<1x120x64xf32, #tpu.memory_space<vmem>> -> memref<120x64xf32, #tpu.memory_space<vmem>>
      tpu.enqueue_dma source(%dma_start3A_160 : memref<120x64xf32, #tpu.memory_space<vmem>>) target(%dma_start3A_156 : memref<120x64xf32, #tpu.memory_space<vmem_shared>>) target_semaphore(%run_scoped3A_149 : memref<!tpu.dma_semaphore, #tpu.memory_space<semaphore_mem>>)
      %dma_wait3A_161 = arith.constant 0 : i32
      %dma_wait3A_162 = arith.constant 0 : i32
      %dma_wait3A_163 = tpu.memref_slice %arg10[%run_scoped3A_28, %dma_wait3A_161, %dma_wait3A_162] : memref<4x125x64xf32, #tpu.memory_space<vmem>> -> memref<1x120x64xf32, #tpu.memory_space<vmem>>
      %dma_wait3A_164 = tpu.memref_squeeze %dma_wait3A_163 : memref<1x120x64xf32, #tpu.memory_space<vmem>> -> memref<120x64xf32, #tpu.memory_space<vmem>>
      %dma_wait3A_165 = arith.constant 0 : i32
      %dma_wait3A_166 = tpu.memref_slice %arg12[%add3A_27, %dma_wait3A_165] : memref<10240x64xf32, #tpu.memory_space<vmem_shared>> -> memref<120x64xf32, #tpu.memory_space<vmem_shared>>
      %dma_wait3A_167 = arith.constant 0 : i32
      %dma_wait3A_168 = tpu.memref_slice %arg12[%add3A_27, %dma_wait3A_167] : memref<10240x64xf32, #tpu.memory_space<vmem_shared>> -> memref<120x64xf32, #tpu.memory_space<vmem_shared>>
      %dma_wait3A_169 = arith.constant 0 : i32
      %dma_wait3A_170 = arith.constant 0 : i32
      %dma_wait3A_171 = tpu.memref_slice %arg10[%run_scoped3A_28, %dma_wait3A_169, %dma_wait3A_170] : memref<4x125x64xf32, #tpu.memory_space<vmem>> -> memref<1x120x64xf32, #tpu.memory_space<vmem>>
      %dma_wait3A_172 = tpu.memref_squeeze %dma_wait3A_171 : memref<1x120x64xf32, #tpu.memory_space<vmem>> -> memref<120x64xf32, #tpu.memory_space<vmem>>
      tpu.wait_dma2 semaphore(%run_scoped3A_149 : memref<!tpu.dma_semaphore, #tpu.memory_space<semaphore_mem>>) src(%dma_wait3A_172 : memref<120x64xf32, #tpu.memory_space<vmem>>) dst(%dma_wait3A_168 : memref<120x64xf32, #tpu.memory_space<vmem_shared>>)
      tpu.yield
    }) : () -> ()
    "tpu.region"() ({
      %run_scoped3A_149 = tpu.sem_alloc : memref<!tpu.dma_semaphore, #tpu.memory_space<semaphore_mem>>
      %dma_start3A = arith.constant 0 : i32
      %dma_start3A_150 = arith.constant 0 : i32
      %dma_start3A_151 = tpu.memref_slice %arg11[%dma_start3A, %dma_start3A_150] : memref<125x16xf32, #tpu.memory_space<vmem>> -> memref<120x16xf32, #tpu.memory_space<vmem>>
      %dma_start3A_152 = arith.constant 0 : i32
      %dma_start3A_153 = tpu.memref_slice %arg13[%add3A_27, %dma_start3A_152] : memref<10240x16xf32, #tpu.memory_space<vmem_shared>> -> memref<120x16xf32, #tpu.memory_space<vmem_shared>>
      %dma_start3A_154 = arith.constant 0 : i32
      %dma_start3A_155 = tpu.memref_slice %arg13[%add3A_27, %dma_start3A_154] : memref<10240x16xf32, #tpu.memory_space<vmem_shared>> -> memref<120x16xf32, #tpu.memory_space<vmem_shared>>
      %dma_start3A_156 = arith.constant 0 : i32
      %dma_start3A_157 = arith.constant 0 : i32
      %dma_start3A_158 = tpu.memref_slice %arg11[%dma_start3A_156, %dma_start3A_157] : memref<125x16xf32, #tpu.memory_space<vmem>> -> memref<120x16xf32, #tpu.memory_space<vmem>>
      tpu.enqueue_dma source(%dma_start3A_158 : memref<120x16xf32, #tpu.memory_space<vmem>>) target(%dma_start3A_155 : memref<120x16xf32, #tpu.memory_space<vmem_shared>>) target_semaphore(%run_scoped3A_149 : memref<!tpu.dma_semaphore, #tpu.memory_space<semaphore_mem>>)
      %dma_wait3A_159 = arith.constant 0 : i32
      %dma_wait3A_160 = arith.constant 0 : i32
      %dma_wait3A_161 = tpu.memref_slice %arg11[%dma_wait3A_159, %dma_wait3A_160] : memref<125x16xf32, #tpu.memory_space<vmem>> -> memref<120x16xf32, #tpu.memory_space<vmem>>
      %dma_wait3A_162 = arith.constant 0 : i32
      %dma_wait3A_163 = tpu.memref_slice %arg13[%add3A_27, %dma_wait3A_162] : memref<10240x16xf32, #tpu.memory_space<vmem_shared>> -> memref<120x16xf32, #tpu.memory_space<vmem_shared>>
      %dma_wait3A_164 = arith.constant 0 : i32
      %dma_wait3A_165 = tpu.memref_slice %arg13[%add3A_27, %dma_wait3A_164] : memref<10240x16xf32, #tpu.memory_space<vmem_shared>> -> memref<120x16xf32, #tpu.memory_space<vmem_shared>>
      %dma_wait3A_166 = arith.constant 0 : i32
      %dma_wait3A_167 = arith.constant 0 : i32
      %dma_wait3A_168 = tpu.memref_slice %arg11[%dma_wait3A_166, %dma_wait3A_167] : memref<125x16xf32, #tpu.memory_space<vmem>> -> memref<120x16xf32, #tpu.memory_space<vmem>>
      tpu.wait_dma2 semaphore(%run_scoped3A_149 : memref<!tpu.dma_semaphore, #tpu.memory_space<semaphore_mem>>) src(%dma_wait3A_168 : memref<120x16xf32, #tpu.memory_space<vmem>>) dst(%dma_wait3A_165 : memref<120x16xf32, #tpu.memory_space<vmem_shared>>)
      tpu.yield
    }) : () -> ()
    %mul3A_29 = arith.constant 640 : i32
    %mul3A_30 = arith.muli %arg1, %mul3A_29 : i32
    %add3A_31 = arith.constant 360 : i32
    %add3A_32 = arith.addi %mul3A_30, %add3A_31 : i32
    %run_scoped3A_33 = arith.constant 0 : i32
    "tpu.region"() ({
      %run_scoped3A_149 = tpu.sem_alloc : memref<!tpu.dma_semaphore, #tpu.memory_space<semaphore_mem>>
      %dma_start3A = arith.constant 0 : i32
      %dma_start3A_150 = arith.constant 0 : i32
      %dma_start3A_151 = tpu.memref_slice %arg10[%run_scoped3A_33, %dma_start3A, %dma_start3A_150] : memref<4x125x64xf32, #tpu.memory_space<vmem>> -> memref<1x120x64xf32, #tpu.memory_space<vmem>>
      %dma_start3A_152 = tpu.memref_squeeze %dma_start3A_151 : memref<1x120x64xf32, #tpu.memory_space<vmem>> -> memref<120x64xf32, #tpu.memory_space<vmem>>
      %dma_start3A_153 = arith.constant 0 : i32
      %dma_start3A_154 = tpu.memref_slice %arg12[%add3A_32, %dma_start3A_153] : memref<10240x64xf32, #tpu.memory_space<vmem_shared>> -> memref<120x64xf32, #tpu.memory_space<vmem_shared>>
      %dma_start3A_155 = arith.constant 0 : i32
      %dma_start3A_156 = tpu.memref_slice %arg12[%add3A_32, %dma_start3A_155] : memref<10240x64xf32, #tpu.memory_space<vmem_shared>> -> memref<120x64xf32, #tpu.memory_space<vmem_shared>>
      %dma_start3A_157 = arith.constant 0 : i32
      %dma_start3A_158 = arith.constant 0 : i32
      %dma_start3A_159 = tpu.memref_slice %arg10[%run_scoped3A_33, %dma_start3A_157, %dma_start3A_158] : memref<4x125x64xf32, #tpu.memory_space<vmem>> -> memref<1x120x64xf32, #tpu.memory_space<vmem>>
      %dma_start3A_160 = tpu.memref_squeeze %dma_start3A_159 : memref<1x120x64xf32, #tpu.memory_space<vmem>> -> memref<120x64xf32, #tpu.memory_space<vmem>>
      tpu.enqueue_dma source(%dma_start3A_160 : memref<120x64xf32, #tpu.memory_space<vmem>>) target(%dma_start3A_156 : memref<120x64xf32, #tpu.memory_space<vmem_shared>>) target_semaphore(%run_scoped3A_149 : memref<!tpu.dma_semaphore, #tpu.memory_space<semaphore_mem>>)
      %dma_wait3A_161 = arith.constant 0 : i32
      %dma_wait3A_162 = arith.constant 0 : i32
      %dma_wait3A_163 = tpu.memref_slice %arg10[%run_scoped3A_33, %dma_wait3A_161, %dma_wait3A_162] : memref<4x125x64xf32, #tpu.memory_space<vmem>> -> memref<1x120x64xf32, #tpu.memory_space<vmem>>
      %dma_wait3A_164 = tpu.memref_squeeze %dma_wait3A_163 : memref<1x120x64xf32, #tpu.memory_space<vmem>> -> memref<120x64xf32, #tpu.memory_space<vmem>>
      %dma_wait3A_165 = arith.constant 0 : i32
      %dma_wait3A_166 = tpu.memref_slice %arg12[%add3A_32, %dma_wait3A_165] : memref<10240x64xf32, #tpu.memory_space<vmem_shared>> -> memref<120x64xf32, #tpu.memory_space<vmem_shared>>
      %dma_wait3A_167 = arith.constant 0 : i32
      %dma_wait3A_168 = tpu.memref_slice %arg12[%add3A_32, %dma_wait3A_167] : memref<10240x64xf32, #tpu.memory_space<vmem_shared>> -> memref<120x64xf32, #tpu.memory_space<vmem_shared>>
      %dma_wait3A_169 = arith.constant 0 : i32
      %dma_wait3A_170 = arith.constant 0 : i32
      %dma_wait3A_171 = tpu.memref_slice %arg10[%run_scoped3A_33, %dma_wait3A_169, %dma_wait3A_170] : memref<4x125x64xf32, #tpu.memory_space<vmem>> -> memref<1x120x64xf32, #tpu.memory_space<vmem>>
      %dma_wait3A_172 = tpu.memref_squeeze %dma_wait3A_171 : memref<1x120x64xf32, #tpu.memory_space<vmem>> -> memref<120x64xf32, #tpu.memory_space<vmem>>
      tpu.wait_dma2 semaphore(%run_scoped3A_149 : memref<!tpu.dma_semaphore, #tpu.memory_space<semaphore_mem>>) src(%dma_wait3A_172 : memref<120x64xf32, #tpu.memory_space<vmem>>) dst(%dma_wait3A_168 : memref<120x64xf32, #tpu.memory_space<vmem_shared>>)
      tpu.yield
    }) : () -> ()
    "tpu.region"() ({
      %run_scoped3A_149 = tpu.sem_alloc : memref<!tpu.dma_semaphore, #tpu.memory_space<semaphore_mem>>
      %dma_start3A = arith.constant 0 : i32
      %dma_start3A_150 = arith.constant 0 : i32
      %dma_start3A_151 = tpu.memref_slice %arg11[%dma_start3A, %dma_start3A_150] : memref<125x16xf32, #tpu.memory_space<vmem>> -> memref<120x16xf32, #tpu.memory_space<vmem>>
      %dma_start3A_152 = arith.constant 0 : i32
      %dma_start3A_153 = tpu.memref_slice %arg13[%add3A_32, %dma_start3A_152] : memref<10240x16xf32, #tpu.memory_space<vmem_shared>> -> memref<120x16xf32, #tpu.memory_space<vmem_shared>>
      %dma_start3A_154 = arith.constant 0 : i32
      %dma_start3A_155 = tpu.memref_slice %arg13[%add3A_32, %dma_start3A_154] : memref<10240x16xf32, #tpu.memory_space<vmem_shared>> -> memref<120x16xf32, #tpu.memory_space<vmem_shared>>
      %dma_start3A_156 = arith.constant 0 : i32
      %dma_start3A_157 = arith.constant 0 : i32
      %dma_start3A_158 = tpu.memref_slice %arg11[%dma_start3A_156, %dma_start3A_157] : memref<125x16xf32, #tpu.memory_space<vmem>> -> memref<120x16xf32, #tpu.memory_space<vmem>>
      tpu.enqueue_dma source(%dma_start3A_158 : memref<120x16xf32, #tpu.memory_space<vmem>>) target(%dma_start3A_155 : memref<120x16xf32, #tpu.memory_space<vmem_shared>>) target_semaphore(%run_scoped3A_149 : memref<!tpu.dma_semaphore, #tpu.memory_space<semaphore_mem>>)
      %dma_wait3A_159 = arith.constant 0 : i32
      %dma_wait3A_160 = arith.constant 0 : i32
      %dma_wait3A_161 = tpu.memref_slice %arg11[%dma_wait3A_159, %dma_wait3A_160] : memref<125x16xf32, #tpu.memory_space<vmem>> -> memref<120x16xf32, #tpu.memory_space<vmem>>
      %dma_wait3A_162 = arith.constant 0 : i32
      %dma_wait3A_163 = tpu.memref_slice %arg13[%add3A_32, %dma_wait3A_162] : memref<10240x16xf32, #tpu.memory_space<vmem_shared>> -> memref<120x16xf32, #tpu.memory_space<vmem_shared>>
      %dma_wait3A_164 = arith.constant 0 : i32
      %dma_wait3A_165 = tpu.memref_slice %arg13[%add3A_32, %dma_wait3A_164] : memref<10240x16xf32, #tpu.memory_space<vmem_shared>> -> memref<120x16xf32, #tpu.memory_space<vmem_shared>>
      %dma_wait3A_166 = arith.constant 0 : i32
      %dma_wait3A_167 = arith.constant 0 : i32
      %dma_wait3A_168 = tpu.memref_slice %arg11[%dma_wait3A_166, %dma_wait3A_167] : memref<125x16xf32, #tpu.memory_space<vmem>> -> memref<120x16xf32, #tpu.memory_space<vmem>>
      tpu.wait_dma2 semaphore(%run_scoped3A_149 : memref<!tpu.dma_semaphore, #tpu.memory_space<semaphore_mem>>) src(%dma_wait3A_168 : memref<120x16xf32, #tpu.memory_space<vmem>>) dst(%dma_wait3A_165 : memref<120x16xf32, #tpu.memory_space<vmem_shared>>)
      tpu.yield
    }) : () -> ()
    %mul3A_34 = arith.constant 640 : i32
    %mul3A_35 = arith.muli %arg1, %mul3A_34 : i32
    %add3A_36 = arith.constant 480 : i32
    %add3A_37 = arith.addi %mul3A_35, %add3A_36 : i32
    %run_scoped3A_38 = arith.constant 0 : i32
    "tpu.region"() ({
      %run_scoped3A_149 = tpu.sem_alloc : memref<!tpu.dma_semaphore, #tpu.memory_space<semaphore_mem>>
      %dma_start3A = arith.constant 0 : i32
      %dma_start3A_150 = arith.constant 0 : i32
      %dma_start3A_151 = tpu.memref_slice %arg10[%run_scoped3A_38, %dma_start3A, %dma_start3A_150] : memref<4x125x64xf32, #tpu.memory_space<vmem>> -> memref<1x120x64xf32, #tpu.memory_space<vmem>>
      %dma_start3A_152 = tpu.memref_squeeze %dma_start3A_151 : memref<1x120x64xf32, #tpu.memory_space<vmem>> -> memref<120x64xf32, #tpu.memory_space<vmem>>
      %dma_start3A_153 = arith.constant 0 : i32
      %dma_start3A_154 = tpu.memref_slice %arg12[%add3A_37, %dma_start3A_153] : memref<10240x64xf32, #tpu.memory_space<vmem_shared>> -> memref<120x64xf32, #tpu.memory_space<vmem_shared>>
      %dma_start3A_155 = arith.constant 0 : i32
      %dma_start3A_156 = tpu.memref_slice %arg12[%add3A_37, %dma_start3A_155] : memref<10240x64xf32, #tpu.memory_space<vmem_shared>> -> memref<120x64xf32, #tpu.memory_space<vmem_shared>>
      %dma_start3A_157 = arith.constant 0 : i32
      %dma_start3A_158 = arith.constant 0 : i32
      %dma_start3A_159 = tpu.memref_slice %arg10[%run_scoped3A_38, %dma_start3A_157, %dma_start3A_158] : memref<4x125x64xf32, #tpu.memory_space<vmem>> -> memref<1x120x64xf32, #tpu.memory_space<vmem>>
      %dma_start3A_160 = tpu.memref_squeeze %dma_start3A_159 : memref<1x120x64xf32, #tpu.memory_space<vmem>> -> memref<120x64xf32, #tpu.memory_space<vmem>>
      tpu.enqueue_dma source(%dma_start3A_160 : memref<120x64xf32, #tpu.memory_space<vmem>>) target(%dma_start3A_156 : memref<120x64xf32, #tpu.memory_space<vmem_shared>>) target_semaphore(%run_scoped3A_149 : memref<!tpu.dma_semaphore, #tpu.memory_space<semaphore_mem>>)
      %dma_wait3A_161 = arith.constant 0 : i32
      %dma_wait3A_162 = arith.constant 0 : i32
      %dma_wait3A_163 = tpu.memref_slice %arg10[%run_scoped3A_38, %dma_wait3A_161, %dma_wait3A_162] : memref<4x125x64xf32, #tpu.memory_space<vmem>> -> memref<1x120x64xf32, #tpu.memory_space<vmem>>
      %dma_wait3A_164 = tpu.memref_squeeze %dma_wait3A_163 : memref<1x120x64xf32, #tpu.memory_space<vmem>> -> memref<120x64xf32, #tpu.memory_space<vmem>>
      %dma_wait3A_165 = arith.constant 0 : i32
      %dma_wait3A_166 = tpu.memref_slice %arg12[%add3A_37, %dma_wait3A_165] : memref<10240x64xf32, #tpu.memory_space<vmem_shared>> -> memref<120x64xf32, #tpu.memory_space<vmem_shared>>
      %dma_wait3A_167 = arith.constant 0 : i32
      %dma_wait3A_168 = tpu.memref_slice %arg12[%add3A_37, %dma_wait3A_167] : memref<10240x64xf32, #tpu.memory_space<vmem_shared>> -> memref<120x64xf32, #tpu.memory_space<vmem_shared>>
      %dma_wait3A_169 = arith.constant 0 : i32
      %dma_wait3A_170 = arith.constant 0 : i32
      %dma_wait3A_171 = tpu.memref_slice %arg10[%run_scoped3A_38, %dma_wait3A_169, %dma_wait3A_170] : memref<4x125x64xf32, #tpu.memory_space<vmem>> -> memref<1x120x64xf32, #tpu.memory_space<vmem>>
      %dma_wait3A_172 = tpu.memref_squeeze %dma_wait3A_171 : memref<1x120x64xf32, #tpu.memory_space<vmem>> -> memref<120x64xf32, #tpu.memory_space<vmem>>
      tpu.wait_dma2 semaphore(%run_scoped3A_149 : memref<!tpu.dma_semaphore, #tpu.memory_space<semaphore_mem>>) src(%dma_wait3A_172 : memref<120x64xf32, #tpu.memory_space<vmem>>) dst(%dma_wait3A_168 : memref<120x64xf32, #tpu.memory_space<vmem_shared>>)
      tpu.yield
    }) : () -> ()
    "tpu.region"() ({
      %run_scoped3A_149 = tpu.sem_alloc : memref<!tpu.dma_semaphore, #tpu.memory_space<semaphore_mem>>
      %dma_start3A = arith.constant 0 : i32
      %dma_start3A_150 = arith.constant 0 : i32
      %dma_start3A_151 = tpu.memref_slice %arg11[%dma_start3A, %dma_start3A_150] : memref<125x16xf32, #tpu.memory_space<vmem>> -> memref<120x16xf32, #tpu.memory_space<vmem>>
      %dma_start3A_152 = arith.constant 0 : i32
      %dma_start3A_153 = tpu.memref_slice %arg13[%add3A_37, %dma_start3A_152] : memref<10240x16xf32, #tpu.memory_space<vmem_shared>> -> memref<120x16xf32, #tpu.memory_space<vmem_shared>>
      %dma_start3A_154 = arith.constant 0 : i32
      %dma_start3A_155 = tpu.memref_slice %arg13[%add3A_37, %dma_start3A_154] : memref<10240x16xf32, #tpu.memory_space<vmem_shared>> -> memref<120x16xf32, #tpu.memory_space<vmem_shared>>
      %dma_start3A_156 = arith.constant 0 : i32
      %dma_start3A_157 = arith.constant 0 : i32
      %dma_start3A_158 = tpu.memref_slice %arg11[%dma_start3A_156, %dma_start3A_157] : memref<125x16xf32, #tpu.memory_space<vmem>> -> memref<120x16xf32, #tpu.memory_space<vmem>>
      tpu.enqueue_dma source(%dma_start3A_158 : memref<120x16xf32, #tpu.memory_space<vmem>>) target(%dma_start3A_155 : memref<120x16xf32, #tpu.memory_space<vmem_shared>>) target_semaphore(%run_scoped3A_149 : memref<!tpu.dma_semaphore, #tpu.memory_space<semaphore_mem>>)
      %dma_wait3A_159 = arith.constant 0 : i32
      %dma_wait3A_160 = arith.constant 0 : i32
      %dma_wait3A_161 = tpu.memref_slice %arg11[%dma_wait3A_159, %dma_wait3A_160] : memref<125x16xf32, #tpu.memory_space<vmem>> -> memref<120x16xf32, #tpu.memory_space<vmem>>
      %dma_wait3A_162 = arith.constant 0 : i32
      %dma_wait3A_163 = tpu.memref_slice %arg13[%add3A_37, %dma_wait3A_162] : memref<10240x16xf32, #tpu.memory_space<vmem_shared>> -> memref<120x16xf32, #tpu.memory_space<vmem_shared>>
      %dma_wait3A_164 = arith.constant 0 : i32
      %dma_wait3A_165 = tpu.memref_slice %arg13[%add3A_37, %dma_wait3A_164] : memref<10240x16xf32, #tpu.memory_space<vmem_shared>> -> memref<120x16xf32, #tpu.memory_space<vmem_shared>>
      %dma_wait3A_166 = arith.constant 0 : i32
      %dma_wait3A_167 = arith.constant 0 : i32
      %dma_wait3A_168 = tpu.memref_slice %arg11[%dma_wait3A_166, %dma_wait3A_167] : memref<125x16xf32, #tpu.memory_space<vmem>> -> memref<120x16xf32, #tpu.memory_space<vmem>>
      tpu.wait_dma2 semaphore(%run_scoped3A_149 : memref<!tpu.dma_semaphore, #tpu.memory_space<semaphore_mem>>) src(%dma_wait3A_168 : memref<120x16xf32, #tpu.memory_space<vmem>>) dst(%dma_wait3A_165 : memref<120x16xf32, #tpu.memory_space<vmem_shared>>)
      tpu.yield
    }) : () -> ()
    %mul3A_39 = arith.constant 640 : i32
    %mul3A_40 = arith.muli %arg1, %mul3A_39 : i32
    %add3A_41 = arith.constant 600 : i32
    %add3A_42 = arith.addi %mul3A_40, %add3A_41 : i32
    %run_scoped3A_43 = arith.constant 0 : i32
    "tpu.region"() ({
      %run_scoped3A_149 = tpu.sem_alloc : memref<!tpu.dma_semaphore, #tpu.memory_space<semaphore_mem>>
      %dma_start3A = arith.constant 0 : i32
      %dma_start3A_150 = arith.constant 0 : i32
      %dma_start3A_151 = tpu.memref_slice %arg10[%run_scoped3A_43, %dma_start3A, %dma_start3A_150] : memref<4x125x64xf32, #tpu.memory_space<vmem>> -> memref<1x40x64xf32, #tpu.memory_space<vmem>>
      %dma_start3A_152 = tpu.memref_squeeze %dma_start3A_151 : memref<1x40x64xf32, #tpu.memory_space<vmem>> -> memref<40x64xf32, #tpu.memory_space<vmem>>
      %dma_start3A_153 = arith.constant 0 : i32
      %dma_start3A_154 = tpu.memref_slice %arg12[%add3A_42, %dma_start3A_153] : memref<10240x64xf32, #tpu.memory_space<vmem_shared>> -> memref<40x64xf32, #tpu.memory_space<vmem_shared>>
      %dma_start3A_155 = arith.constant 0 : i32
      %dma_start3A_156 = tpu.memref_slice %arg12[%add3A_42, %dma_start3A_155] : memref<10240x64xf32, #tpu.memory_space<vmem_shared>> -> memref<40x64xf32, #tpu.memory_space<vmem_shared>>
      %dma_start3A_157 = arith.constant 0 : i32
      %dma_start3A_158 = arith.constant 0 : i32
      %dma_start3A_159 = tpu.memref_slice %arg10[%run_scoped3A_43, %dma_start3A_157, %dma_start3A_158] : memref<4x125x64xf32, #tpu.memory_space<vmem>> -> memref<1x40x64xf32, #tpu.memory_space<vmem>>
      %dma_start3A_160 = tpu.memref_squeeze %dma_start3A_159 : memref<1x40x64xf32, #tpu.memory_space<vmem>> -> memref<40x64xf32, #tpu.memory_space<vmem>>
      tpu.enqueue_dma source(%dma_start3A_160 : memref<40x64xf32, #tpu.memory_space<vmem>>) target(%dma_start3A_156 : memref<40x64xf32, #tpu.memory_space<vmem_shared>>) target_semaphore(%run_scoped3A_149 : memref<!tpu.dma_semaphore, #tpu.memory_space<semaphore_mem>>)
      %dma_wait3A_161 = arith.constant 0 : i32
      %dma_wait3A_162 = arith.constant 0 : i32
      %dma_wait3A_163 = tpu.memref_slice %arg10[%run_scoped3A_43, %dma_wait3A_161, %dma_wait3A_162] : memref<4x125x64xf32, #tpu.memory_space<vmem>> -> memref<1x40x64xf32, #tpu.memory_space<vmem>>
      %dma_wait3A_164 = tpu.memref_squeeze %dma_wait3A_163 : memref<1x40x64xf32, #tpu.memory_space<vmem>> -> memref<40x64xf32, #tpu.memory_space<vmem>>
      %dma_wait3A_165 = arith.constant 0 : i32
      %dma_wait3A_166 = tpu.memref_slice %arg12[%add3A_42, %dma_wait3A_165] : memref<10240x64xf32, #tpu.memory_space<vmem_shared>> -> memref<40x64xf32, #tpu.memory_space<vmem_shared>>
      %dma_wait3A_167 = arith.constant 0 : i32
      %dma_wait3A_168 = tpu.memref_slice %arg12[%add3A_42, %dma_wait3A_167] : memref<10240x64xf32, #tpu.memory_space<vmem_shared>> -> memref<40x64xf32, #tpu.memory_space<vmem_shared>>
      %dma_wait3A_169 = arith.constant 0 : i32
      %dma_wait3A_170 = arith.constant 0 : i32
      %dma_wait3A_171 = tpu.memref_slice %arg10[%run_scoped3A_43, %dma_wait3A_169, %dma_wait3A_170] : memref<4x125x64xf32, #tpu.memory_space<vmem>> -> memref<1x40x64xf32, #tpu.memory_space<vmem>>
      %dma_wait3A_172 = tpu.memref_squeeze %dma_wait3A_171 : memref<1x40x64xf32, #tpu.memory_space<vmem>> -> memref<40x64xf32, #tpu.memory_space<vmem>>
      tpu.wait_dma2 semaphore(%run_scoped3A_149 : memref<!tpu.dma_semaphore, #tpu.memory_space<semaphore_mem>>) src(%dma_wait3A_172 : memref<40x64xf32, #tpu.memory_space<vmem>>) dst(%dma_wait3A_168 : memref<40x64xf32, #tpu.memory_space<vmem_shared>>)
      tpu.yield
    }) : () -> ()
    "tpu.region"() ({
      %run_scoped3A_149 = tpu.sem_alloc : memref<!tpu.dma_semaphore, #tpu.memory_space<semaphore_mem>>
      %dma_start3A = arith.constant 0 : i32
      %dma_start3A_150 = arith.constant 0 : i32
      %dma_start3A_151 = tpu.memref_slice %arg11[%dma_start3A, %dma_start3A_150] : memref<125x16xf32, #tpu.memory_space<vmem>> -> memref<40x16xf32, #tpu.memory_space<vmem>>
      %dma_start3A_152 = arith.constant 0 : i32
      %dma_start3A_153 = tpu.memref_slice %arg13[%add3A_42, %dma_start3A_152] : memref<10240x16xf32, #tpu.memory_space<vmem_shared>> -> memref<40x16xf32, #tpu.memory_space<vmem_shared>>
      %dma_start3A_154 = arith.constant 0 : i32
      %dma_start3A_155 = tpu.memref_slice %arg13[%add3A_42, %dma_start3A_154] : memref<10240x16xf32, #tpu.memory_space<vmem_shared>> -> memref<40x16xf32, #tpu.memory_space<vmem_shared>>
      %dma_start3A_156 = arith.constant 0 : i32
      %dma_start3A_157 = arith.constant 0 : i32
      %dma_start3A_158 = tpu.memref_slice %arg11[%dma_start3A_156, %dma_start3A_157] : memref<125x16xf32, #tpu.memory_space<vmem>> -> memref<40x16xf32, #tpu.memory_space<vmem>>
      tpu.enqueue_dma source(%dma_start3A_158 : memref<40x16xf32, #tpu.memory_space<vmem>>) target(%dma_start3A_155 : memref<40x16xf32, #tpu.memory_space<vmem_shared>>) target_semaphore(%run_scoped3A_149 : memref<!tpu.dma_semaphore, #tpu.memory_space<semaphore_mem>>)
      %dma_wait3A_159 = arith.constant 0 : i32
      %dma_wait3A_160 = arith.constant 0 : i32
      %dma_wait3A_161 = tpu.memref_slice %arg11[%dma_wait3A_159, %dma_wait3A_160] : memref<125x16xf32, #tpu.memory_space<vmem>> -> memref<40x16xf32, #tpu.memory_space<vmem>>
      %dma_wait3A_162 = arith.constant 0 : i32
      %dma_wait3A_163 = tpu.memref_slice %arg13[%add3A_42, %dma_wait3A_162] : memref<10240x16xf32, #tpu.memory_space<vmem_shared>> -> memref<40x16xf32, #tpu.memory_space<vmem_shared>>
      %dma_wait3A_164 = arith.constant 0 : i32
      %dma_wait3A_165 = tpu.memref_slice %arg13[%add3A_42, %dma_wait3A_164] : memref<10240x16xf32, #tpu.memory_space<vmem_shared>> -> memref<40x16xf32, #tpu.memory_space<vmem_shared>>
      %dma_wait3A_166 = arith.constant 0 : i32
      %dma_wait3A_167 = arith.constant 0 : i32
      %dma_wait3A_168 = tpu.memref_slice %arg11[%dma_wait3A_166, %dma_wait3A_167] : memref<125x16xf32, #tpu.memory_space<vmem>> -> memref<40x16xf32, #tpu.memory_space<vmem>>
      tpu.wait_dma2 semaphore(%run_scoped3A_149 : memref<!tpu.dma_semaphore, #tpu.memory_space<semaphore_mem>>) src(%dma_wait3A_168 : memref<40x16xf32, #tpu.memory_space<vmem>>) dst(%dma_wait3A_165 : memref<40x16xf32, #tpu.memory_space<vmem_shared>>)
      tpu.yield
    }) : () -> ()
    %scan3A_44 = arith.constant 0 : i32
    %scan3A_45 = arith.constant 0 : i32
    %scan3A_46 = arith.constant 125 : i32
    %scan3A_47 = arith.addi %scan3A_45, %scan3A_46 : i32
    %scan3A_48 = arith.constant 1 : i32
    %scan3A_49 = scf.for %scan3A_149 = %scan3A_45 to %scan3A_47 step %scan3A_48 iter_args(%scan3A_150 = %scan3A_44) -> (i32)  : i32 {
      %broadcast_in_dim3A = arith.constant 1.000000e+00 : f32
      %broadcast_in_dim3A_151 = vector.broadcast %broadcast_in_dim3A : f32 to vector<16xf32>
      %swap3A = arith.index_cast %scan3A_149 : i32 to index
      %swap3A_152 = arith.constant 0 : index
      %swap3A_153 = tpu.vector_load %arg11[%swap3A, %swap3A_152] {strides = array<i32>} : memref<125x16xf32, #tpu.memory_space<vmem>>, vector<1x16xf32>,
      %swap3A_154 = vector.shape_cast %swap3A_153 : vector<1x16xf32> to vector<16xf32>
      %swap3A_155 = vector.shape_cast %broadcast_in_dim3A_151 : vector<16xf32> to vector<1x16xf32>
      tpu.vector_store %arg11[%swap3A, %swap3A_152], %swap3A_155 {strides = array<i32>} : memref<125x16xf32, #tpu.memory_space<vmem>>, vector<1x16xf32>,
      %scan3A_156 = arith.constant 0 : i32
      scf.yield %scan3A_156 : i32
    }
    %scan3A_50 = arith.constant 125 : i32
    %eq3A = arith.constant 0 : i32
    %eq3A_51 = arith.cmpi eq, %arg0, %eq3A : i32
    %convert_element_type3A = arith.extui %eq3A_51 : i1 to i32
    %cond3A = arith.constant 0 : i32
    %cond3A_52 = arith.cmpi ne, %convert_element_type3A, %cond3A : i32
    scf.if %cond3A_52 {
      %dma_start3A = arith.constant 0 : i32
      %dma_start3A_149 = arith.constant 0 : i32
      %dma_start3A_150 = arith.constant 0 : i32
      %dma_start3A_151 = arith.constant 0 : i32
      %dma_start3A_152 = tpu.memref_slice %arg10[%dma_start3A_149, %dma_start3A_150, %dma_start3A_151] : memref<4x125x64xf32, #tpu.memory_space<vmem>> -> memref<1x125x64xf32, #tpu.memory_space<vmem>>
      %dma_start3A_153 = tpu.memref_squeeze %dma_start3A_152 : memref<1x125x64xf32, #tpu.memory_space<vmem>> -> memref<125x64xf32, #tpu.memory_space<vmem>>
      %dma_start3A_154 = arith.constant 0 : i32
      %dma_start3A_155 = tpu.memref_slice %arg8[%dma_start3A, %dma_start3A_154] : memref<160x125xi32, #tpu.memory_space<vmem>> -> memref<1x125xi32, #tpu.memory_space<vmem>>
      %dma_start3A_156 = tpu.memref_squeeze %dma_start3A_155 : memref<1x125xi32, #tpu.memory_space<vmem>> -> memref<125xi32, #tpu.memory_space<vmem>>
      %dma_start3A_157 = arith.constant 0 : i32
      %dma_start3A_158 = arith.constant 0 : i32
      %dma_start3A_159 = tpu.memref_slice %arg2[%dma_start3A_157, %dma_start3A_158] : memref<10000x64xf32, #tpu.memory_space<hbm>> -> memref<10000x64xf32, #tpu.memory_space<hbm>>
      tpu.enqueue_indirect_dma source(%dma_start3A_159 : memref<10000x64xf32, #tpu.memory_space<hbm>>) target(%dma_start3A_153 : memref<125x64xf32, #tpu.memory_space<vmem>>) offsets(%dma_start3A_156 : memref<125xi32, #tpu.memory_space<vmem>>) semaphore(%arg14 : memref<!tpu.dma_semaphore, #tpu.memory_space<semaphore_mem>>)
    } else {
    }
    %eq3A_53 = arith.constant 1 : i32
    %eq3A_54 = arith.cmpi eq, %arg0, %eq3A_53 : i32
    %convert_element_type3A_55 = arith.extui %eq3A_54 : i1 to i32
    %cond3A_56 = arith.constant 0 : i32
    %cond3A_57 = arith.cmpi ne, %convert_element_type3A_55, %cond3A_56 : i32
    scf.if %cond3A_57 {
      %dma_start3A = arith.constant 0 : i32
      %dma_start3A_149 = arith.constant 0 : i32
      %dma_start3A_150 = arith.constant 0 : i32
      %dma_start3A_151 = arith.constant 0 : i32
      %dma_start3A_152 = tpu.memref_slice %arg10[%dma_start3A_149, %dma_start3A_150, %dma_start3A_151] : memref<4x125x64xf32, #tpu.memory_space<vmem>> -> memref<1x125x64xf32, #tpu.memory_space<vmem>>
      %dma_start3A_153 = tpu.memref_squeeze %dma_start3A_152 : memref<1x125x64xf32, #tpu.memory_space<vmem>> -> memref<125x64xf32, #tpu.memory_space<vmem>>
      %dma_start3A_154 = arith.constant 0 : i32
      %dma_start3A_155 = tpu.memref_slice %arg8[%dma_start3A, %dma_start3A_154] : memref<160x125xi32, #tpu.memory_space<vmem>> -> memref<1x125xi32, #tpu.memory_space<vmem>>
      %dma_start3A_156 = tpu.memref_squeeze %dma_start3A_155 : memref<1x125xi32, #tpu.memory_space<vmem>> -> memref<125xi32, #tpu.memory_space<vmem>>
      %dma_start3A_157 = arith.constant 0 : i32
      %dma_start3A_158 = arith.constant 0 : i32
      %dma_start3A_159 = tpu.memref_slice %arg3[%dma_start3A_157, %dma_start3A_158] : memref<10000x64xf32, #tpu.memory_space<hbm>> -> memref<10000x64xf32, #tpu.memory_space<hbm>>
      tpu.enqueue_indirect_dma source(%dma_start3A_159 : memref<10000x64xf32, #tpu.memory_space<hbm>>) target(%dma_start3A_153 : memref<125x64xf32, #tpu.memory_space<vmem>>) offsets(%dma_start3A_156 : memref<125xi32, #tpu.memory_space<vmem>>) semaphore(%arg14 : memref<!tpu.dma_semaphore, #tpu.memory_space<semaphore_mem>>)
    } else {
    }
    %eq3A_58 = arith.constant 0 : i32
    %eq3A_59 = arith.cmpi eq, %arg0, %eq3A_58 : i32
    %convert_element_type3A_60 = arith.extui %eq3A_59 : i1 to i32
    %cond3A_61 = arith.constant 0 : i32
    %cond3A_62 = arith.cmpi ne, %convert_element_type3A_60, %cond3A_61 : i32
    scf.if %cond3A_62 {
      %dma_start3A = arith.constant 1 : i32
      %dma_start3A_149 = arith.constant 1 : i32
      %dma_start3A_150 = arith.constant 0 : i32
      %dma_start3A_151 = arith.constant 0 : i32
      %dma_start3A_152 = tpu.memref_slice %arg10[%dma_start3A_149, %dma_start3A_150, %dma_start3A_151] : memref<4x125x64xf32, #tpu.memory_space<vmem>> -> memref<1x125x64xf32, #tpu.memory_space<vmem>>
      %dma_start3A_153 = tpu.memref_squeeze %dma_start3A_152 : memref<1x125x64xf32, #tpu.memory_space<vmem>> -> memref<125x64xf32, #tpu.memory_space<vmem>>
      %dma_start3A_154 = arith.constant 0 : i32
      %dma_start3A_155 = tpu.memref_slice %arg8[%dma_start3A, %dma_start3A_154] : memref<160x125xi32, #tpu.memory_space<vmem>> -> memref<1x125xi32, #tpu.memory_space<vmem>>
      %dma_start3A_156 = tpu.memref_squeeze %dma_start3A_155 : memref<1x125xi32, #tpu.memory_space<vmem>> -> memref<125xi32, #tpu.memory_space<vmem>>
      %dma_start3A_157 = arith.constant 0 : i32
      %dma_start3A_158 = arith.constant 0 : i32
      %dma_start3A_159 = tpu.memref_slice %arg2[%dma_start3A_157, %dma_start3A_158] : memref<10000x64xf32, #tpu.memory_space<hbm>> -> memref<10000x64xf32, #tpu.memory_space<hbm>>
      tpu.enqueue_indirect_dma source(%dma_start3A_159 : memref<10000x64xf32, #tpu.memory_space<hbm>>) target(%dma_start3A_153 : memref<125x64xf32, #tpu.memory_space<vmem>>) offsets(%dma_start3A_156 : memref<125xi32, #tpu.memory_space<vmem>>) semaphore(%arg15 : memref<!tpu.dma_semaphore, #tpu.memory_space<semaphore_mem>>)
    } else {
    }
    %eq3A_63 = arith.constant 1 : i32
    %eq3A_64 = arith.cmpi eq, %arg0, %eq3A_63 : i32
    %convert_element_type3A_65 = arith.extui %eq3A_64 : i1 to i32
    %cond3A_66 = arith.constant 0 : i32
    %cond3A_67 = arith.cmpi ne, %convert_element_type3A_65, %cond3A_66 : i32
    scf.if %cond3A_67 {
      %dma_start3A = arith.constant 1 : i32
      %dma_start3A_149 = arith.constant 1 : i32
      %dma_start3A_150 = arith.constant 0 : i32
      %dma_start3A_151 = arith.constant 0 : i32
      %dma_start3A_152 = tpu.memref_slice %arg10[%dma_start3A_149, %dma_start3A_150, %dma_start3A_151] : memref<4x125x64xf32, #tpu.memory_space<vmem>> -> memref<1x125x64xf32, #tpu.memory_space<vmem>>
      %dma_start3A_153 = tpu.memref_squeeze %dma_start3A_152 : memref<1x125x64xf32, #tpu.memory_space<vmem>> -> memref<125x64xf32, #tpu.memory_space<vmem>>
      %dma_start3A_154 = arith.constant 0 : i32
      %dma_start3A_155 = tpu.memref_slice %arg8[%dma_start3A, %dma_start3A_154] : memref<160x125xi32, #tpu.memory_space<vmem>> -> memref<1x125xi32, #tpu.memory_space<vmem>>
      %dma_start3A_156 = tpu.memref_squeeze %dma_start3A_155 : memref<1x125xi32, #tpu.memory_space<vmem>> -> memref<125xi32, #tpu.memory_space<vmem>>
      %dma_start3A_157 = arith.constant 0 : i32
      %dma_start3A_158 = arith.constant 0 : i32
      %dma_start3A_159 = tpu.memref_slice %arg3[%dma_start3A_157, %dma_start3A_158] : memref<10000x64xf32, #tpu.memory_space<hbm>> -> memref<10000x64xf32, #tpu.memory_space<hbm>>
      tpu.enqueue_indirect_dma source(%dma_start3A_159 : memref<10000x64xf32, #tpu.memory_space<hbm>>) target(%dma_start3A_153 : memref<125x64xf32, #tpu.memory_space<vmem>>) offsets(%dma_start3A_156 : memref<125xi32, #tpu.memory_space<vmem>>) semaphore(%arg15 : memref<!tpu.dma_semaphore, #tpu.memory_space<semaphore_mem>>)
    } else {
    }
    %barrier3A = arith.constant 0 : index
    tpu.barrier barrier_id(%barrier3A)
    %scan3A_68 = arith.constant 0 : i32
    %scan3A_69 = arith.constant 0 : i32
    %scan3A_70 = arith.constant 40 : i32
    %scan3A_71 = arith.addi %scan3A_69, %scan3A_70 : i32
    %scan3A_72 = arith.constant 1 : i32
    %scan3A_73 = scf.for %scan3A_149 = %scan3A_69 to %scan3A_71 step %scan3A_72 iter_args(%scan3A_150 = %scan3A_68) -> (i32)  : i32 {
      %mul3A_151 = arith.constant 4 : i32
      %mul3A_152 = arith.muli %mul3A_151, %scan3A_149 : i32
      %add3A_153 = arith.constant 0 : i32
      %add3A_154 = arith.addi %mul3A_152, %add3A_153 : i32
      %dma_wait3A_155 = arith.constant 0 : i32
      %dma_wait3A_156 = arith.constant 0 : i32
      %dma_wait3A_157 = arith.constant 0 : i32
      %dma_wait3A_158 = tpu.memref_slice %arg10[%dma_wait3A_155, %dma_wait3A_156, %dma_wait3A_157] : memref<4x125x64xf32, #tpu.memory_space<vmem>> -> memref<1x125x64xf32, #tpu.memory_space<vmem>>
      %dma_wait3A_159 = tpu.memref_squeeze %dma_wait3A_158 : memref<1x125x64xf32, #tpu.memory_space<vmem>> -> memref<125x64xf32, #tpu.memory_space<vmem>>
      %dma_wait3A_160 = arith.constant 0 : i32
      %dma_wait3A_161 = arith.constant 0 : i32
      %dma_wait3A_162 = tpu.memref_slice %arg2[%dma_wait3A_160, %dma_wait3A_161] : memref<10000x64xf32, #tpu.memory_space<hbm>> -> memref<125x64xf32, #tpu.memory_space<hbm>>
      %dma_wait3A_163 = arith.constant 0 : i32
      %dma_wait3A_164 = arith.constant 0 : i32
      %dma_wait3A_165 = tpu.memref_slice %arg10[%dma_wait3A_155, %dma_wait3A_163, %dma_wait3A_164] : memref<4x125x64xf32, #tpu.memory_space<vmem>> -> memref<1x125x64xf32, #tpu.memory_space<vmem>>
      %dma_wait3A_166 = tpu.memref_squeeze %dma_wait3A_165 : memref<1x125x64xf32, #tpu.memory_space<vmem>> -> memref<125x64xf32, #tpu.memory_space<vmem>>
      %dma_wait3A_167 = arith.constant 0 : i32
      %dma_wait3A_168 = arith.constant 0 : i32
      %dma_wait3A_169 = tpu.memref_slice %arg2[%dma_wait3A_167, %dma_wait3A_168] : memref<10000x64xf32, #tpu.memory_space<hbm>> -> memref<125x64xf32, #tpu.memory_space<hbm>>
      tpu.wait_dma2 semaphore(%arg14 : memref<!tpu.dma_semaphore, #tpu.memory_space<semaphore_mem>>) src(%dma_wait3A_169 : memref<125x64xf32, #tpu.memory_space<hbm>>) dst(%dma_wait3A_166 : memref<125x64xf32, #tpu.memory_space<vmem>>)
      %dma_start3A = arith.constant 0 : i32
      %dma_start3A_170 = arith.constant 0 : i32
      %dma_start3A_171 = arith.constant 0 : i32
      %dma_start3A_172 = tpu.memref_slice %arg10[%dma_start3A, %dma_start3A_170, %dma_start3A_171] : memref<4x125x64xf32, #tpu.memory_space<vmem>> -> memref<1x125x64xf32, #tpu.memory_space<vmem>>
      %dma_start3A_173 = tpu.memref_squeeze %dma_start3A_172 : memref<1x125x64xf32, #tpu.memory_space<vmem>> -> memref<125x64xf32, #tpu.memory_space<vmem>>
      %dma_start3A_174 = arith.constant 0 : i32
      %dma_start3A_175 = tpu.memref_slice %arg9[%add3A_154, %dma_start3A_174] : memref<160x125xi32, #tpu.memory_space<vmem>> -> memref<1x125xi32, #tpu.memory_space<vmem>>
      %dma_start3A_176 = tpu.memref_squeeze %dma_start3A_175 : memref<1x125xi32, #tpu.memory_space<vmem>> -> memref<125xi32, #tpu.memory_space<vmem>>
      %dma_start3A_177 = arith.constant 0 : i32
      %dma_start3A_178 = arith.constant 0 : i32
      %dma_start3A_179 = tpu.memref_slice %arg12[%dma_start3A_177, %dma_start3A_178] : memref<10240x64xf32, #tpu.memory_space<vmem_shared>> -> memref<10240x64xf32, #tpu.memory_space<vmem_shared>>
      tpu.enqueue_indirect_dma source(%dma_start3A_173 : memref<125x64xf32, #tpu.memory_space<vmem>>) target(%dma_start3A_179 : memref<10240x64xf32, #tpu.memory_space<vmem_shared>>) offsets(%dma_start3A_176 : memref<125xi32, #tpu.memory_space<vmem>>) semaphore(%arg18 : memref<!tpu.dma_semaphore, #tpu.memory_space<semaphore_mem>>) {add = true}
      %eq3A_180 = arith.constant 0 : i32
      %eq3A_181 = arith.cmpi eq, %arg0, %eq3A_180 : i32
      %gt3A = arith.constant 0 : i32
      %gt3A_182 = arith.cmpi sgt, %scan3A_149, %gt3A : i32
      %and3A = arith.andi %eq3A_181, %gt3A_182 : i1
      %convert_element_type3A_183 = arith.extui %and3A : i1 to i32
      %cond3A_184 = arith.constant 0 : i32
      %cond3A_185 = arith.cmpi ne, %convert_element_type3A_183, %cond3A_184 : i32
      scf.if %cond3A_185 {
        %dma_wait3A_430 = arith.constant 0 : i32
        %dma_wait3A_431 = arith.constant 0 : i32
        %dma_wait3A_432 = tpu.memref_slice %arg2[%dma_wait3A_430, %dma_wait3A_431] : memref<10000x64xf32, #tpu.memory_space<hbm>> -> memref<125x16xf32, #tpu.memory_space<hbm>>
        %dma_wait3A_433 = arith.constant 0 : i32
        %dma_wait3A_434 = arith.constant 0 : i32
        %dma_wait3A_435 = tpu.memref_slice %arg2[%dma_wait3A_433, %dma_wait3A_434] : memref<10000x64xf32, #tpu.memory_space<hbm>> -> memref<125x16xf32, #tpu.memory_space<hbm>>
        tpu.wait_dma2 semaphore(%arg22 : memref<!tpu.dma_semaphore, #tpu.memory_space<semaphore_mem>>) src(%dma_wait3A_435 : memref<125x16xf32, #tpu.memory_space<hbm>>) dst(%arg11 : memref<125x16xf32, #tpu.memory_space<vmem>>)
      } else {
      }
      %eq3A_186 = arith.constant 0 : i32
      %eq3A_187 = arith.cmpi eq, %arg0, %eq3A_186 : i32
      %convert_element_type3A_188 = arith.extui %eq3A_187 : i1 to i32
      %cond3A_189 = arith.constant 0 : i32
      %cond3A_190 = arith.cmpi ne, %convert_element_type3A_188, %cond3A_189 : i32
      scf.if %cond3A_190 {
        %dma_start3A_430 = arith.constant 0 : i32
        %dma_start3A_431 = tpu.memref_slice %arg9[%add3A_154, %dma_start3A_430] : memref<160x125xi32, #tpu.memory_space<vmem>> -> memref<1x125xi32, #tpu.memory_space<vmem>>
        %dma_start3A_432 = tpu.memref_squeeze %dma_start3A_431 : memref<1x125xi32, #tpu.memory_space<vmem>> -> memref<125xi32, #tpu.memory_space<vmem>>
        %dma_start3A_433 = arith.constant 0 : i32
        %dma_start3A_434 = arith.constant 0 : i32
        %dma_start3A_435 = tpu.memref_slice %arg13[%dma_start3A_433, %dma_start3A_434] : memref<10240x16xf32, #tpu.memory_space<vmem_shared>> -> memref<10240x16xf32, #tpu.memory_space<vmem_shared>>
        tpu.enqueue_indirect_dma source(%arg11 : memref<125x16xf32, #tpu.memory_space<vmem>>) target(%dma_start3A_435 : memref<10240x16xf32, #tpu.memory_space<vmem_shared>>) offsets(%dma_start3A_432 : memref<125xi32, #tpu.memory_space<vmem>>) semaphore(%arg22 : memref<!tpu.dma_semaphore, #tpu.memory_space<semaphore_mem>>) {add = true}
      } else {
      }
      %gt3A_191 = arith.constant 0 : i32
      %gt3A_192 = arith.cmpi sgt, %scan3A_149, %gt3A_191 : i32
      %convert_element_type3A_193 = arith.extui %gt3A_192 : i1 to i32
      %cond3A_194 = arith.constant 0 : i32
      %cond3A_195 = arith.cmpi ne, %convert_element_type3A_193, %cond3A_194 : i32
      scf.if %cond3A_195 {
        %dma_wait3A_430 = arith.constant 2 : i32
        %dma_wait3A_431 = arith.constant 0 : i32
        %dma_wait3A_432 = arith.constant 0 : i32
        %dma_wait3A_433 = tpu.memref_slice %arg10[%dma_wait3A_430, %dma_wait3A_431, %dma_wait3A_432] : memref<4x125x64xf32, #tpu.memory_space<vmem>> -> memref<1x125x64xf32, #tpu.memory_space<vmem>>
        %dma_wait3A_434 = tpu.memref_squeeze %dma_wait3A_433 : memref<1x125x64xf32, #tpu.memory_space<vmem>> -> memref<125x64xf32, #tpu.memory_space<vmem>>
        %dma_wait3A_435 = arith.constant 0 : i32
        %dma_wait3A_436 = arith.constant 0 : i32
        %dma_wait3A_437 = tpu.memref_slice %arg2[%dma_wait3A_435, %dma_wait3A_436] : memref<10000x64xf32, #tpu.memory_space<hbm>> -> memref<125x64xf32, #tpu.memory_space<hbm>>
        %dma_wait3A_438 = arith.constant 0 : i32
        %dma_wait3A_439 = arith.constant 0 : i32
        %dma_wait3A_440 = tpu.memref_slice %arg10[%dma_wait3A_430, %dma_wait3A_438, %dma_wait3A_439] : memref<4x125x64xf32, #tpu.memory_space<vmem>> -> memref<1x125x64xf32, #tpu.memory_space<vmem>>
        %dma_wait3A_441 = tpu.memref_squeeze %dma_wait3A_440 : memref<1x125x64xf32, #tpu.memory_space<vmem>> -> memref<125x64xf32, #tpu.memory_space<vmem>>
        %dma_wait3A_442 = arith.constant 0 : i32
        %dma_wait3A_443 = arith.constant 0 : i32
        %dma_wait3A_444 = tpu.memref_slice %arg2[%dma_wait3A_442, %dma_wait3A_443] : memref<10000x64xf32, #tpu.memory_space<hbm>> -> memref<125x64xf32, #tpu.memory_space<hbm>>
        tpu.wait_dma2 semaphore(%arg20 : memref<!tpu.dma_semaphore, #tpu.memory_space<semaphore_mem>>) src(%dma_wait3A_444 : memref<125x64xf32, #tpu.memory_space<hbm>>) dst(%dma_wait3A_441 : memref<125x64xf32, #tpu.memory_space<vmem>>)
      } else {
      }
      %add3A_196 = arith.constant 2 : i32
      %add3A_197 = arith.addi %add3A_154, %add3A_196 : i32
      %lt3A = arith.constant 160 : i32
      %lt3A_198 = arith.cmpi slt, %add3A_197, %lt3A : i32
      %add3A_199 = arith.constant 2 : i32
      %add3A_200 = arith.addi %add3A_154, %add3A_199 : i32
      %jit3A = arith.constant 0 : i32
      %select_n3A = arith.select %lt3A_198, %add3A_200, %jit3A : i32
      %eq3A_201 = arith.constant 0 : i32
      %eq3A_202 = arith.cmpi eq, %arg0, %eq3A_201 : i32
      %convert_element_type3A_203 = arith.extui %eq3A_202 : i1 to i32
      %cond3A_204 = arith.constant 0 : i32
      %cond3A_205 = arith.cmpi ne, %convert_element_type3A_203, %cond3A_204 : i32
      scf.if %cond3A_205 {
        %dma_start3A_430 = arith.constant 2 : i32
        %dma_start3A_431 = arith.constant 0 : i32
        %dma_start3A_432 = arith.constant 0 : i32
        %dma_start3A_433 = tpu.memref_slice %arg10[%dma_start3A_430, %dma_start3A_431, %dma_start3A_432] : memref<4x125x64xf32, #tpu.memory_space<vmem>> -> memref<1x125x64xf32, #tpu.memory_space<vmem>>
        %dma_start3A_434 = tpu.memref_squeeze %dma_start3A_433 : memref<1x125x64xf32, #tpu.memory_space<vmem>> -> memref<125x64xf32, #tpu.memory_space<vmem>>
        %dma_start3A_435 = arith.constant 0 : i32
        %dma_start3A_436 = tpu.memref_slice %arg8[%select_n3A, %dma_start3A_435] : memref<160x125xi32, #tpu.memory_space<vmem>> -> memref<1x125xi32, #tpu.memory_space<vmem>>
        %dma_start3A_437 = tpu.memref_squeeze %dma_start3A_436 : memref<1x125xi32, #tpu.memory_space<vmem>> -> memref<125xi32, #tpu.memory_space<vmem>>
        %dma_start3A_438 = arith.constant 0 : i32
        %dma_start3A_439 = arith.constant 0 : i32
        %dma_start3A_440 = tpu.memref_slice %arg2[%dma_start3A_438, %dma_start3A_439] : memref<10000x64xf32, #tpu.memory_space<hbm>> -> memref<10000x64xf32, #tpu.memory_space<hbm>>
        tpu.enqueue_indirect_dma source(%dma_start3A_440 : memref<10000x64xf32, #tpu.memory_space<hbm>>) target(%dma_start3A_434 : memref<125x64xf32, #tpu.memory_space<vmem>>) offsets(%dma_start3A_437 : memref<125xi32, #tpu.memory_space<vmem>>) semaphore(%arg16 : memref<!tpu.dma_semaphore, #tpu.memory_space<semaphore_mem>>)
      } else {
      }
      %eq3A_206 = arith.constant 1 : i32
      %eq3A_207 = arith.cmpi eq, %arg0, %eq3A_206 : i32
      %convert_element_type3A_208 = arith.extui %eq3A_207 : i1 to i32
      %cond3A_209 = arith.constant 0 : i32
      %cond3A_210 = arith.cmpi ne, %convert_element_type3A_208, %cond3A_209 : i32
      scf.if %cond3A_210 {
        %dma_start3A_430 = arith.constant 2 : i32
        %dma_start3A_431 = arith.constant 0 : i32
        %dma_start3A_432 = arith.constant 0 : i32
        %dma_start3A_433 = tpu.memref_slice %arg10[%dma_start3A_430, %dma_start3A_431, %dma_start3A_432] : memref<4x125x64xf32, #tpu.memory_space<vmem>> -> memref<1x125x64xf32, #tpu.memory_space<vmem>>
        %dma_start3A_434 = tpu.memref_squeeze %dma_start3A_433 : memref<1x125x64xf32, #tpu.memory_space<vmem>> -> memref<125x64xf32, #tpu.memory_space<vmem>>
        %dma_start3A_435 = arith.constant 0 : i32
        %dma_start3A_436 = tpu.memref_slice %arg8[%select_n3A, %dma_start3A_435] : memref<160x125xi32, #tpu.memory_space<vmem>> -> memref<1x125xi32, #tpu.memory_space<vmem>>
        %dma_start3A_437 = tpu.memref_squeeze %dma_start3A_436 : memref<1x125xi32, #tpu.memory_space<vmem>> -> memref<125xi32, #tpu.memory_space<vmem>>
        %dma_start3A_438 = arith.constant 0 : i32
        %dma_start3A_439 = arith.constant 0 : i32
        %dma_start3A_440 = tpu.memref_slice %arg3[%dma_start3A_438, %dma_start3A_439] : memref<10000x64xf32, #tpu.memory_space<hbm>> -> memref<10000x64xf32, #tpu.memory_space<hbm>>
        tpu.enqueue_indirect_dma source(%dma_start3A_440 : memref<10000x64xf32, #tpu.memory_space<hbm>>) target(%dma_start3A_434 : memref<125x64xf32, #tpu.memory_space<vmem>>) offsets(%dma_start3A_437 : memref<125xi32, #tpu.memory_space<vmem>>) semaphore(%arg16 : memref<!tpu.dma_semaphore, #tpu.memory_space<semaphore_mem>>)
      } else {
      }
      %mul3A_211 = arith.constant 4 : i32
      %mul3A_212 = arith.muli %mul3A_211, %scan3A_149 : i32
      %add3A_213 = arith.constant 1 : i32
      %add3A_214 = arith.addi %mul3A_212, %add3A_213 : i32
      %dma_wait3A_215 = arith.constant 1 : i32
      %dma_wait3A_216 = arith.constant 0 : i32
      %dma_wait3A_217 = arith.constant 0 : i32
      %dma_wait3A_218 = tpu.memref_slice %arg10[%dma_wait3A_215, %dma_wait3A_216, %dma_wait3A_217] : memref<4x125x64xf32, #tpu.memory_space<vmem>> -> memref<1x125x64xf32, #tpu.memory_space<vmem>>
      %dma_wait3A_219 = tpu.memref_squeeze %dma_wait3A_218 : memref<1x125x64xf32, #tpu.memory_space<vmem>> -> memref<125x64xf32, #tpu.memory_space<vmem>>
      %dma_wait3A_220 = arith.constant 0 : i32
      %dma_wait3A_221 = arith.constant 0 : i32
      %dma_wait3A_222 = tpu.memref_slice %arg2[%dma_wait3A_220, %dma_wait3A_221] : memref<10000x64xf32, #tpu.memory_space<hbm>> -> memref<125x64xf32, #tpu.memory_space<hbm>>
      %dma_wait3A_223 = arith.constant 0 : i32
      %dma_wait3A_224 = arith.constant 0 : i32
      %dma_wait3A_225 = tpu.memref_slice %arg10[%dma_wait3A_215, %dma_wait3A_223, %dma_wait3A_224] : memref<4x125x64xf32, #tpu.memory_space<vmem>> -> memref<1x125x64xf32, #tpu.memory_space<vmem>>
      %dma_wait3A_226 = tpu.memref_squeeze %dma_wait3A_225 : memref<1x125x64xf32, #tpu.memory_space<vmem>> -> memref<125x64xf32, #tpu.memory_space<vmem>>
      %dma_wait3A_227 = arith.constant 0 : i32
      %dma_wait3A_228 = arith.constant 0 : i32
      %dma_wait3A_229 = tpu.memref_slice %arg2[%dma_wait3A_227, %dma_wait3A_228] : memref<10000x64xf32, #tpu.memory_space<hbm>> -> memref<125x64xf32, #tpu.memory_space<hbm>>
      tpu.wait_dma2 semaphore(%arg15 : memref<!tpu.dma_semaphore, #tpu.memory_space<semaphore_mem>>) src(%dma_wait3A_229 : memref<125x64xf32, #tpu.memory_space<hbm>>) dst(%dma_wait3A_226 : memref<125x64xf32, #tpu.memory_space<vmem>>)
      %dma_start3A_230 = arith.constant 1 : i32
      %dma_start3A_231 = arith.constant 0 : i32
      %dma_start3A_232 = arith.constant 0 : i32
      %dma_start3A_233 = tpu.memref_slice %arg10[%dma_start3A_230, %dma_start3A_231, %dma_start3A_232] : memref<4x125x64xf32, #tpu.memory_space<vmem>> -> memref<1x125x64xf32, #tpu.memory_space<vmem>>
      %dma_start3A_234 = tpu.memref_squeeze %dma_start3A_233 : memref<1x125x64xf32, #tpu.memory_space<vmem>> -> memref<125x64xf32, #tpu.memory_space<vmem>>
      %dma_start3A_235 = arith.constant 0 : i32
      %dma_start3A_236 = tpu.memref_slice %arg9[%add3A_214, %dma_start3A_235] : memref<160x125xi32, #tpu.memory_space<vmem>> -> memref<1x125xi32, #tpu.memory_space<vmem>>
      %dma_start3A_237 = tpu.memref_squeeze %dma_start3A_236 : memref<1x125xi32, #tpu.memory_space<vmem>> -> memref<125xi32, #tpu.memory_space<vmem>>
      %dma_start3A_238 = arith.constant 0 : i32
      %dma_start3A_239 = arith.constant 0 : i32
      %dma_start3A_240 = tpu.memref_slice %arg12[%dma_start3A_238, %dma_start3A_239] : memref<10240x64xf32, #tpu.memory_space<vmem_shared>> -> memref<10240x64xf32, #tpu.memory_space<vmem_shared>>
      tpu.enqueue_indirect_dma source(%dma_start3A_234 : memref<125x64xf32, #tpu.memory_space<vmem>>) target(%dma_start3A_240 : memref<10240x64xf32, #tpu.memory_space<vmem_shared>>) offsets(%dma_start3A_237 : memref<125xi32, #tpu.memory_space<vmem>>) semaphore(%arg19 : memref<!tpu.dma_semaphore, #tpu.memory_space<semaphore_mem>>) {add = true}
      %eq3A_241 = arith.constant 1 : i32
      %eq3A_242 = arith.cmpi eq, %arg0, %eq3A_241 : i32
      %gt3A_243 = arith.constant 0 : i32
      %gt3A_244 = arith.cmpi sgt, %scan3A_149, %gt3A_243 : i32
      %and3A_245 = arith.andi %eq3A_242, %gt3A_244 : i1
      %convert_element_type3A_246 = arith.extui %and3A_245 : i1 to i32
      %cond3A_247 = arith.constant 0 : i32
      %cond3A_248 = arith.cmpi ne, %convert_element_type3A_246, %cond3A_247 : i32
      scf.if %cond3A_248 {
        %dma_wait3A_430 = arith.constant 0 : i32
        %dma_wait3A_431 = arith.constant 0 : i32
        %dma_wait3A_432 = tpu.memref_slice %arg2[%dma_wait3A_430, %dma_wait3A_431] : memref<10000x64xf32, #tpu.memory_space<hbm>> -> memref<125x16xf32, #tpu.memory_space<hbm>>
        %dma_wait3A_433 = arith.constant 0 : i32
        %dma_wait3A_434 = arith.constant 0 : i32
        %dma_wait3A_435 = tpu.memref_slice %arg2[%dma_wait3A_433, %dma_wait3A_434] : memref<10000x64xf32, #tpu.memory_space<hbm>> -> memref<125x16xf32, #tpu.memory_space<hbm>>
        tpu.wait_dma2 semaphore(%arg22 : memref<!tpu.dma_semaphore, #tpu.memory_space<semaphore_mem>>) src(%dma_wait3A_435 : memref<125x16xf32, #tpu.memory_space<hbm>>) dst(%arg11 : memref<125x16xf32, #tpu.memory_space<vmem>>)
      } else {
      }
      %eq3A_249 = arith.constant 1 : i32
      %eq3A_250 = arith.cmpi eq, %arg0, %eq3A_249 : i32
      %convert_element_type3A_251 = arith.extui %eq3A_250 : i1 to i32
      %cond3A_252 = arith.constant 0 : i32
      %cond3A_253 = arith.cmpi ne, %convert_element_type3A_251, %cond3A_252 : i32
      scf.if %cond3A_253 {
        %dma_start3A_430 = arith.constant 0 : i32
        %dma_start3A_431 = tpu.memref_slice %arg9[%add3A_214, %dma_start3A_430] : memref<160x125xi32, #tpu.memory_space<vmem>> -> memref<1x125xi32, #tpu.memory_space<vmem>>
        %dma_start3A_432 = tpu.memref_squeeze %dma_start3A_431 : memref<1x125xi32, #tpu.memory_space<vmem>> -> memref<125xi32, #tpu.memory_space<vmem>>
        %dma_start3A_433 = arith.constant 0 : i32
        %dma_start3A_434 = arith.constant 0 : i32
        %dma_start3A_435 = tpu.memref_slice %arg13[%dma_start3A_433, %dma_start3A_434] : memref<10240x16xf32, #tpu.memory_space<vmem_shared>> -> memref<10240x16xf32, #tpu.memory_space<vmem_shared>>
        tpu.enqueue_indirect_dma source(%arg11 : memref<125x16xf32, #tpu.memory_space<vmem>>) target(%dma_start3A_435 : memref<10240x16xf32, #tpu.memory_space<vmem_shared>>) offsets(%dma_start3A_432 : memref<125xi32, #tpu.memory_space<vmem>>) semaphore(%arg22 : memref<!tpu.dma_semaphore, #tpu.memory_space<semaphore_mem>>) {add = true}
      } else {
      }
      %gt3A_254 = arith.constant 0 : i32
      %gt3A_255 = arith.cmpi sgt, %scan3A_149, %gt3A_254 : i32
      %convert_element_type3A_256 = arith.extui %gt3A_255 : i1 to i32
      %cond3A_257 = arith.constant 0 : i32
      %cond3A_258 = arith.cmpi ne, %convert_element_type3A_256, %cond3A_257 : i32
      scf.if %cond3A_258 {
        %dma_wait3A_430 = arith.constant 3 : i32
        %dma_wait3A_431 = arith.constant 0 : i32
        %dma_wait3A_432 = arith.constant 0 : i32
        %dma_wait3A_433 = tpu.memref_slice %arg10[%dma_wait3A_430, %dma_wait3A_431, %dma_wait3A_432] : memref<4x125x64xf32, #tpu.memory_space<vmem>> -> memref<1x125x64xf32, #tpu.memory_space<vmem>>
        %dma_wait3A_434 = tpu.memref_squeeze %dma_wait3A_433 : memref<1x125x64xf32, #tpu.memory_space<vmem>> -> memref<125x64xf32, #tpu.memory_space<vmem>>
        %dma_wait3A_435 = arith.constant 0 : i32
        %dma_wait3A_436 = arith.constant 0 : i32
        %dma_wait3A_437 = tpu.memref_slice %arg2[%dma_wait3A_435, %dma_wait3A_436] : memref<10000x64xf32, #tpu.memory_space<hbm>> -> memref<125x64xf32, #tpu.memory_space<hbm>>
        %dma_wait3A_438 = arith.constant 0 : i32
        %dma_wait3A_439 = arith.constant 0 : i32
        %dma_wait3A_440 = tpu.memref_slice %arg10[%dma_wait3A_430, %dma_wait3A_438, %dma_wait3A_439] : memref<4x125x64xf32, #tpu.memory_space<vmem>> -> memref<1x125x64xf32, #tpu.memory_space<vmem>>
        %dma_wait3A_441 = tpu.memref_squeeze %dma_wait3A_440 : memref<1x125x64xf32, #tpu.memory_space<vmem>> -> memref<125x64xf32, #tpu.memory_space<vmem>>
        %dma_wait3A_442 = arith.constant 0 : i32
        %dma_wait3A_443 = arith.constant 0 : i32
        %dma_wait3A_444 = tpu.memref_slice %arg2[%dma_wait3A_442, %dma_wait3A_443] : memref<10000x64xf32, #tpu.memory_space<hbm>> -> memref<125x64xf32, #tpu.memory_space<hbm>>
        tpu.wait_dma2 semaphore(%arg21 : memref<!tpu.dma_semaphore, #tpu.memory_space<semaphore_mem>>) src(%dma_wait3A_444 : memref<125x64xf32, #tpu.memory_space<hbm>>) dst(%dma_wait3A_441 : memref<125x64xf32, #tpu.memory_space<vmem>>)
      } else {
      }
      %add3A_259 = arith.constant 2 : i32
      %add3A_260 = arith.addi %add3A_214, %add3A_259 : i32
      %lt3A_261 = arith.constant 160 : i32
      %lt3A_262 = arith.cmpi slt, %add3A_260, %lt3A_261 : i32
      %add3A_263 = arith.constant 2 : i32
      %add3A_264 = arith.addi %add3A_214, %add3A_263 : i32
      %jit3A_265 = arith.constant 1 : i32
      %select_n3A_266 = arith.select %lt3A_262, %add3A_264, %jit3A_265 : i32
      %eq3A_267 = arith.constant 0 : i32
      %eq3A_268 = arith.cmpi eq, %arg0, %eq3A_267 : i32
      %convert_element_type3A_269 = arith.extui %eq3A_268 : i1 to i32
      %cond3A_270 = arith.constant 0 : i32
      %cond3A_271 = arith.cmpi ne, %convert_element_type3A_269, %cond3A_270 : i32
      scf.if %cond3A_271 {
        %dma_start3A_430 = arith.constant 3 : i32
        %dma_start3A_431 = arith.constant 0 : i32
        %dma_start3A_432 = arith.constant 0 : i32
        %dma_start3A_433 = tpu.memref_slice %arg10[%dma_start3A_430, %dma_start3A_431, %dma_start3A_432] : memref<4x125x64xf32, #tpu.memory_space<vmem>> -> memref<1x125x64xf32, #tpu.memory_space<vmem>>
        %dma_start3A_434 = tpu.memref_squeeze %dma_start3A_433 : memref<1x125x64xf32, #tpu.memory_space<vmem>> -> memref<125x64xf32, #tpu.memory_space<vmem>>
        %dma_start3A_435 = arith.constant 0 : i32
        %dma_start3A_436 = tpu.memref_slice %arg8[%select_n3A_266, %dma_start3A_435] : memref<160x125xi32, #tpu.memory_space<vmem>> -> memref<1x125xi32, #tpu.memory_space<vmem>>
        %dma_start3A_437 = tpu.memref_squeeze %dma_start3A_436 : memref<1x125xi32, #tpu.memory_space<vmem>> -> memref<125xi32, #tpu.memory_space<vmem>>
        %dma_start3A_438 = arith.constant 0 : i32
        %dma_start3A_439 = arith.constant 0 : i32
        %dma_start3A_440 = tpu.memref_slice %arg2[%dma_start3A_438, %dma_start3A_439] : memref<10000x64xf32, #tpu.memory_space<hbm>> -> memref<10000x64xf32, #tpu.memory_space<hbm>>
        tpu.enqueue_indirect_dma source(%dma_start3A_440 : memref<10000x64xf32, #tpu.memory_space<hbm>>) target(%dma_start3A_434 : memref<125x64xf32, #tpu.memory_space<vmem>>) offsets(%dma_start3A_437 : memref<125xi32, #tpu.memory_space<vmem>>) semaphore(%arg17 : memref<!tpu.dma_semaphore, #tpu.memory_space<semaphore_mem>>)
      } else {
      }
      %eq3A_272 = arith.constant 1 : i32
      %eq3A_273 = arith.cmpi eq, %arg0, %eq3A_272 : i32
      %convert_element_type3A_274 = arith.extui %eq3A_273 : i1 to i32
      %cond3A_275 = arith.constant 0 : i32
      %cond3A_276 = arith.cmpi ne, %convert_element_type3A_274, %cond3A_275 : i32
      scf.if %cond3A_276 {
        %dma_start3A_430 = arith.constant 3 : i32
        %dma_start3A_431 = arith.constant 0 : i32
        %dma_start3A_432 = arith.constant 0 : i32
        %dma_start3A_433 = tpu.memref_slice %arg10[%dma_start3A_430, %dma_start3A_431, %dma_start3A_432] : memref<4x125x64xf32, #tpu.memory_space<vmem>> -> memref<1x125x64xf32, #tpu.memory_space<vmem>>
        %dma_start3A_434 = tpu.memref_squeeze %dma_start3A_433 : memref<1x125x64xf32, #tpu.memory_space<vmem>> -> memref<125x64xf32, #tpu.memory_space<vmem>>
        %dma_start3A_435 = arith.constant 0 : i32
        %dma_start3A_436 = tpu.memref_slice %arg8[%select_n3A_266, %dma_start3A_435] : memref<160x125xi32, #tpu.memory_space<vmem>> -> memref<1x125xi32, #tpu.memory_space<vmem>>
        %dma_start3A_437 = tpu.memref_squeeze %dma_start3A_436 : memref<1x125xi32, #tpu.memory_space<vmem>> -> memref<125xi32, #tpu.memory_space<vmem>>
        %dma_start3A_438 = arith.constant 0 : i32
        %dma_start3A_439 = arith.constant 0 : i32
        %dma_start3A_440 = tpu.memref_slice %arg3[%dma_start3A_438, %dma_start3A_439] : memref<10000x64xf32, #tpu.memory_space<hbm>> -> memref<10000x64xf32, #tpu.memory_space<hbm>>
        tpu.enqueue_indirect_dma source(%dma_start3A_440 : memref<10000x64xf32, #tpu.memory_space<hbm>>) target(%dma_start3A_434 : memref<125x64xf32, #tpu.memory_space<vmem>>) offsets(%dma_start3A_437 : memref<125xi32, #tpu.memory_space<vmem>>) semaphore(%arg17 : memref<!tpu.dma_semaphore, #tpu.memory_space<semaphore_mem>>)
      } else {
      }
      %mul3A_277 = arith.constant 4 : i32
      %mul3A_278 = arith.muli %mul3A_277, %scan3A_149 : i32
      %add3A_279 = arith.constant 2 : i32
      %add3A_280 = arith.addi %mul3A_278, %add3A_279 : i32
      %dma_wait3A_281 = arith.constant 2 : i32
      %dma_wait3A_282 = arith.constant 0 : i32
      %dma_wait3A_283 = arith.constant 0 : i32
      %dma_wait3A_284 = tpu.memref_slice %arg10[%dma_wait3A_281, %dma_wait3A_282, %dma_wait3A_283] : memref<4x125x64xf32, #tpu.memory_space<vmem>> -> memref<1x125x64xf32, #tpu.memory_space<vmem>>
      %dma_wait3A_285 = tpu.memref_squeeze %dma_wait3A_284 : memref<1x125x64xf32, #tpu.memory_space<vmem>> -> memref<125x64xf32, #tpu.memory_space<vmem>>
      %dma_wait3A_286 = arith.constant 0 : i32
      %dma_wait3A_287 = arith.constant 0 : i32
      %dma_wait3A_288 = tpu.memref_slice %arg2[%dma_wait3A_286, %dma_wait3A_287] : memref<10000x64xf32, #tpu.memory_space<hbm>> -> memref<125x64xf32, #tpu.memory_space<hbm>>
      %dma_wait3A_289 = arith.constant 0 : i32
      %dma_wait3A_290 = arith.constant 0 : i32
      %dma_wait3A_291 = tpu.memref_slice %arg10[%dma_wait3A_281, %dma_wait3A_289, %dma_wait3A_290] : memref<4x125x64xf32, #tpu.memory_space<vmem>> -> memref<1x125x64xf32, #tpu.memory_space<vmem>>
      %dma_wait3A_292 = tpu.memref_squeeze %dma_wait3A_291 : memref<1x125x64xf32, #tpu.memory_space<vmem>> -> memref<125x64xf32, #tpu.memory_space<vmem>>
      %dma_wait3A_293 = arith.constant 0 : i32
      %dma_wait3A_294 = arith.constant 0 : i32
      %dma_wait3A_295 = tpu.memref_slice %arg2[%dma_wait3A_293, %dma_wait3A_294] : memref<10000x64xf32, #tpu.memory_space<hbm>> -> memref<125x64xf32, #tpu.memory_space<hbm>>
      tpu.wait_dma2 semaphore(%arg16 : memref<!tpu.dma_semaphore, #tpu.memory_space<semaphore_mem>>) src(%dma_wait3A_295 : memref<125x64xf32, #tpu.memory_space<hbm>>) dst(%dma_wait3A_292 : memref<125x64xf32, #tpu.memory_space<vmem>>)
      %dma_start3A_296 = arith.constant 2 : i32
      %dma_start3A_297 = arith.constant 0 : i32
      %dma_start3A_298 = arith.constant 0 : i32
      %dma_start3A_299 = tpu.memref_slice %arg10[%dma_start3A_296, %dma_start3A_297, %dma_start3A_298] : memref<4x125x64xf32, #tpu.memory_space<vmem>> -> memref<1x125x64xf32, #tpu.memory_space<vmem>>
      %dma_start3A_300 = tpu.memref_squeeze %dma_start3A_299 : memref<1x125x64xf32, #tpu.memory_space<vmem>> -> memref<125x64xf32, #tpu.memory_space<vmem>>
      %dma_start3A_301 = arith.constant 0 : i32
      %dma_start3A_302 = tpu.memref_slice %arg9[%add3A_280, %dma_start3A_301] : memref<160x125xi32, #tpu.memory_space<vmem>> -> memref<1x125xi32, #tpu.memory_space<vmem>>
      %dma_start3A_303 = tpu.memref_squeeze %dma_start3A_302 : memref<1x125xi32, #tpu.memory_space<vmem>> -> memref<125xi32, #tpu.memory_space<vmem>>
      %dma_start3A_304 = arith.constant 0 : i32
      %dma_start3A_305 = arith.constant 0 : i32
      %dma_start3A_306 = tpu.memref_slice %arg12[%dma_start3A_304, %dma_start3A_305] : memref<10240x64xf32, #tpu.memory_space<vmem_shared>> -> memref<10240x64xf32, #tpu.memory_space<vmem_shared>>
      tpu.enqueue_indirect_dma source(%dma_start3A_300 : memref<125x64xf32, #tpu.memory_space<vmem>>) target(%dma_start3A_306 : memref<10240x64xf32, #tpu.memory_space<vmem_shared>>) offsets(%dma_start3A_303 : memref<125xi32, #tpu.memory_space<vmem>>) semaphore(%arg20 : memref<!tpu.dma_semaphore, #tpu.memory_space<semaphore_mem>>) {add = true}
      %eq3A_307 = arith.constant 0 : i32
      %eq3A_308 = arith.cmpi eq, %arg0, %eq3A_307 : i32
      %gt3A_309 = arith.constant 0 : i32
      %gt3A_310 = arith.cmpi sgt, %scan3A_149, %gt3A_309 : i32
      %and3A_311 = arith.andi %eq3A_308, %gt3A_310 : i1
      %convert_element_type3A_312 = arith.extui %and3A_311 : i1 to i32
      %cond3A_313 = arith.constant 0 : i32
      %cond3A_314 = arith.cmpi ne, %convert_element_type3A_312, %cond3A_313 : i32
      scf.if %cond3A_314 {
        %dma_wait3A_430 = arith.constant 0 : i32
        %dma_wait3A_431 = arith.constant 0 : i32
        %dma_wait3A_432 = tpu.memref_slice %arg2[%dma_wait3A_430, %dma_wait3A_431] : memref<10000x64xf32, #tpu.memory_space<hbm>> -> memref<125x16xf32, #tpu.memory_space<hbm>>
        %dma_wait3A_433 = arith.constant 0 : i32
        %dma_wait3A_434 = arith.constant 0 : i32
        %dma_wait3A_435 = tpu.memref_slice %arg2[%dma_wait3A_433, %dma_wait3A_434] : memref<10000x64xf32, #tpu.memory_space<hbm>> -> memref<125x16xf32, #tpu.memory_space<hbm>>
        tpu.wait_dma2 semaphore(%arg22 : memref<!tpu.dma_semaphore, #tpu.memory_space<semaphore_mem>>) src(%dma_wait3A_435 : memref<125x16xf32, #tpu.memory_space<hbm>>) dst(%arg11 : memref<125x16xf32, #tpu.memory_space<vmem>>)
      } else {
      }
      %eq3A_315 = arith.constant 0 : i32
      %eq3A_316 = arith.cmpi eq, %arg0, %eq3A_315 : i32
      %convert_element_type3A_317 = arith.extui %eq3A_316 : i1 to i32
      %cond3A_318 = arith.constant 0 : i32
      %cond3A_319 = arith.cmpi ne, %convert_element_type3A_317, %cond3A_318 : i32
      scf.if %cond3A_319 {
        %dma_start3A_430 = arith.constant 0 : i32
        %dma_start3A_431 = tpu.memref_slice %arg9[%add3A_280, %dma_start3A_430] : memref<160x125xi32, #tpu.memory_space<vmem>> -> memref<1x125xi32, #tpu.memory_space<vmem>>
        %dma_start3A_432 = tpu.memref_squeeze %dma_start3A_431 : memref<1x125xi32, #tpu.memory_space<vmem>> -> memref<125xi32, #tpu.memory_space<vmem>>
        %dma_start3A_433 = arith.constant 0 : i32
        %dma_start3A_434 = arith.constant 0 : i32
        %dma_start3A_435 = tpu.memref_slice %arg13[%dma_start3A_433, %dma_start3A_434] : memref<10240x16xf32, #tpu.memory_space<vmem_shared>> -> memref<10240x16xf32, #tpu.memory_space<vmem_shared>>
        tpu.enqueue_indirect_dma source(%arg11 : memref<125x16xf32, #tpu.memory_space<vmem>>) target(%dma_start3A_435 : memref<10240x16xf32, #tpu.memory_space<vmem_shared>>) offsets(%dma_start3A_432 : memref<125xi32, #tpu.memory_space<vmem>>) semaphore(%arg22 : memref<!tpu.dma_semaphore, #tpu.memory_space<semaphore_mem>>) {add = true}
      } else {
      }
      %dma_wait3A_320 = arith.constant 0 : i32
      %dma_wait3A_321 = arith.constant 0 : i32
      %dma_wait3A_322 = arith.constant 0 : i32
      %dma_wait3A_323 = tpu.memref_slice %arg10[%dma_wait3A_320, %dma_wait3A_321, %dma_wait3A_322] : memref<4x125x64xf32, #tpu.memory_space<vmem>> -> memref<1x125x64xf32, #tpu.memory_space<vmem>>
      %dma_wait3A_324 = tpu.memref_squeeze %dma_wait3A_323 : memref<1x125x64xf32, #tpu.memory_space<vmem>> -> memref<125x64xf32, #tpu.memory_space<vmem>>
      %dma_wait3A_325 = arith.constant 0 : i32
      %dma_wait3A_326 = arith.constant 0 : i32
      %dma_wait3A_327 = tpu.memref_slice %arg2[%dma_wait3A_325, %dma_wait3A_326] : memref<10000x64xf32, #tpu.memory_space<hbm>> -> memref<125x64xf32, #tpu.memory_space<hbm>>
      %dma_wait3A_328 = arith.constant 0 : i32
      %dma_wait3A_329 = arith.constant 0 : i32
      %dma_wait3A_330 = tpu.memref_slice %arg10[%dma_wait3A_320, %dma_wait3A_328, %dma_wait3A_329] : memref<4x125x64xf32, #tpu.memory_space<vmem>> -> memref<1x125x64xf32, #tpu.memory_space<vmem>>
      %dma_wait3A_331 = tpu.memref_squeeze %dma_wait3A_330 : memref<1x125x64xf32, #tpu.memory_space<vmem>> -> memref<125x64xf32, #tpu.memory_space<vmem>>
      %dma_wait3A_332 = arith.constant 0 : i32
      %dma_wait3A_333 = arith.constant 0 : i32
      %dma_wait3A_334 = tpu.memref_slice %arg2[%dma_wait3A_332, %dma_wait3A_333] : memref<10000x64xf32, #tpu.memory_space<hbm>> -> memref<125x64xf32, #tpu.memory_space<hbm>>
      tpu.wait_dma2 semaphore(%arg18 : memref<!tpu.dma_semaphore, #tpu.memory_space<semaphore_mem>>) src(%dma_wait3A_334 : memref<125x64xf32, #tpu.memory_space<hbm>>) dst(%dma_wait3A_331 : memref<125x64xf32, #tpu.memory_space<vmem>>)
      %add3A_335 = arith.constant 2 : i32
      %add3A_336 = arith.addi %add3A_280, %add3A_335 : i32
      %lt3A_337 = arith.constant 160 : i32
      %lt3A_338 = arith.cmpi slt, %add3A_336, %lt3A_337 : i32
      %add3A_339 = arith.constant 2 : i32
      %add3A_340 = arith.addi %add3A_280, %add3A_339 : i32
      %jit3A_341 = arith.constant 2 : i32
      %select_n3A_342 = arith.select %lt3A_338, %add3A_340, %jit3A_341 : i32
      %eq3A_343 = arith.constant 0 : i32
      %eq3A_344 = arith.cmpi eq, %arg0, %eq3A_343 : i32
      %convert_element_type3A_345 = arith.extui %eq3A_344 : i1 to i32
      %cond3A_346 = arith.constant 0 : i32
      %cond3A_347 = arith.cmpi ne, %convert_element_type3A_345, %cond3A_346 : i32
      scf.if %cond3A_347 {
        %dma_start3A_430 = arith.constant 0 : i32
        %dma_start3A_431 = arith.constant 0 : i32
        %dma_start3A_432 = arith.constant 0 : i32
        %dma_start3A_433 = tpu.memref_slice %arg10[%dma_start3A_430, %dma_start3A_431, %dma_start3A_432] : memref<4x125x64xf32, #tpu.memory_space<vmem>> -> memref<1x125x64xf32, #tpu.memory_space<vmem>>
        %dma_start3A_434 = tpu.memref_squeeze %dma_start3A_433 : memref<1x125x64xf32, #tpu.memory_space<vmem>> -> memref<125x64xf32, #tpu.memory_space<vmem>>
        %dma_start3A_435 = arith.constant 0 : i32
        %dma_start3A_436 = tpu.memref_slice %arg8[%select_n3A_342, %dma_start3A_435] : memref<160x125xi32, #tpu.memory_space<vmem>> -> memref<1x125xi32, #tpu.memory_space<vmem>>
        %dma_start3A_437 = tpu.memref_squeeze %dma_start3A_436 : memref<1x125xi32, #tpu.memory_space<vmem>> -> memref<125xi32, #tpu.memory_space<vmem>>
        %dma_start3A_438 = arith.constant 0 : i32
        %dma_start3A_439 = arith.constant 0 : i32
        %dma_start3A_440 = tpu.memref_slice %arg2[%dma_start3A_438, %dma_start3A_439] : memref<10000x64xf32, #tpu.memory_space<hbm>> -> memref<10000x64xf32, #tpu.memory_space<hbm>>
        tpu.enqueue_indirect_dma source(%dma_start3A_440 : memref<10000x64xf32, #tpu.memory_space<hbm>>) target(%dma_start3A_434 : memref<125x64xf32, #tpu.memory_space<vmem>>) offsets(%dma_start3A_437 : memref<125xi32, #tpu.memory_space<vmem>>) semaphore(%arg14 : memref<!tpu.dma_semaphore, #tpu.memory_space<semaphore_mem>>)
      } else {
      }
      %eq3A_348 = arith.constant 1 : i32
      %eq3A_349 = arith.cmpi eq, %arg0, %eq3A_348 : i32
      %convert_element_type3A_350 = arith.extui %eq3A_349 : i1 to i32
      %cond3A_351 = arith.constant 0 : i32
      %cond3A_352 = arith.cmpi ne, %convert_element_type3A_350, %cond3A_351 : i32
      scf.if %cond3A_352 {
        %dma_start3A_430 = arith.constant 0 : i32
        %dma_start3A_431 = arith.constant 0 : i32
        %dma_start3A_432 = arith.constant 0 : i32
        %dma_start3A_433 = tpu.memref_slice %arg10[%dma_start3A_430, %dma_start3A_431, %dma_start3A_432] : memref<4x125x64xf32, #tpu.memory_space<vmem>> -> memref<1x125x64xf32, #tpu.memory_space<vmem>>
        %dma_start3A_434 = tpu.memref_squeeze %dma_start3A_433 : memref<1x125x64xf32, #tpu.memory_space<vmem>> -> memref<125x64xf32, #tpu.memory_space<vmem>>
        %dma_start3A_435 = arith.constant 0 : i32
        %dma_start3A_436 = tpu.memref_slice %arg8[%select_n3A_342, %dma_start3A_435] : memref<160x125xi32, #tpu.memory_space<vmem>> -> memref<1x125xi32, #tpu.memory_space<vmem>>
        %dma_start3A_437 = tpu.memref_squeeze %dma_start3A_436 : memref<1x125xi32, #tpu.memory_space<vmem>> -> memref<125xi32, #tpu.memory_space<vmem>>
        %dma_start3A_438 = arith.constant 0 : i32
        %dma_start3A_439 = arith.constant 0 : i32
        %dma_start3A_440 = tpu.memref_slice %arg3[%dma_start3A_438, %dma_start3A_439] : memref<10000x64xf32, #tpu.memory_space<hbm>> -> memref<10000x64xf32, #tpu.memory_space<hbm>>
        tpu.enqueue_indirect_dma source(%dma_start3A_440 : memref<10000x64xf32, #tpu.memory_space<hbm>>) target(%dma_start3A_434 : memref<125x64xf32, #tpu.memory_space<vmem>>) offsets(%dma_start3A_437 : memref<125xi32, #tpu.memory_space<vmem>>) semaphore(%arg14 : memref<!tpu.dma_semaphore, #tpu.memory_space<semaphore_mem>>)
      } else {
      }
      %mul3A_353 = arith.constant 4 : i32
      %mul3A_354 = arith.muli %mul3A_353, %scan3A_149 : i32
      %add3A_355 = arith.constant 3 : i32
      %add3A_356 = arith.addi %mul3A_354, %add3A_355 : i32
      %dma_wait3A_357 = arith.constant 3 : i32
      %dma_wait3A_358 = arith.constant 0 : i32
      %dma_wait3A_359 = arith.constant 0 : i32
      %dma_wait3A_360 = tpu.memref_slice %arg10[%dma_wait3A_357, %dma_wait3A_358, %dma_wait3A_359] : memref<4x125x64xf32, #tpu.memory_space<vmem>> -> memref<1x125x64xf32, #tpu.memory_space<vmem>>
      %dma_wait3A_361 = tpu.memref_squeeze %dma_wait3A_360 : memref<1x125x64xf32, #tpu.memory_space<vmem>> -> memref<125x64xf32, #tpu.memory_space<vmem>>
      %dma_wait3A_362 = arith.constant 0 : i32
      %dma_wait3A_363 = arith.constant 0 : i32
      %dma_wait3A_364 = tpu.memref_slice %arg2[%dma_wait3A_362, %dma_wait3A_363] : memref<10000x64xf32, #tpu.memory_space<hbm>> -> memref<125x64xf32, #tpu.memory_space<hbm>>
      %dma_wait3A_365 = arith.constant 0 : i32
      %dma_wait3A_366 = arith.constant 0 : i32
      %dma_wait3A_367 = tpu.memref_slice %arg10[%dma_wait3A_357, %dma_wait3A_365, %dma_wait3A_366] : memref<4x125x64xf32, #tpu.memory_space<vmem>> -> memref<1x125x64xf32, #tpu.memory_space<vmem>>
      %dma_wait3A_368 = tpu.memref_squeeze %dma_wait3A_367 : memref<1x125x64xf32, #tpu.memory_space<vmem>> -> memref<125x64xf32, #tpu.memory_space<vmem>>
      %dma_wait3A_369 = arith.constant 0 : i32
      %dma_wait3A_370 = arith.constant 0 : i32
      %dma_wait3A_371 = tpu.memref_slice %arg2[%dma_wait3A_369, %dma_wait3A_370] : memref<10000x64xf32, #tpu.memory_space<hbm>> -> memref<125x64xf32, #tpu.memory_space<hbm>>
      tpu.wait_dma2 semaphore(%arg17 : memref<!tpu.dma_semaphore, #tpu.memory_space<semaphore_mem>>) src(%dma_wait3A_371 : memref<125x64xf32, #tpu.memory_space<hbm>>) dst(%dma_wait3A_368 : memref<125x64xf32, #tpu.memory_space<vmem>>)
      %dma_start3A_372 = arith.constant 3 : i32
      %dma_start3A_373 = arith.constant 0 : i32
      %dma_start3A_374 = arith.constant 0 : i32
      %dma_start3A_375 = tpu.memref_slice %arg10[%dma_start3A_372, %dma_start3A_373, %dma_start3A_374] : memref<4x125x64xf32, #tpu.memory_space<vmem>> -> memref<1x125x64xf32, #tpu.memory_space<vmem>>
      %dma_start3A_376 = tpu.memref_squeeze %dma_start3A_375 : memref<1x125x64xf32, #tpu.memory_space<vmem>> -> memref<125x64xf32, #tpu.memory_space<vmem>>
      %dma_start3A_377 = arith.constant 0 : i32
      %dma_start3A_378 = tpu.memref_slice %arg9[%add3A_356, %dma_start3A_377] : memref<160x125xi32, #tpu.memory_space<vmem>> -> memref<1x125xi32, #tpu.memory_space<vmem>>
      %dma_start3A_379 = tpu.memref_squeeze %dma_start3A_378 : memref<1x125xi32, #tpu.memory_space<vmem>> -> memref<125xi32, #tpu.memory_space<vmem>>
      %dma_start3A_380 = arith.constant 0 : i32
      %dma_start3A_381 = arith.constant 0 : i32
      %dma_start3A_382 = tpu.memref_slice %arg12[%dma_start3A_380, %dma_start3A_381] : memref<10240x64xf32, #tpu.memory_space<vmem_shared>> -> memref<10240x64xf32, #tpu.memory_space<vmem_shared>>
      tpu.enqueue_indirect_dma source(%dma_start3A_376 : memref<125x64xf32, #tpu.memory_space<vmem>>) target(%dma_start3A_382 : memref<10240x64xf32, #tpu.memory_space<vmem_shared>>) offsets(%dma_start3A_379 : memref<125xi32, #tpu.memory_space<vmem>>) semaphore(%arg21 : memref<!tpu.dma_semaphore, #tpu.memory_space<semaphore_mem>>) {add = true}
      %eq3A_383 = arith.constant 1 : i32
      %eq3A_384 = arith.cmpi eq, %arg0, %eq3A_383 : i32
      %gt3A_385 = arith.constant 0 : i32
      %gt3A_386 = arith.cmpi sgt, %scan3A_149, %gt3A_385 : i32
      %and3A_387 = arith.andi %eq3A_384, %gt3A_386 : i1
      %convert_element_type3A_388 = arith.extui %and3A_387 : i1 to i32
      %cond3A_389 = arith.constant 0 : i32
      %cond3A_390 = arith.cmpi ne, %convert_element_type3A_388, %cond3A_389 : i32
      scf.if %cond3A_390 {
        %dma_wait3A_430 = arith.constant 0 : i32
        %dma_wait3A_431 = arith.constant 0 : i32
        %dma_wait3A_432 = tpu.memref_slice %arg2[%dma_wait3A_430, %dma_wait3A_431] : memref<10000x64xf32, #tpu.memory_space<hbm>> -> memref<125x16xf32, #tpu.memory_space<hbm>>
        %dma_wait3A_433 = arith.constant 0 : i32
        %dma_wait3A_434 = arith.constant 0 : i32
        %dma_wait3A_435 = tpu.memref_slice %arg2[%dma_wait3A_433, %dma_wait3A_434] : memref<10000x64xf32, #tpu.memory_space<hbm>> -> memref<125x16xf32, #tpu.memory_space<hbm>>
        tpu.wait_dma2 semaphore(%arg22 : memref<!tpu.dma_semaphore, #tpu.memory_space<semaphore_mem>>) src(%dma_wait3A_435 : memref<125x16xf32, #tpu.memory_space<hbm>>) dst(%arg11 : memref<125x16xf32, #tpu.memory_space<vmem>>)
      } else {
      }
      %eq3A_391 = arith.constant 1 : i32
      %eq3A_392 = arith.cmpi eq, %arg0, %eq3A_391 : i32
      %convert_element_type3A_393 = arith.extui %eq3A_392 : i1 to i32
      %cond3A_394 = arith.constant 0 : i32
      %cond3A_395 = arith.cmpi ne, %convert_element_type3A_393, %cond3A_394 : i32
      scf.if %cond3A_395 {
        %dma_start3A_430 = arith.constant 0 : i32
        %dma_start3A_431 = tpu.memref_slice %arg9[%add3A_356, %dma_start3A_430] : memref<160x125xi32, #tpu.memory_space<vmem>> -> memref<1x125xi32, #tpu.memory_space<vmem>>
        %dma_start3A_432 = tpu.memref_squeeze %dma_start3A_431 : memref<1x125xi32, #tpu.memory_space<vmem>> -> memref<125xi32, #tpu.memory_space<vmem>>
        %dma_start3A_433 = arith.constant 0 : i32
        %dma_start3A_434 = arith.constant 0 : i32
        %dma_start3A_435 = tpu.memref_slice %arg13[%dma_start3A_433, %dma_start3A_434] : memref<10240x16xf32, #tpu.memory_space<vmem_shared>> -> memref<10240x16xf32, #tpu.memory_space<vmem_shared>>
        tpu.enqueue_indirect_dma source(%arg11 : memref<125x16xf32, #tpu.memory_space<vmem>>) target(%dma_start3A_435 : memref<10240x16xf32, #tpu.memory_space<vmem_shared>>) offsets(%dma_start3A_432 : memref<125xi32, #tpu.memory_space<vmem>>) semaphore(%arg22 : memref<!tpu.dma_semaphore, #tpu.memory_space<semaphore_mem>>) {add = true}
      } else {
      }
      %dma_wait3A_396 = arith.constant 1 : i32
      %dma_wait3A_397 = arith.constant 0 : i32
      %dma_wait3A_398 = arith.constant 0 : i32
      %dma_wait3A_399 = tpu.memref_slice %arg10[%dma_wait3A_396, %dma_wait3A_397, %dma_wait3A_398] : memref<4x125x64xf32, #tpu.memory_space<vmem>> -> memref<1x125x64xf32, #tpu.memory_space<vmem>>
      %dma_wait3A_400 = tpu.memref_squeeze %dma_wait3A_399 : memref<1x125x64xf32, #tpu.memory_space<vmem>> -> memref<125x64xf32, #tpu.memory_space<vmem>>
      %dma_wait3A_401 = arith.constant 0 : i32
      %dma_wait3A_402 = arith.constant 0 : i32
      %dma_wait3A_403 = tpu.memref_slice %arg2[%dma_wait3A_401, %dma_wait3A_402] : memref<10000x64xf32, #tpu.memory_space<hbm>> -> memref<125x64xf32, #tpu.memory_space<hbm>>
      %dma_wait3A_404 = arith.constant 0 : i32
      %dma_wait3A_405 = arith.constant 0 : i32
      %dma_wait3A_406 = tpu.memref_slice %arg10[%dma_wait3A_396, %dma_wait3A_404, %dma_wait3A_405] : memref<4x125x64xf32, #tpu.memory_space<vmem>> -> memref<1x125x64xf32, #tpu.memory_space<vmem>>
      %dma_wait3A_407 = tpu.memref_squeeze %dma_wait3A_406 : memref<1x125x64xf32, #tpu.memory_space<vmem>> -> memref<125x64xf32, #tpu.memory_space<vmem>>
      %dma_wait3A_408 = arith.constant 0 : i32
      %dma_wait3A_409 = arith.constant 0 : i32
      %dma_wait3A_410 = tpu.memref_slice %arg2[%dma_wait3A_408, %dma_wait3A_409] : memref<10000x64xf32, #tpu.memory_space<hbm>> -> memref<125x64xf32, #tpu.memory_space<hbm>>
      tpu.wait_dma2 semaphore(%arg19 : memref<!tpu.dma_semaphore, #tpu.memory_space<semaphore_mem>>) src(%dma_wait3A_410 : memref<125x64xf32, #tpu.memory_space<hbm>>) dst(%dma_wait3A_407 : memref<125x64xf32, #tpu.memory_space<vmem>>)
      %add3A_411 = arith.constant 2 : i32
      %add3A_412 = arith.addi %add3A_356, %add3A_411 : i32
      %lt3A_413 = arith.constant 160 : i32
      %lt3A_414 = arith.cmpi slt, %add3A_412, %lt3A_413 : i32
      %add3A_415 = arith.constant 2 : i32
      %add3A_416 = arith.addi %add3A_356, %add3A_415 : i32
      %jit3A_417 = arith.constant 3 : i32
      %select_n3A_418 = arith.select %lt3A_414, %add3A_416, %jit3A_417 : i32
      %eq3A_419 = arith.constant 0 : i32
      %eq3A_420 = arith.cmpi eq, %arg0, %eq3A_419 : i32
      %convert_element_type3A_421 = arith.extui %eq3A_420 : i1 to i32
      %cond3A_422 = arith.constant 0 : i32
      %cond3A_423 = arith.cmpi ne, %convert_element_type3A_421, %cond3A_422 : i32
      scf.if %cond3A_423 {
        %dma_start3A_430 = arith.constant 1 : i32
        %dma_start3A_431 = arith.constant 0 : i32
        %dma_start3A_432 = arith.constant 0 : i32
        %dma_start3A_433 = tpu.memref_slice %arg10[%dma_start3A_430, %dma_start3A_431, %dma_start3A_432] : memref<4x125x64xf32, #tpu.memory_space<vmem>> -> memref<1x125x64xf32, #tpu.memory_space<vmem>>
        %dma_start3A_434 = tpu.memref_squeeze %dma_start3A_433 : memref<1x125x64xf32, #tpu.memory_space<vmem>> -> memref<125x64xf32, #tpu.memory_space<vmem>>
        %dma_start3A_435 = arith.constant 0 : i32
        %dma_start3A_436 = tpu.memref_slice %arg8[%select_n3A_418, %dma_start3A_435] : memref<160x125xi32, #tpu.memory_space<vmem>> -> memref<1x125xi32, #tpu.memory_space<vmem>>
        %dma_start3A_437 = tpu.memref_squeeze %dma_start3A_436 : memref<1x125xi32, #tpu.memory_space<vmem>> -> memref<125xi32, #tpu.memory_space<vmem>>
        %dma_start3A_438 = arith.constant 0 : i32
        %dma_start3A_439 = arith.constant 0 : i32
        %dma_start3A_440 = tpu.memref_slice %arg2[%dma_start3A_438, %dma_start3A_439] : memref<10000x64xf32, #tpu.memory_space<hbm>> -> memref<10000x64xf32, #tpu.memory_space<hbm>>
        tpu.enqueue_indirect_dma source(%dma_start3A_440 : memref<10000x64xf32, #tpu.memory_space<hbm>>) target(%dma_start3A_434 : memref<125x64xf32, #tpu.memory_space<vmem>>) offsets(%dma_start3A_437 : memref<125xi32, #tpu.memory_space<vmem>>) semaphore(%arg15 : memref<!tpu.dma_semaphore, #tpu.memory_space<semaphore_mem>>)
      } else {
      }
      %eq3A_424 = arith.constant 1 : i32
      %eq3A_425 = arith.cmpi eq, %arg0, %eq3A_424 : i32
      %convert_element_type3A_426 = arith.extui %eq3A_425 : i1 to i32
      %cond3A_427 = arith.constant 0 : i32
      %cond3A_428 = arith.cmpi ne, %convert_element_type3A_426, %cond3A_427 : i32
      scf.if %cond3A_428 {
        %dma_start3A_430 = arith.constant 1 : i32
        %dma_start3A_431 = arith.constant 0 : i32
        %dma_start3A_432 = arith.constant 0 : i32
        %dma_start3A_433 = tpu.memref_slice %arg10[%dma_start3A_430, %dma_start3A_431, %dma_start3A_432] : memref<4x125x64xf32, #tpu.memory_space<vmem>> -> memref<1x125x64xf32, #tpu.memory_space<vmem>>
        %dma_start3A_434 = tpu.memref_squeeze %dma_start3A_433 : memref<1x125x64xf32, #tpu.memory_space<vmem>> -> memref<125x64xf32, #tpu.memory_space<vmem>>
        %dma_start3A_435 = arith.constant 0 : i32
        %dma_start3A_436 = tpu.memref_slice %arg8[%select_n3A_418, %dma_start3A_435] : memref<160x125xi32, #tpu.memory_space<vmem>> -> memref<1x125xi32, #tpu.memory_space<vmem>>
        %dma_start3A_437 = tpu.memref_squeeze %dma_start3A_436 : memref<1x125xi32, #tpu.memory_space<vmem>> -> memref<125xi32, #tpu.memory_space<vmem>>
        %dma_start3A_438 = arith.constant 0 : i32
        %dma_start3A_439 = arith.constant 0 : i32
        %dma_start3A_440 = tpu.memref_slice %arg3[%dma_start3A_438, %dma_start3A_439] : memref<10000x64xf32, #tpu.memory_space<hbm>> -> memref<10000x64xf32, #tpu.memory_space<hbm>>
        tpu.enqueue_indirect_dma source(%dma_start3A_440 : memref<10000x64xf32, #tpu.memory_space<hbm>>) target(%dma_start3A_434 : memref<125x64xf32, #tpu.memory_space<vmem>>) offsets(%dma_start3A_437 : memref<125xi32, #tpu.memory_space<vmem>>) semaphore(%arg15 : memref<!tpu.dma_semaphore, #tpu.memory_space<semaphore_mem>>)
      } else {
      }
      %scan3A_429 = arith.constant 0 : i32
      scf.yield %scan3A_429 : i32
    }
    %scan3A_74 = arith.constant 40 : i32
    %dma_wait3A = arith.constant 0 : i32
    %dma_wait3A_75 = arith.constant 0 : i32
    %dma_wait3A_76 = arith.constant 0 : i32
    %dma_wait3A_77 = tpu.memref_slice %arg10[%dma_wait3A, %dma_wait3A_75, %dma_wait3A_76] : memref<4x125x64xf32, #tpu.memory_space<vmem>> -> memref<1x125x64xf32, #tpu.memory_space<vmem>>
    %dma_wait3A_78 = tpu.memref_squeeze %dma_wait3A_77 : memref<1x125x64xf32, #tpu.memory_space<vmem>> -> memref<125x64xf32, #tpu.memory_space<vmem>>
    %dma_wait3A_79 = arith.constant 0 : i32
    %dma_wait3A_80 = arith.constant 0 : i32
    %dma_wait3A_81 = tpu.memref_slice %arg2[%dma_wait3A_79, %dma_wait3A_80] : memref<10000x64xf32, #tpu.memory_space<hbm>> -> memref<125x64xf32, #tpu.memory_space<hbm>>
    %dma_wait3A_82 = arith.constant 0 : i32
    %dma_wait3A_83 = arith.constant 0 : i32
    %dma_wait3A_84 = tpu.memref_slice %arg10[%dma_wait3A, %dma_wait3A_82, %dma_wait3A_83] : memref<4x125x64xf32, #tpu.memory_space<vmem>> -> memref<1x125x64xf32, #tpu.memory_space<vmem>>
    %dma_wait3A_85 = tpu.memref_squeeze %dma_wait3A_84 : memref<1x125x64xf32, #tpu.memory_space<vmem>> -> memref<125x64xf32, #tpu.memory_space<vmem>>
    %dma_wait3A_86 = arith.constant 0 : i32
    %dma_wait3A_87 = arith.constant 0 : i32
    %dma_wait3A_88 = tpu.memref_slice %arg2[%dma_wait3A_86, %dma_wait3A_87] : memref<10000x64xf32, #tpu.memory_space<hbm>> -> memref<125x64xf32, #tpu.memory_space<hbm>>
    tpu.wait_dma2 semaphore(%arg14 : memref<!tpu.dma_semaphore, #tpu.memory_space<semaphore_mem>>) src(%dma_wait3A_88 : memref<125x64xf32, #tpu.memory_space<hbm>>) dst(%dma_wait3A_85 : memref<125x64xf32, #tpu.memory_space<vmem>>)
    %dma_wait3A_89 = arith.constant 1 : i32
    %dma_wait3A_90 = arith.constant 0 : i32
    %dma_wait3A_91 = arith.constant 0 : i32
    %dma_wait3A_92 = tpu.memref_slice %arg10[%dma_wait3A_89, %dma_wait3A_90, %dma_wait3A_91] : memref<4x125x64xf32, #tpu.memory_space<vmem>> -> memref<1x125x64xf32, #tpu.memory_space<vmem>>
    %dma_wait3A_93 = tpu.memref_squeeze %dma_wait3A_92 : memref<1x125x64xf32, #tpu.memory_space<vmem>> -> memref<125x64xf32, #tpu.memory_space<vmem>>
    %dma_wait3A_94 = arith.constant 0 : i32
    %dma_wait3A_95 = arith.constant 0 : i32
    %dma_wait3A_96 = tpu.memref_slice %arg2[%dma_wait3A_94, %dma_wait3A_95] : memref<10000x64xf32, #tpu.memory_space<hbm>> -> memref<125x64xf32, #tpu.memory_space<hbm>>
    %dma_wait3A_97 = arith.constant 0 : i32
    %dma_wait3A_98 = arith.constant 0 : i32
    %dma_wait3A_99 = tpu.memref_slice %arg10[%dma_wait3A_89, %dma_wait3A_97, %dma_wait3A_98] : memref<4x125x64xf32, #tpu.memory_space<vmem>> -> memref<1x125x64xf32, #tpu.memory_space<vmem>>
    %dma_wait3A_100 = tpu.memref_squeeze %dma_wait3A_99 : memref<1x125x64xf32, #tpu.memory_space<vmem>> -> memref<125x64xf32, #tpu.memory_space<vmem>>
    %dma_wait3A_101 = arith.constant 0 : i32
    %dma_wait3A_102 = arith.constant 0 : i32
    %dma_wait3A_103 = tpu.memref_slice %arg2[%dma_wait3A_101, %dma_wait3A_102] : memref<10000x64xf32, #tpu.memory_space<hbm>> -> memref<125x64xf32, #tpu.memory_space<hbm>>
    tpu.wait_dma2 semaphore(%arg15 : memref<!tpu.dma_semaphore, #tpu.memory_space<semaphore_mem>>) src(%dma_wait3A_103 : memref<125x64xf32, #tpu.memory_space<hbm>>) dst(%dma_wait3A_100 : memref<125x64xf32, #tpu.memory_space<vmem>>)
    %dma_wait3A_104 = arith.constant 2 : i32
    %dma_wait3A_105 = arith.constant 0 : i32
    %dma_wait3A_106 = arith.constant 0 : i32
    %dma_wait3A_107 = tpu.memref_slice %arg10[%dma_wait3A_104, %dma_wait3A_105, %dma_wait3A_106] : memref<4x125x64xf32, #tpu.memory_space<vmem>> -> memref<1x125x64xf32, #tpu.memory_space<vmem>>
    %dma_wait3A_108 = tpu.memref_squeeze %dma_wait3A_107 : memref<1x125x64xf32, #tpu.memory_space<vmem>> -> memref<125x64xf32, #tpu.memory_space<vmem>>
    %dma_wait3A_109 = arith.constant 0 : i32
    %dma_wait3A_110 = arith.constant 0 : i32
    %dma_wait3A_111 = tpu.memref_slice %arg2[%dma_wait3A_109, %dma_wait3A_110] : memref<10000x64xf32, #tpu.memory_space<hbm>> -> memref<125x64xf32, #tpu.memory_space<hbm>>
    %dma_wait3A_112 = arith.constant 0 : i32
    %dma_wait3A_113 = arith.constant 0 : i32
    %dma_wait3A_114 = tpu.memref_slice %arg10[%dma_wait3A_104, %dma_wait3A_112, %dma_wait3A_113] : memref<4x125x64xf32, #tpu.memory_space<vmem>> -> memref<1x125x64xf32, #tpu.memory_space<vmem>>
    %dma_wait3A_115 = tpu.memref_squeeze %dma_wait3A_114 : memref<1x125x64xf32, #tpu.memory_space<vmem>> -> memref<125x64xf32, #tpu.memory_space<vmem>>
    %dma_wait3A_116 = arith.constant 0 : i32
    %dma_wait3A_117 = arith.constant 0 : i32
    %dma_wait3A_118 = tpu.memref_slice %arg2[%dma_wait3A_116, %dma_wait3A_117] : memref<10000x64xf32, #tpu.memory_space<hbm>> -> memref<125x64xf32, #tpu.memory_space<hbm>>
    tpu.wait_dma2 semaphore(%arg20 : memref<!tpu.dma_semaphore, #tpu.memory_space<semaphore_mem>>) src(%dma_wait3A_118 : memref<125x64xf32, #tpu.memory_space<hbm>>) dst(%dma_wait3A_115 : memref<125x64xf32, #tpu.memory_space<vmem>>)
    %dma_wait3A_119 = arith.constant 3 : i32
    %dma_wait3A_120 = arith.constant 0 : i32
    %dma_wait3A_121 = arith.constant 0 : i32
    %dma_wait3A_122 = tpu.memref_slice %arg10[%dma_wait3A_119, %dma_wait3A_120, %dma_wait3A_121] : memref<4x125x64xf32, #tpu.memory_space<vmem>> -> memref<1x125x64xf32, #tpu.memory_space<vmem>>
    %dma_wait3A_123 = tpu.memref_squeeze %dma_wait3A_122 : memref<1x125x64xf32, #tpu.memory_space<vmem>> -> memref<125x64xf32, #tpu.memory_space<vmem>>
    %dma_wait3A_124 = arith.constant 0 : i32
    %dma_wait3A_125 = arith.constant 0 : i32
    %dma_wait3A_126 = tpu.memref_slice %arg2[%dma_wait3A_124, %dma_wait3A_125] : memref<10000x64xf32, #tpu.memory_space<hbm>> -> memref<125x64xf32, #tpu.memory_space<hbm>>
    %dma_wait3A_127 = arith.constant 0 : i32
    %dma_wait3A_128 = arith.constant 0 : i32
    %dma_wait3A_129 = tpu.memref_slice %arg10[%dma_wait3A_119, %dma_wait3A_127, %dma_wait3A_128] : memref<4x125x64xf32, #tpu.memory_space<vmem>> -> memref<1x125x64xf32, #tpu.memory_space<vmem>>
    %dma_wait3A_130 = tpu.memref_squeeze %dma_wait3A_129 : memref<1x125x64xf32, #tpu.memory_space<vmem>> -> memref<125x64xf32, #tpu.memory_space<vmem>>
    %dma_wait3A_131 = arith.constant 0 : i32
    %dma_wait3A_132 = arith.constant 0 : i32
    %dma_wait3A_133 = tpu.memref_slice %arg2[%dma_wait3A_131, %dma_wait3A_132] : memref<10000x64xf32, #tpu.memory_space<hbm>> -> memref<125x64xf32, #tpu.memory_space<hbm>>
    tpu.wait_dma2 semaphore(%arg21 : memref<!tpu.dma_semaphore, #tpu.memory_space<semaphore_mem>>) src(%dma_wait3A_133 : memref<125x64xf32, #tpu.memory_space<hbm>>) dst(%dma_wait3A_130 : memref<125x64xf32, #tpu.memory_space<vmem>>)
    %dma_wait3A_134 = arith.constant 0 : i32
    %dma_wait3A_135 = arith.constant 0 : i32
    %dma_wait3A_136 = tpu.memref_slice %arg2[%dma_wait3A_134, %dma_wait3A_135] : memref<10000x64xf32, #tpu.memory_space<hbm>> -> memref<125x16xf32, #tpu.memory_space<hbm>>
    %dma_wait3A_137 = arith.constant 0 : i32
    %dma_wait3A_138 = arith.constant 0 : i32
    %dma_wait3A_139 = tpu.memref_slice %arg2[%dma_wait3A_137, %dma_wait3A_138] : memref<10000x64xf32, #tpu.memory_space<hbm>> -> memref<125x16xf32, #tpu.memory_space<hbm>>
    tpu.wait_dma2 semaphore(%arg22 : memref<!tpu.dma_semaphore, #tpu.memory_space<semaphore_mem>>) src(%dma_wait3A_139 : memref<125x16xf32, #tpu.memory_space<hbm>>) dst(%arg11 : memref<125x16xf32, #tpu.memory_space<vmem>>)
    %dma_wait3A_140 = arith.constant 0 : i32
    %dma_wait3A_141 = arith.constant 0 : i32
    %dma_wait3A_142 = tpu.memref_slice %arg2[%dma_wait3A_140, %dma_wait3A_141] : memref<10000x64xf32, #tpu.memory_space<hbm>> -> memref<125x16xf32, #tpu.memory_space<hbm>>
    %dma_wait3A_143 = arith.constant 0 : i32
    %dma_wait3A_144 = arith.constant 0 : i32
    %dma_wait3A_145 = tpu.memref_slice %arg2[%dma_wait3A_143, %dma_wait3A_144] : memref<10000x64xf32, #tpu.memory_space<hbm>> -> memref<125x16xf32, #tpu.memory_space<hbm>>
    tpu.wait_dma2 semaphore(%arg22 : memref<!tpu.dma_semaphore, #tpu.memory_space<semaphore_mem>>) src(%dma_wait3A_145 : memref<125x16xf32, #tpu.memory_space<hbm>>) dst(%arg11 : memref<125x16xf32, #tpu.memory_space<vmem>>)
    %barrier3A_146 = arith.constant 0 : index
    tpu.barrier barrier_id(%barrier3A_146)
    %mul3A_147 = arith.constant 640 : i32
    %mul3A_148 = arith.muli %arg1, %mul3A_147 : i32
    "tpu.region"() ({
      %run_scoped3A_149 = tpu.sem_alloc : memref<!tpu.dma_semaphore, #tpu.memory_space<semaphore_mem>>
      %dma_start3A = arith.constant 0 : i32
      %dma_start3A_150 = tpu.memref_slice %arg6[%arg0, %mul3A_148, %dma_start3A] : memref<2x10240x64xf32, #tpu.memory_space<hbm>> -> memref<1x640x64xf32, #tpu.memory_space<hbm>>
      %dma_start3A_151 = tpu.memref_squeeze %dma_start3A_150 : memref<1x640x64xf32, #tpu.memory_space<hbm>> -> memref<640x64xf32, #tpu.memory_space<hbm>>
      %dma_start3A_152 = arith.constant 0 : i32
      %dma_start3A_153 = tpu.memref_slice %arg12[%mul3A_148, %dma_start3A_152] : memref<10240x64xf32, #tpu.memory_space<vmem_shared>> -> memref<640x64xf32, #tpu.memory_space<vmem_shared>>
      tpu.enqueue_dma source(%dma_start3A_153 : memref<640x64xf32, #tpu.memory_space<vmem_shared>>) target(%dma_start3A_151 : memref<640x64xf32, #tpu.memory_space<hbm>>) target_semaphore(%run_scoped3A_149 : memref<!tpu.dma_semaphore, #tpu.memory_space<semaphore_mem>>)
      %dma_wait3A_154 = arith.constant 0 : i32
      %dma_wait3A_155 = tpu.memref_slice %arg6[%arg0, %mul3A_148, %dma_wait3A_154] : memref<2x10240x64xf32, #tpu.memory_space<hbm>> -> memref<1x640x64xf32, #tpu.memory_space<hbm>>
      %dma_wait3A_156 = tpu.memref_squeeze %dma_wait3A_155 : memref<1x640x64xf32, #tpu.memory_space<hbm>> -> memref<640x64xf32, #tpu.memory_space<hbm>>
      %dma_wait3A_157 = arith.constant 0 : i32
      %dma_wait3A_158 = tpu.memref_slice %arg12[%mul3A_148, %dma_wait3A_157] : memref<10240x64xf32, #tpu.memory_space<vmem_shared>> -> memref<640x64xf32, #tpu.memory_space<vmem_shared>>
      tpu.wait_dma2 semaphore(%run_scoped3A_149 : memref<!tpu.dma_semaphore, #tpu.memory_space<semaphore_mem>>) src(%dma_wait3A_158 : memref<640x64xf32, #tpu.memory_space<vmem_shared>>) dst(%dma_wait3A_156 : memref<640x64xf32, #tpu.memory_space<hbm>>)
      tpu.yield
    }) : () -> ()
    "tpu.region"() ({
      %run_scoped3A_149 = tpu.sem_alloc : memref<!tpu.dma_semaphore, #tpu.memory_space<semaphore_mem>>
      %dma_start3A = arith.constant 0 : i32
      %dma_start3A_150 = tpu.memref_slice %arg7[%arg0, %mul3A_148, %dma_start3A] : memref<2x10240x16xf32, #tpu.memory_space<hbm>> -> memref<1x640x16xf32, #tpu.memory_space<hbm>>
      %dma_start3A_151 = tpu.memref_squeeze %dma_start3A_150 : memref<1x640x16xf32, #tpu.memory_space<hbm>> -> memref<640x16xf32, #tpu.memory_space<hbm>>
      %dma_start3A_152 = arith.constant 0 : i32
      %dma_start3A_153 = tpu.memref_slice %arg13[%mul3A_148, %dma_start3A_152] : memref<10240x16xf32, #tpu.memory_space<vmem_shared>> -> memref<640x16xf32, #tpu.memory_space<vmem_shared>>
      tpu.enqueue_dma source(%dma_start3A_153 : memref<640x16xf32, #tpu.memory_space<vmem_shared>>) target(%dma_start3A_151 : memref<640x16xf32, #tpu.memory_space<hbm>>) target_semaphore(%run_scoped3A_149 : memref<!tpu.dma_semaphore, #tpu.memory_space<semaphore_mem>>)
      %dma_wait3A_154 = arith.constant 0 : i32
      %dma_wait3A_155 = tpu.memref_slice %arg7[%arg0, %mul3A_148, %dma_wait3A_154] : memref<2x10240x16xf32, #tpu.memory_space<hbm>> -> memref<1x640x16xf32, #tpu.memory_space<hbm>>
      %dma_wait3A_156 = tpu.memref_squeeze %dma_wait3A_155 : memref<1x640x16xf32, #tpu.memory_space<hbm>> -> memref<640x16xf32, #tpu.memory_space<hbm>>
      %dma_wait3A_157 = arith.constant 0 : i32
      %dma_wait3A_158 = tpu.memref_slice %arg13[%mul3A_148, %dma_wait3A_157] : memref<10240x16xf32, #tpu.memory_space<vmem_shared>> -> memref<640x16xf32, #tpu.memory_space<vmem_shared>>
      tpu.wait_dma2 semaphore(%run_scoped3A_149 : memref<!tpu.dma_semaphore, #tpu.memory_space<semaphore_mem>>) src(%dma_wait3A_158 : memref<640x16xf32, #tpu.memory_space<vmem_shared>>) dst(%dma_wait3A_156 : memref<640x16xf32, #tpu.memory_space<hbm>>)
      tpu.yield
    }) : () -> ()
    return
  }
}

#map = affine_map<(d0, d1) -> (0, 0)>
#map1 = affine_map<(d0, d1) -> (0, 0, 0)>
module attributes {stable_mosaic.version = 14 : i64} {
  func.func @agg_kernel(%arg0: i32, %arg1: i32, %arg2: memref<10000x64xf32, #tpu.memory_space<hbm>>, %arg3: memref<10000x64xf32, #tpu.memory_space<hbm>>, %arg4: memref<2560x125xi32, #tpu.memory_space<hbm>>, %arg5: memref<2560x125xi32, #tpu.memory_space<hbm>>, %arg6: memref<2x10240x64xf32, #tpu.memory_space<hbm>>, %arg7: memref<160x125xi32, #tpu.memory_space<vmem>>, %arg8: memref<160x125xi32, #tpu.memory_space<vmem>>, %arg9: memref<4x125x64xf32, #tpu.memory_space<vmem>>, %arg10: memref<125x16xf32, #tpu.memory_space<vmem>>, %arg11: memref<10240x64xf32, #tpu.memory_space<vmem_shared>>, %arg12: memref<!tpu.dma_semaphore, #tpu.memory_space<semaphore_mem>>, %arg13: memref<!tpu.dma_semaphore, #tpu.memory_space<semaphore_mem>>, %arg14: memref<!tpu.dma_semaphore, #tpu.memory_space<semaphore_mem>>, %arg15: memref<!tpu.dma_semaphore, #tpu.memory_space<semaphore_mem>>, %arg16: memref<!tpu.dma_semaphore, #tpu.memory_space<semaphore_mem>>, %arg17: memref<!tpu.dma_semaphore, #tpu.memory_space<semaphore_mem>>, %arg18: memref<!tpu.dma_semaphore, #tpu.memory_space<semaphore_mem>>, %arg19: memref<!tpu.dma_semaphore, #tpu.memory_space<semaphore_mem>>, %arg20: memref<!tpu.dma_semaphore, #tpu.memory_space<semaphore_mem>>) attributes {dimension_semantics = [#tpu.dimension_semantics<core_parallel>, #tpu.dimension_semantics<subcore_parallel>], iteration_bounds = array<i64: 2, 16>, scalar_prefetch = 0 : i64, scratch_operands = 14 : i64, tpu.core_type = #tpu.core_type<sc_vector_subcore>, window_params = [{transform_indices = #map}, {transform_indices = #map}, {transform_indices = #map}, {transform_indices = #map}, {transform_indices = #map1}]} {
    %mul3A = arith.constant 160 : i32
    %mul3A_0 = arith.muli %arg1, %mul3A : i32
    "tpu.region"() ({
      %run_scoped3A_137 = tpu.sem_alloc : memref<!tpu.dma_semaphore, #tpu.memory_space<semaphore_mem>>
      %dma_start3A = arith.constant 0 : i32
      %dma_start3A_138 = tpu.memref_slice %arg4[%mul3A_0, %dma_start3A] : memref<2560x125xi32, #tpu.memory_space<hbm>> -> memref<160x125xi32, #tpu.memory_space<hbm>>
      %dma_start3A_139 = arith.constant 0 : i32
      %dma_start3A_140 = tpu.memref_slice %arg4[%mul3A_0, %dma_start3A_139] : memref<2560x125xi32, #tpu.memory_space<hbm>> -> memref<160x125xi32, #tpu.memory_space<hbm>>
      tpu.enqueue_dma source(%dma_start3A_140 : memref<160x125xi32, #tpu.memory_space<hbm>>) target(%arg7 : memref<160x125xi32, #tpu.memory_space<vmem>>) target_semaphore(%run_scoped3A_137 : memref<!tpu.dma_semaphore, #tpu.memory_space<semaphore_mem>>)
      %dma_wait3A_141 = arith.constant 0 : i32
      %dma_wait3A_142 = tpu.memref_slice %arg4[%mul3A_0, %dma_wait3A_141] : memref<2560x125xi32, #tpu.memory_space<hbm>> -> memref<160x125xi32, #tpu.memory_space<hbm>>
      %dma_wait3A_143 = arith.constant 0 : i32
      %dma_wait3A_144 = tpu.memref_slice %arg4[%mul3A_0, %dma_wait3A_143] : memref<2560x125xi32, #tpu.memory_space<hbm>> -> memref<160x125xi32, #tpu.memory_space<hbm>>
      tpu.wait_dma2 semaphore(%run_scoped3A_137 : memref<!tpu.dma_semaphore, #tpu.memory_space<semaphore_mem>>) src(%dma_wait3A_144 : memref<160x125xi32, #tpu.memory_space<hbm>>) dst(%arg7 : memref<160x125xi32, #tpu.memory_space<vmem>>)
      tpu.yield
    }) : () -> ()
    %mul3A_1 = arith.constant 160 : i32
    %mul3A_2 = arith.muli %arg1, %mul3A_1 : i32
    "tpu.region"() ({
      %run_scoped3A_137 = tpu.sem_alloc : memref<!tpu.dma_semaphore, #tpu.memory_space<semaphore_mem>>
      %dma_start3A = arith.constant 0 : i32
      %dma_start3A_138 = tpu.memref_slice %arg5[%mul3A_2, %dma_start3A] : memref<2560x125xi32, #tpu.memory_space<hbm>> -> memref<160x125xi32, #tpu.memory_space<hbm>>
      %dma_start3A_139 = arith.constant 0 : i32
      %dma_start3A_140 = tpu.memref_slice %arg5[%mul3A_2, %dma_start3A_139] : memref<2560x125xi32, #tpu.memory_space<hbm>> -> memref<160x125xi32, #tpu.memory_space<hbm>>
      tpu.enqueue_dma source(%dma_start3A_140 : memref<160x125xi32, #tpu.memory_space<hbm>>) target(%arg8 : memref<160x125xi32, #tpu.memory_space<vmem>>) target_semaphore(%run_scoped3A_137 : memref<!tpu.dma_semaphore, #tpu.memory_space<semaphore_mem>>)
      %dma_wait3A_141 = arith.constant 0 : i32
      %dma_wait3A_142 = tpu.memref_slice %arg5[%mul3A_2, %dma_wait3A_141] : memref<2560x125xi32, #tpu.memory_space<hbm>> -> memref<160x125xi32, #tpu.memory_space<hbm>>
      %dma_wait3A_143 = arith.constant 0 : i32
      %dma_wait3A_144 = tpu.memref_slice %arg5[%mul3A_2, %dma_wait3A_143] : memref<2560x125xi32, #tpu.memory_space<hbm>> -> memref<160x125xi32, #tpu.memory_space<hbm>>
      tpu.wait_dma2 semaphore(%run_scoped3A_137 : memref<!tpu.dma_semaphore, #tpu.memory_space<semaphore_mem>>) src(%dma_wait3A_144 : memref<160x125xi32, #tpu.memory_space<hbm>>) dst(%arg8 : memref<160x125xi32, #tpu.memory_space<vmem>>)
      tpu.yield
    }) : () -> ()
    %scan3A = arith.constant 0 : i32
    %scan3A_3 = arith.constant 0 : i32
    %scan3A_4 = arith.constant 125 : i32
    %scan3A_5 = arith.addi %scan3A_3, %scan3A_4 : i32
    %scan3A_6 = arith.constant 1 : i32
    %scan3A_7 = scf.for %scan3A_137 = %scan3A_3 to %scan3A_5 step %scan3A_6 iter_args(%scan3A_138 = %scan3A) -> (i32)  : i32 {
      %broadcast_in_dim3A = arith.constant 0.000000e+00 : f32
      %broadcast_in_dim3A_139 = vector.broadcast %broadcast_in_dim3A : f32 to vector<16xf32>
      %swap3A = arith.constant 0 : i32
      %swap3A_140 = arith.index_cast %swap3A : i32 to index
      %swap3A_141 = arith.index_cast %scan3A_137 : i32 to index
      %swap3A_142 = arith.constant 0 : index
      %swap3A_143 = tpu.vector_load %arg9[%swap3A_140, %swap3A_141, %swap3A_142] {strides = array<i32>} : memref<4x125x64xf32, #tpu.memory_space<vmem>>, vector<1x1x16xf32>,
      %swap3A_144 = vector.shape_cast %swap3A_143 : vector<1x1x16xf32> to vector<16xf32>
      %swap3A_145 = vector.shape_cast %broadcast_in_dim3A_139 : vector<16xf32> to vector<1x1x16xf32>
      tpu.vector_store %arg9[%swap3A_140, %swap3A_141, %swap3A_142], %swap3A_145 {strides = array<i32>} : memref<4x125x64xf32, #tpu.memory_space<vmem>>, vector<1x1x16xf32>,
      %broadcast_in_dim3A_146 = arith.constant 0.000000e+00 : f32
      %broadcast_in_dim3A_147 = vector.broadcast %broadcast_in_dim3A_146 : f32 to vector<16xf32>
      %swap3A_148 = arith.constant 0 : i32
      %swap3A_149 = arith.index_cast %swap3A_148 : i32 to index
      %swap3A_150 = arith.index_cast %scan3A_137 : i32 to index
      %swap3A_151 = arith.constant 16 : index
      %swap3A_152 = tpu.vector_load %arg9[%swap3A_149, %swap3A_150, %swap3A_151] {strides = array<i32>} : memref<4x125x64xf32, #tpu.memory_space<vmem>>, vector<1x1x16xf32>,
      %swap3A_153 = vector.shape_cast %swap3A_152 : vector<1x1x16xf32> to vector<16xf32>
      %swap3A_154 = vector.shape_cast %broadcast_in_dim3A_147 : vector<16xf32> to vector<1x1x16xf32>
      tpu.vector_store %arg9[%swap3A_149, %swap3A_150, %swap3A_151], %swap3A_154 {strides = array<i32>} : memref<4x125x64xf32, #tpu.memory_space<vmem>>, vector<1x1x16xf32>,
      %broadcast_in_dim3A_155 = arith.constant 0.000000e+00 : f32
      %broadcast_in_dim3A_156 = vector.broadcast %broadcast_in_dim3A_155 : f32 to vector<16xf32>
      %swap3A_157 = arith.constant 0 : i32
      %swap3A_158 = arith.index_cast %swap3A_157 : i32 to index
      %swap3A_159 = arith.index_cast %scan3A_137 : i32 to index
      %swap3A_160 = arith.constant 32 : index
      %swap3A_161 = tpu.vector_load %arg9[%swap3A_158, %swap3A_159, %swap3A_160] {strides = array<i32>} : memref<4x125x64xf32, #tpu.memory_space<vmem>>, vector<1x1x16xf32>,
      %swap3A_162 = vector.shape_cast %swap3A_161 : vector<1x1x16xf32> to vector<16xf32>
      %swap3A_163 = vector.shape_cast %broadcast_in_dim3A_156 : vector<16xf32> to vector<1x1x16xf32>
      tpu.vector_store %arg9[%swap3A_158, %swap3A_159, %swap3A_160], %swap3A_163 {strides = array<i32>} : memref<4x125x64xf32, #tpu.memory_space<vmem>>, vector<1x1x16xf32>,
      %broadcast_in_dim3A_164 = arith.constant 0.000000e+00 : f32
      %broadcast_in_dim3A_165 = vector.broadcast %broadcast_in_dim3A_164 : f32 to vector<16xf32>
      %swap3A_166 = arith.constant 0 : i32
      %swap3A_167 = arith.index_cast %swap3A_166 : i32 to index
      %swap3A_168 = arith.index_cast %scan3A_137 : i32 to index
      %swap3A_169 = arith.constant 48 : index
      %swap3A_170 = tpu.vector_load %arg9[%swap3A_167, %swap3A_168, %swap3A_169] {strides = array<i32>} : memref<4x125x64xf32, #tpu.memory_space<vmem>>, vector<1x1x16xf32>,
      %swap3A_171 = vector.shape_cast %swap3A_170 : vector<1x1x16xf32> to vector<16xf32>
      %swap3A_172 = vector.shape_cast %broadcast_in_dim3A_165 : vector<16xf32> to vector<1x1x16xf32>
      tpu.vector_store %arg9[%swap3A_167, %swap3A_168, %swap3A_169], %swap3A_172 {strides = array<i32>} : memref<4x125x64xf32, #tpu.memory_space<vmem>>, vector<1x1x16xf32>,
      %scan3A_173 = arith.constant 0 : i32
      scf.yield %scan3A_173 : i32
    }
    %scan3A_8 = arith.constant 125 : i32
    %scan3A_9 = arith.constant 0 : i32
    %scan3A_10 = arith.constant 0 : i32
    %scan3A_11 = arith.constant 125 : i32
    %scan3A_12 = arith.addi %scan3A_10, %scan3A_11 : i32
    %scan3A_13 = arith.constant 1 : i32
    %scan3A_14 = scf.for %scan3A_137 = %scan3A_10 to %scan3A_12 step %scan3A_13 iter_args(%scan3A_138 = %scan3A_9) -> (i32)  : i32 {
      %broadcast_in_dim3A = arith.constant 0.000000e+00 : f32
      %broadcast_in_dim3A_139 = vector.broadcast %broadcast_in_dim3A : f32 to vector<16xf32>
      %swap3A = arith.index_cast %scan3A_137 : i32 to index
      %swap3A_140 = arith.constant 0 : index
      %swap3A_141 = tpu.vector_load %arg10[%swap3A, %swap3A_140] {strides = array<i32>} : memref<125x16xf32, #tpu.memory_space<vmem>>, vector<1x16xf32>,
      %swap3A_142 = vector.shape_cast %swap3A_141 : vector<1x16xf32> to vector<16xf32>
      %swap3A_143 = vector.shape_cast %broadcast_in_dim3A_139 : vector<16xf32> to vector<1x16xf32>
      tpu.vector_store %arg10[%swap3A, %swap3A_140], %swap3A_143 {strides = array<i32>} : memref<125x16xf32, #tpu.memory_space<vmem>>, vector<1x16xf32>,
      %scan3A_144 = arith.constant 0 : i32
      scf.yield %scan3A_144 : i32
    }
    %scan3A_15 = arith.constant 125 : i32
    %mul3A_16 = arith.constant 640 : i32
    %mul3A_17 = arith.muli %arg1, %mul3A_16 : i32
    %add3A = arith.constant 0 : i32
    %add3A_18 = arith.addi %mul3A_17, %add3A : i32
    %run_scoped3A = arith.constant 0 : i32
    "tpu.region"() ({
      %run_scoped3A_137 = tpu.sem_alloc : memref<!tpu.dma_semaphore, #tpu.memory_space<semaphore_mem>>
      %dma_start3A = arith.constant 0 : i32
      %dma_start3A_138 = arith.constant 0 : i32
      %dma_start3A_139 = tpu.memref_slice %arg9[%run_scoped3A, %dma_start3A, %dma_start3A_138] : memref<4x125x64xf32, #tpu.memory_space<vmem>> -> memref<1x120x64xf32, #tpu.memory_space<vmem>>
      %dma_start3A_140 = tpu.memref_squeeze %dma_start3A_139 : memref<1x120x64xf32, #tpu.memory_space<vmem>> -> memref<120x64xf32, #tpu.memory_space<vmem>>
      %dma_start3A_141 = arith.constant 0 : i32
      %dma_start3A_142 = tpu.memref_slice %arg11[%add3A_18, %dma_start3A_141] : memref<10240x64xf32, #tpu.memory_space<vmem_shared>> -> memref<120x64xf32, #tpu.memory_space<vmem_shared>>
      %dma_start3A_143 = arith.constant 0 : i32
      %dma_start3A_144 = tpu.memref_slice %arg11[%add3A_18, %dma_start3A_143] : memref<10240x64xf32, #tpu.memory_space<vmem_shared>> -> memref<120x64xf32, #tpu.memory_space<vmem_shared>>
      %dma_start3A_145 = arith.constant 0 : i32
      %dma_start3A_146 = arith.constant 0 : i32
      %dma_start3A_147 = tpu.memref_slice %arg9[%run_scoped3A, %dma_start3A_145, %dma_start3A_146] : memref<4x125x64xf32, #tpu.memory_space<vmem>> -> memref<1x120x64xf32, #tpu.memory_space<vmem>>
      %dma_start3A_148 = tpu.memref_squeeze %dma_start3A_147 : memref<1x120x64xf32, #tpu.memory_space<vmem>> -> memref<120x64xf32, #tpu.memory_space<vmem>>
      tpu.enqueue_dma source(%dma_start3A_148 : memref<120x64xf32, #tpu.memory_space<vmem>>) target(%dma_start3A_144 : memref<120x64xf32, #tpu.memory_space<vmem_shared>>) target_semaphore(%run_scoped3A_137 : memref<!tpu.dma_semaphore, #tpu.memory_space<semaphore_mem>>)
      %dma_wait3A_149 = arith.constant 0 : i32
      %dma_wait3A_150 = arith.constant 0 : i32
      %dma_wait3A_151 = tpu.memref_slice %arg9[%run_scoped3A, %dma_wait3A_149, %dma_wait3A_150] : memref<4x125x64xf32, #tpu.memory_space<vmem>> -> memref<1x120x64xf32, #tpu.memory_space<vmem>>
      %dma_wait3A_152 = tpu.memref_squeeze %dma_wait3A_151 : memref<1x120x64xf32, #tpu.memory_space<vmem>> -> memref<120x64xf32, #tpu.memory_space<vmem>>
      %dma_wait3A_153 = arith.constant 0 : i32
      %dma_wait3A_154 = tpu.memref_slice %arg11[%add3A_18, %dma_wait3A_153] : memref<10240x64xf32, #tpu.memory_space<vmem_shared>> -> memref<120x64xf32, #tpu.memory_space<vmem_shared>>
      %dma_wait3A_155 = arith.constant 0 : i32
      %dma_wait3A_156 = tpu.memref_slice %arg11[%add3A_18, %dma_wait3A_155] : memref<10240x64xf32, #tpu.memory_space<vmem_shared>> -> memref<120x64xf32, #tpu.memory_space<vmem_shared>>
      %dma_wait3A_157 = arith.constant 0 : i32
      %dma_wait3A_158 = arith.constant 0 : i32
      %dma_wait3A_159 = tpu.memref_slice %arg9[%run_scoped3A, %dma_wait3A_157, %dma_wait3A_158] : memref<4x125x64xf32, #tpu.memory_space<vmem>> -> memref<1x120x64xf32, #tpu.memory_space<vmem>>
      %dma_wait3A_160 = tpu.memref_squeeze %dma_wait3A_159 : memref<1x120x64xf32, #tpu.memory_space<vmem>> -> memref<120x64xf32, #tpu.memory_space<vmem>>
      tpu.wait_dma2 semaphore(%run_scoped3A_137 : memref<!tpu.dma_semaphore, #tpu.memory_space<semaphore_mem>>) src(%dma_wait3A_160 : memref<120x64xf32, #tpu.memory_space<vmem>>) dst(%dma_wait3A_156 : memref<120x64xf32, #tpu.memory_space<vmem_shared>>)
      tpu.yield
    }) : () -> ()
    %mul3A_19 = arith.constant 640 : i32
    %mul3A_20 = arith.muli %arg1, %mul3A_19 : i32
    %add3A_21 = arith.constant 120 : i32
    %add3A_22 = arith.addi %mul3A_20, %add3A_21 : i32
    %run_scoped3A_23 = arith.constant 0 : i32
    "tpu.region"() ({
      %run_scoped3A_137 = tpu.sem_alloc : memref<!tpu.dma_semaphore, #tpu.memory_space<semaphore_mem>>
      %dma_start3A = arith.constant 0 : i32
      %dma_start3A_138 = arith.constant 0 : i32
      %dma_start3A_139 = tpu.memref_slice %arg9[%run_scoped3A_23, %dma_start3A, %dma_start3A_138] : memref<4x125x64xf32, #tpu.memory_space<vmem>> -> memref<1x120x64xf32, #tpu.memory_space<vmem>>
      %dma_start3A_140 = tpu.memref_squeeze %dma_start3A_139 : memref<1x120x64xf32, #tpu.memory_space<vmem>> -> memref<120x64xf32, #tpu.memory_space<vmem>>
      %dma_start3A_141 = arith.constant 0 : i32
      %dma_start3A_142 = tpu.memref_slice %arg11[%add3A_22, %dma_start3A_141] : memref<10240x64xf32, #tpu.memory_space<vmem_shared>> -> memref<120x64xf32, #tpu.memory_space<vmem_shared>>
      %dma_start3A_143 = arith.constant 0 : i32
      %dma_start3A_144 = tpu.memref_slice %arg11[%add3A_22, %dma_start3A_143] : memref<10240x64xf32, #tpu.memory_space<vmem_shared>> -> memref<120x64xf32, #tpu.memory_space<vmem_shared>>
      %dma_start3A_145 = arith.constant 0 : i32
      %dma_start3A_146 = arith.constant 0 : i32
      %dma_start3A_147 = tpu.memref_slice %arg9[%run_scoped3A_23, %dma_start3A_145, %dma_start3A_146] : memref<4x125x64xf32, #tpu.memory_space<vmem>> -> memref<1x120x64xf32, #tpu.memory_space<vmem>>
      %dma_start3A_148 = tpu.memref_squeeze %dma_start3A_147 : memref<1x120x64xf32, #tpu.memory_space<vmem>> -> memref<120x64xf32, #tpu.memory_space<vmem>>
      tpu.enqueue_dma source(%dma_start3A_148 : memref<120x64xf32, #tpu.memory_space<vmem>>) target(%dma_start3A_144 : memref<120x64xf32, #tpu.memory_space<vmem_shared>>) target_semaphore(%run_scoped3A_137 : memref<!tpu.dma_semaphore, #tpu.memory_space<semaphore_mem>>)
      %dma_wait3A_149 = arith.constant 0 : i32
      %dma_wait3A_150 = arith.constant 0 : i32
      %dma_wait3A_151 = tpu.memref_slice %arg9[%run_scoped3A_23, %dma_wait3A_149, %dma_wait3A_150] : memref<4x125x64xf32, #tpu.memory_space<vmem>> -> memref<1x120x64xf32, #tpu.memory_space<vmem>>
      %dma_wait3A_152 = tpu.memref_squeeze %dma_wait3A_151 : memref<1x120x64xf32, #tpu.memory_space<vmem>> -> memref<120x64xf32, #tpu.memory_space<vmem>>
      %dma_wait3A_153 = arith.constant 0 : i32
      %dma_wait3A_154 = tpu.memref_slice %arg11[%add3A_22, %dma_wait3A_153] : memref<10240x64xf32, #tpu.memory_space<vmem_shared>> -> memref<120x64xf32, #tpu.memory_space<vmem_shared>>
      %dma_wait3A_155 = arith.constant 0 : i32
      %dma_wait3A_156 = tpu.memref_slice %arg11[%add3A_22, %dma_wait3A_155] : memref<10240x64xf32, #tpu.memory_space<vmem_shared>> -> memref<120x64xf32, #tpu.memory_space<vmem_shared>>
      %dma_wait3A_157 = arith.constant 0 : i32
      %dma_wait3A_158 = arith.constant 0 : i32
      %dma_wait3A_159 = tpu.memref_slice %arg9[%run_scoped3A_23, %dma_wait3A_157, %dma_wait3A_158] : memref<4x125x64xf32, #tpu.memory_space<vmem>> -> memref<1x120x64xf32, #tpu.memory_space<vmem>>
      %dma_wait3A_160 = tpu.memref_squeeze %dma_wait3A_159 : memref<1x120x64xf32, #tpu.memory_space<vmem>> -> memref<120x64xf32, #tpu.memory_space<vmem>>
      tpu.wait_dma2 semaphore(%run_scoped3A_137 : memref<!tpu.dma_semaphore, #tpu.memory_space<semaphore_mem>>) src(%dma_wait3A_160 : memref<120x64xf32, #tpu.memory_space<vmem>>) dst(%dma_wait3A_156 : memref<120x64xf32, #tpu.memory_space<vmem_shared>>)
      tpu.yield
    }) : () -> ()
    %mul3A_24 = arith.constant 640 : i32
    %mul3A_25 = arith.muli %arg1, %mul3A_24 : i32
    %add3A_26 = arith.constant 240 : i32
    %add3A_27 = arith.addi %mul3A_25, %add3A_26 : i32
    %run_scoped3A_28 = arith.constant 0 : i32
    "tpu.region"() ({
      %run_scoped3A_137 = tpu.sem_alloc : memref<!tpu.dma_semaphore, #tpu.memory_space<semaphore_mem>>
      %dma_start3A = arith.constant 0 : i32
      %dma_start3A_138 = arith.constant 0 : i32
      %dma_start3A_139 = tpu.memref_slice %arg9[%run_scoped3A_28, %dma_start3A, %dma_start3A_138] : memref<4x125x64xf32, #tpu.memory_space<vmem>> -> memref<1x120x64xf32, #tpu.memory_space<vmem>>
      %dma_start3A_140 = tpu.memref_squeeze %dma_start3A_139 : memref<1x120x64xf32, #tpu.memory_space<vmem>> -> memref<120x64xf32, #tpu.memory_space<vmem>>
      %dma_start3A_141 = arith.constant 0 : i32
      %dma_start3A_142 = tpu.memref_slice %arg11[%add3A_27, %dma_start3A_141] : memref<10240x64xf32, #tpu.memory_space<vmem_shared>> -> memref<120x64xf32, #tpu.memory_space<vmem_shared>>
      %dma_start3A_143 = arith.constant 0 : i32
      %dma_start3A_144 = tpu.memref_slice %arg11[%add3A_27, %dma_start3A_143] : memref<10240x64xf32, #tpu.memory_space<vmem_shared>> -> memref<120x64xf32, #tpu.memory_space<vmem_shared>>
      %dma_start3A_145 = arith.constant 0 : i32
      %dma_start3A_146 = arith.constant 0 : i32
      %dma_start3A_147 = tpu.memref_slice %arg9[%run_scoped3A_28, %dma_start3A_145, %dma_start3A_146] : memref<4x125x64xf32, #tpu.memory_space<vmem>> -> memref<1x120x64xf32, #tpu.memory_space<vmem>>
      %dma_start3A_148 = tpu.memref_squeeze %dma_start3A_147 : memref<1x120x64xf32, #tpu.memory_space<vmem>> -> memref<120x64xf32, #tpu.memory_space<vmem>>
      tpu.enqueue_dma source(%dma_start3A_148 : memref<120x64xf32, #tpu.memory_space<vmem>>) target(%dma_start3A_144 : memref<120x64xf32, #tpu.memory_space<vmem_shared>>) target_semaphore(%run_scoped3A_137 : memref<!tpu.dma_semaphore, #tpu.memory_space<semaphore_mem>>)
      %dma_wait3A_149 = arith.constant 0 : i32
      %dma_wait3A_150 = arith.constant 0 : i32
      %dma_wait3A_151 = tpu.memref_slice %arg9[%run_scoped3A_28, %dma_wait3A_149, %dma_wait3A_150] : memref<4x125x64xf32, #tpu.memory_space<vmem>> -> memref<1x120x64xf32, #tpu.memory_space<vmem>>
      %dma_wait3A_152 = tpu.memref_squeeze %dma_wait3A_151 : memref<1x120x64xf32, #tpu.memory_space<vmem>> -> memref<120x64xf32, #tpu.memory_space<vmem>>
      %dma_wait3A_153 = arith.constant 0 : i32
      %dma_wait3A_154 = tpu.memref_slice %arg11[%add3A_27, %dma_wait3A_153] : memref<10240x64xf32, #tpu.memory_space<vmem_shared>> -> memref<120x64xf32, #tpu.memory_space<vmem_shared>>
      %dma_wait3A_155 = arith.constant 0 : i32
      %dma_wait3A_156 = tpu.memref_slice %arg11[%add3A_27, %dma_wait3A_155] : memref<10240x64xf32, #tpu.memory_space<vmem_shared>> -> memref<120x64xf32, #tpu.memory_space<vmem_shared>>
      %dma_wait3A_157 = arith.constant 0 : i32
      %dma_wait3A_158 = arith.constant 0 : i32
      %dma_wait3A_159 = tpu.memref_slice %arg9[%run_scoped3A_28, %dma_wait3A_157, %dma_wait3A_158] : memref<4x125x64xf32, #tpu.memory_space<vmem>> -> memref<1x120x64xf32, #tpu.memory_space<vmem>>
      %dma_wait3A_160 = tpu.memref_squeeze %dma_wait3A_159 : memref<1x120x64xf32, #tpu.memory_space<vmem>> -> memref<120x64xf32, #tpu.memory_space<vmem>>
      tpu.wait_dma2 semaphore(%run_scoped3A_137 : memref<!tpu.dma_semaphore, #tpu.memory_space<semaphore_mem>>) src(%dma_wait3A_160 : memref<120x64xf32, #tpu.memory_space<vmem>>) dst(%dma_wait3A_156 : memref<120x64xf32, #tpu.memory_space<vmem_shared>>)
      tpu.yield
    }) : () -> ()
    %mul3A_29 = arith.constant 640 : i32
    %mul3A_30 = arith.muli %arg1, %mul3A_29 : i32
    %add3A_31 = arith.constant 360 : i32
    %add3A_32 = arith.addi %mul3A_30, %add3A_31 : i32
    %run_scoped3A_33 = arith.constant 0 : i32
    "tpu.region"() ({
      %run_scoped3A_137 = tpu.sem_alloc : memref<!tpu.dma_semaphore, #tpu.memory_space<semaphore_mem>>
      %dma_start3A = arith.constant 0 : i32
      %dma_start3A_138 = arith.constant 0 : i32
      %dma_start3A_139 = tpu.memref_slice %arg9[%run_scoped3A_33, %dma_start3A, %dma_start3A_138] : memref<4x125x64xf32, #tpu.memory_space<vmem>> -> memref<1x120x64xf32, #tpu.memory_space<vmem>>
      %dma_start3A_140 = tpu.memref_squeeze %dma_start3A_139 : memref<1x120x64xf32, #tpu.memory_space<vmem>> -> memref<120x64xf32, #tpu.memory_space<vmem>>
      %dma_start3A_141 = arith.constant 0 : i32
      %dma_start3A_142 = tpu.memref_slice %arg11[%add3A_32, %dma_start3A_141] : memref<10240x64xf32, #tpu.memory_space<vmem_shared>> -> memref<120x64xf32, #tpu.memory_space<vmem_shared>>
      %dma_start3A_143 = arith.constant 0 : i32
      %dma_start3A_144 = tpu.memref_slice %arg11[%add3A_32, %dma_start3A_143] : memref<10240x64xf32, #tpu.memory_space<vmem_shared>> -> memref<120x64xf32, #tpu.memory_space<vmem_shared>>
      %dma_start3A_145 = arith.constant 0 : i32
      %dma_start3A_146 = arith.constant 0 : i32
      %dma_start3A_147 = tpu.memref_slice %arg9[%run_scoped3A_33, %dma_start3A_145, %dma_start3A_146] : memref<4x125x64xf32, #tpu.memory_space<vmem>> -> memref<1x120x64xf32, #tpu.memory_space<vmem>>
      %dma_start3A_148 = tpu.memref_squeeze %dma_start3A_147 : memref<1x120x64xf32, #tpu.memory_space<vmem>> -> memref<120x64xf32, #tpu.memory_space<vmem>>
      tpu.enqueue_dma source(%dma_start3A_148 : memref<120x64xf32, #tpu.memory_space<vmem>>) target(%dma_start3A_144 : memref<120x64xf32, #tpu.memory_space<vmem_shared>>) target_semaphore(%run_scoped3A_137 : memref<!tpu.dma_semaphore, #tpu.memory_space<semaphore_mem>>)
      %dma_wait3A_149 = arith.constant 0 : i32
      %dma_wait3A_150 = arith.constant 0 : i32
      %dma_wait3A_151 = tpu.memref_slice %arg9[%run_scoped3A_33, %dma_wait3A_149, %dma_wait3A_150] : memref<4x125x64xf32, #tpu.memory_space<vmem>> -> memref<1x120x64xf32, #tpu.memory_space<vmem>>
      %dma_wait3A_152 = tpu.memref_squeeze %dma_wait3A_151 : memref<1x120x64xf32, #tpu.memory_space<vmem>> -> memref<120x64xf32, #tpu.memory_space<vmem>>
      %dma_wait3A_153 = arith.constant 0 : i32
      %dma_wait3A_154 = tpu.memref_slice %arg11[%add3A_32, %dma_wait3A_153] : memref<10240x64xf32, #tpu.memory_space<vmem_shared>> -> memref<120x64xf32, #tpu.memory_space<vmem_shared>>
      %dma_wait3A_155 = arith.constant 0 : i32
      %dma_wait3A_156 = tpu.memref_slice %arg11[%add3A_32, %dma_wait3A_155] : memref<10240x64xf32, #tpu.memory_space<vmem_shared>> -> memref<120x64xf32, #tpu.memory_space<vmem_shared>>
      %dma_wait3A_157 = arith.constant 0 : i32
      %dma_wait3A_158 = arith.constant 0 : i32
      %dma_wait3A_159 = tpu.memref_slice %arg9[%run_scoped3A_33, %dma_wait3A_157, %dma_wait3A_158] : memref<4x125x64xf32, #tpu.memory_space<vmem>> -> memref<1x120x64xf32, #tpu.memory_space<vmem>>
      %dma_wait3A_160 = tpu.memref_squeeze %dma_wait3A_159 : memref<1x120x64xf32, #tpu.memory_space<vmem>> -> memref<120x64xf32, #tpu.memory_space<vmem>>
      tpu.wait_dma2 semaphore(%run_scoped3A_137 : memref<!tpu.dma_semaphore, #tpu.memory_space<semaphore_mem>>) src(%dma_wait3A_160 : memref<120x64xf32, #tpu.memory_space<vmem>>) dst(%dma_wait3A_156 : memref<120x64xf32, #tpu.memory_space<vmem_shared>>)
      tpu.yield
    }) : () -> ()
    %mul3A_34 = arith.constant 640 : i32
    %mul3A_35 = arith.muli %arg1, %mul3A_34 : i32
    %add3A_36 = arith.constant 480 : i32
    %add3A_37 = arith.addi %mul3A_35, %add3A_36 : i32
    %run_scoped3A_38 = arith.constant 0 : i32
    "tpu.region"() ({
      %run_scoped3A_137 = tpu.sem_alloc : memref<!tpu.dma_semaphore, #tpu.memory_space<semaphore_mem>>
      %dma_start3A = arith.constant 0 : i32
      %dma_start3A_138 = arith.constant 0 : i32
      %dma_start3A_139 = tpu.memref_slice %arg9[%run_scoped3A_38, %dma_start3A, %dma_start3A_138] : memref<4x125x64xf32, #tpu.memory_space<vmem>> -> memref<1x120x64xf32, #tpu.memory_space<vmem>>
      %dma_start3A_140 = tpu.memref_squeeze %dma_start3A_139 : memref<1x120x64xf32, #tpu.memory_space<vmem>> -> memref<120x64xf32, #tpu.memory_space<vmem>>
      %dma_start3A_141 = arith.constant 0 : i32
      %dma_start3A_142 = tpu.memref_slice %arg11[%add3A_37, %dma_start3A_141] : memref<10240x64xf32, #tpu.memory_space<vmem_shared>> -> memref<120x64xf32, #tpu.memory_space<vmem_shared>>
      %dma_start3A_143 = arith.constant 0 : i32
      %dma_start3A_144 = tpu.memref_slice %arg11[%add3A_37, %dma_start3A_143] : memref<10240x64xf32, #tpu.memory_space<vmem_shared>> -> memref<120x64xf32, #tpu.memory_space<vmem_shared>>
      %dma_start3A_145 = arith.constant 0 : i32
      %dma_start3A_146 = arith.constant 0 : i32
      %dma_start3A_147 = tpu.memref_slice %arg9[%run_scoped3A_38, %dma_start3A_145, %dma_start3A_146] : memref<4x125x64xf32, #tpu.memory_space<vmem>> -> memref<1x120x64xf32, #tpu.memory_space<vmem>>
      %dma_start3A_148 = tpu.memref_squeeze %dma_start3A_147 : memref<1x120x64xf32, #tpu.memory_space<vmem>> -> memref<120x64xf32, #tpu.memory_space<vmem>>
      tpu.enqueue_dma source(%dma_start3A_148 : memref<120x64xf32, #tpu.memory_space<vmem>>) target(%dma_start3A_144 : memref<120x64xf32, #tpu.memory_space<vmem_shared>>) target_semaphore(%run_scoped3A_137 : memref<!tpu.dma_semaphore, #tpu.memory_space<semaphore_mem>>)
      %dma_wait3A_149 = arith.constant 0 : i32
      %dma_wait3A_150 = arith.constant 0 : i32
      %dma_wait3A_151 = tpu.memref_slice %arg9[%run_scoped3A_38, %dma_wait3A_149, %dma_wait3A_150] : memref<4x125x64xf32, #tpu.memory_space<vmem>> -> memref<1x120x64xf32, #tpu.memory_space<vmem>>
      %dma_wait3A_152 = tpu.memref_squeeze %dma_wait3A_151 : memref<1x120x64xf32, #tpu.memory_space<vmem>> -> memref<120x64xf32, #tpu.memory_space<vmem>>
      %dma_wait3A_153 = arith.constant 0 : i32
      %dma_wait3A_154 = tpu.memref_slice %arg11[%add3A_37, %dma_wait3A_153] : memref<10240x64xf32, #tpu.memory_space<vmem_shared>> -> memref<120x64xf32, #tpu.memory_space<vmem_shared>>
      %dma_wait3A_155 = arith.constant 0 : i32
      %dma_wait3A_156 = tpu.memref_slice %arg11[%add3A_37, %dma_wait3A_155] : memref<10240x64xf32, #tpu.memory_space<vmem_shared>> -> memref<120x64xf32, #tpu.memory_space<vmem_shared>>
      %dma_wait3A_157 = arith.constant 0 : i32
      %dma_wait3A_158 = arith.constant 0 : i32
      %dma_wait3A_159 = tpu.memref_slice %arg9[%run_scoped3A_38, %dma_wait3A_157, %dma_wait3A_158] : memref<4x125x64xf32, #tpu.memory_space<vmem>> -> memref<1x120x64xf32, #tpu.memory_space<vmem>>
      %dma_wait3A_160 = tpu.memref_squeeze %dma_wait3A_159 : memref<1x120x64xf32, #tpu.memory_space<vmem>> -> memref<120x64xf32, #tpu.memory_space<vmem>>
      tpu.wait_dma2 semaphore(%run_scoped3A_137 : memref<!tpu.dma_semaphore, #tpu.memory_space<semaphore_mem>>) src(%dma_wait3A_160 : memref<120x64xf32, #tpu.memory_space<vmem>>) dst(%dma_wait3A_156 : memref<120x64xf32, #tpu.memory_space<vmem_shared>>)
      tpu.yield
    }) : () -> ()
    %mul3A_39 = arith.constant 640 : i32
    %mul3A_40 = arith.muli %arg1, %mul3A_39 : i32
    %add3A_41 = arith.constant 600 : i32
    %add3A_42 = arith.addi %mul3A_40, %add3A_41 : i32
    %run_scoped3A_43 = arith.constant 0 : i32
    "tpu.region"() ({
      %run_scoped3A_137 = tpu.sem_alloc : memref<!tpu.dma_semaphore, #tpu.memory_space<semaphore_mem>>
      %dma_start3A = arith.constant 0 : i32
      %dma_start3A_138 = arith.constant 0 : i32
      %dma_start3A_139 = tpu.memref_slice %arg9[%run_scoped3A_43, %dma_start3A, %dma_start3A_138] : memref<4x125x64xf32, #tpu.memory_space<vmem>> -> memref<1x40x64xf32, #tpu.memory_space<vmem>>
      %dma_start3A_140 = tpu.memref_squeeze %dma_start3A_139 : memref<1x40x64xf32, #tpu.memory_space<vmem>> -> memref<40x64xf32, #tpu.memory_space<vmem>>
      %dma_start3A_141 = arith.constant 0 : i32
      %dma_start3A_142 = tpu.memref_slice %arg11[%add3A_42, %dma_start3A_141] : memref<10240x64xf32, #tpu.memory_space<vmem_shared>> -> memref<40x64xf32, #tpu.memory_space<vmem_shared>>
      %dma_start3A_143 = arith.constant 0 : i32
      %dma_start3A_144 = tpu.memref_slice %arg11[%add3A_42, %dma_start3A_143] : memref<10240x64xf32, #tpu.memory_space<vmem_shared>> -> memref<40x64xf32, #tpu.memory_space<vmem_shared>>
      %dma_start3A_145 = arith.constant 0 : i32
      %dma_start3A_146 = arith.constant 0 : i32
      %dma_start3A_147 = tpu.memref_slice %arg9[%run_scoped3A_43, %dma_start3A_145, %dma_start3A_146] : memref<4x125x64xf32, #tpu.memory_space<vmem>> -> memref<1x40x64xf32, #tpu.memory_space<vmem>>
      %dma_start3A_148 = tpu.memref_squeeze %dma_start3A_147 : memref<1x40x64xf32, #tpu.memory_space<vmem>> -> memref<40x64xf32, #tpu.memory_space<vmem>>
      tpu.enqueue_dma source(%dma_start3A_148 : memref<40x64xf32, #tpu.memory_space<vmem>>) target(%dma_start3A_144 : memref<40x64xf32, #tpu.memory_space<vmem_shared>>) target_semaphore(%run_scoped3A_137 : memref<!tpu.dma_semaphore, #tpu.memory_space<semaphore_mem>>)
      %dma_wait3A_149 = arith.constant 0 : i32
      %dma_wait3A_150 = arith.constant 0 : i32
      %dma_wait3A_151 = tpu.memref_slice %arg9[%run_scoped3A_43, %dma_wait3A_149, %dma_wait3A_150] : memref<4x125x64xf32, #tpu.memory_space<vmem>> -> memref<1x40x64xf32, #tpu.memory_space<vmem>>
      %dma_wait3A_152 = tpu.memref_squeeze %dma_wait3A_151 : memref<1x40x64xf32, #tpu.memory_space<vmem>> -> memref<40x64xf32, #tpu.memory_space<vmem>>
      %dma_wait3A_153 = arith.constant 0 : i32
      %dma_wait3A_154 = tpu.memref_slice %arg11[%add3A_42, %dma_wait3A_153] : memref<10240x64xf32, #tpu.memory_space<vmem_shared>> -> memref<40x64xf32, #tpu.memory_space<vmem_shared>>
      %dma_wait3A_155 = arith.constant 0 : i32
      %dma_wait3A_156 = tpu.memref_slice %arg11[%add3A_42, %dma_wait3A_155] : memref<10240x64xf32, #tpu.memory_space<vmem_shared>> -> memref<40x64xf32, #tpu.memory_space<vmem_shared>>
      %dma_wait3A_157 = arith.constant 0 : i32
      %dma_wait3A_158 = arith.constant 0 : i32
      %dma_wait3A_159 = tpu.memref_slice %arg9[%run_scoped3A_43, %dma_wait3A_157, %dma_wait3A_158] : memref<4x125x64xf32, #tpu.memory_space<vmem>> -> memref<1x40x64xf32, #tpu.memory_space<vmem>>
      %dma_wait3A_160 = tpu.memref_squeeze %dma_wait3A_159 : memref<1x40x64xf32, #tpu.memory_space<vmem>> -> memref<40x64xf32, #tpu.memory_space<vmem>>
      tpu.wait_dma2 semaphore(%run_scoped3A_137 : memref<!tpu.dma_semaphore, #tpu.memory_space<semaphore_mem>>) src(%dma_wait3A_160 : memref<40x64xf32, #tpu.memory_space<vmem>>) dst(%dma_wait3A_156 : memref<40x64xf32, #tpu.memory_space<vmem_shared>>)
      tpu.yield
    }) : () -> ()
    %scan3A_44 = arith.constant 0 : i32
    %scan3A_45 = arith.constant 0 : i32
    %scan3A_46 = arith.constant 125 : i32
    %scan3A_47 = arith.addi %scan3A_45, %scan3A_46 : i32
    %scan3A_48 = arith.constant 1 : i32
    %scan3A_49 = scf.for %scan3A_137 = %scan3A_45 to %scan3A_47 step %scan3A_48 iter_args(%scan3A_138 = %scan3A_44) -> (i32)  : i32 {
      %broadcast_in_dim3A = arith.constant 1.000000e+00 : f32
      %broadcast_in_dim3A_139 = vector.broadcast %broadcast_in_dim3A : f32 to vector<16xf32>
      %swap3A = arith.index_cast %scan3A_137 : i32 to index
      %swap3A_140 = arith.constant 0 : index
      %swap3A_141 = tpu.vector_load %arg10[%swap3A, %swap3A_140] {strides = array<i32>} : memref<125x16xf32, #tpu.memory_space<vmem>>, vector<1x16xf32>,
      %swap3A_142 = vector.shape_cast %swap3A_141 : vector<1x16xf32> to vector<16xf32>
      %swap3A_143 = vector.shape_cast %broadcast_in_dim3A_139 : vector<16xf32> to vector<1x16xf32>
      tpu.vector_store %arg10[%swap3A, %swap3A_140], %swap3A_143 {strides = array<i32>} : memref<125x16xf32, #tpu.memory_space<vmem>>, vector<1x16xf32>,
      %scan3A_144 = arith.constant 0 : i32
      scf.yield %scan3A_144 : i32
    }
    %scan3A_50 = arith.constant 125 : i32
    %eq3A = arith.constant 0 : i32
    %eq3A_51 = arith.cmpi eq, %arg0, %eq3A : i32
    %convert_element_type3A = arith.extui %eq3A_51 : i1 to i32
    %cond3A = arith.constant 0 : i32
    %cond3A_52 = arith.cmpi ne, %convert_element_type3A, %cond3A : i32
    scf.if %cond3A_52 {
      %dma_start3A = arith.constant 0 : i32
      %dma_start3A_137 = arith.constant 0 : i32
      %dma_start3A_138 = arith.constant 0 : i32
      %dma_start3A_139 = arith.constant 0 : i32
      %dma_start3A_140 = tpu.memref_slice %arg9[%dma_start3A_137, %dma_start3A_138, %dma_start3A_139] : memref<4x125x64xf32, #tpu.memory_space<vmem>> -> memref<1x125x64xf32, #tpu.memory_space<vmem>>
      %dma_start3A_141 = tpu.memref_squeeze %dma_start3A_140 : memref<1x125x64xf32, #tpu.memory_space<vmem>> -> memref<125x64xf32, #tpu.memory_space<vmem>>
      %dma_start3A_142 = arith.constant 0 : i32
      %dma_start3A_143 = tpu.memref_slice %arg7[%dma_start3A, %dma_start3A_142] : memref<160x125xi32, #tpu.memory_space<vmem>> -> memref<1x125xi32, #tpu.memory_space<vmem>>
      %dma_start3A_144 = tpu.memref_squeeze %dma_start3A_143 : memref<1x125xi32, #tpu.memory_space<vmem>> -> memref<125xi32, #tpu.memory_space<vmem>>
      %dma_start3A_145 = arith.constant 0 : i32
      %dma_start3A_146 = arith.constant 0 : i32
      %dma_start3A_147 = tpu.memref_slice %arg2[%dma_start3A_145, %dma_start3A_146] : memref<10000x64xf32, #tpu.memory_space<hbm>> -> memref<10000x64xf32, #tpu.memory_space<hbm>>
      tpu.enqueue_indirect_dma source(%dma_start3A_147 : memref<10000x64xf32, #tpu.memory_space<hbm>>) target(%dma_start3A_141 : memref<125x64xf32, #tpu.memory_space<vmem>>) offsets(%dma_start3A_144 : memref<125xi32, #tpu.memory_space<vmem>>) semaphore(%arg12 : memref<!tpu.dma_semaphore, #tpu.memory_space<semaphore_mem>>)
    } else {
    }
    %eq3A_53 = arith.constant 1 : i32
    %eq3A_54 = arith.cmpi eq, %arg0, %eq3A_53 : i32
    %convert_element_type3A_55 = arith.extui %eq3A_54 : i1 to i32
    %cond3A_56 = arith.constant 0 : i32
    %cond3A_57 = arith.cmpi ne, %convert_element_type3A_55, %cond3A_56 : i32
    scf.if %cond3A_57 {
      %dma_start3A = arith.constant 0 : i32
      %dma_start3A_137 = arith.constant 0 : i32
      %dma_start3A_138 = arith.constant 0 : i32
      %dma_start3A_139 = arith.constant 0 : i32
      %dma_start3A_140 = tpu.memref_slice %arg9[%dma_start3A_137, %dma_start3A_138, %dma_start3A_139] : memref<4x125x64xf32, #tpu.memory_space<vmem>> -> memref<1x125x64xf32, #tpu.memory_space<vmem>>
      %dma_start3A_141 = tpu.memref_squeeze %dma_start3A_140 : memref<1x125x64xf32, #tpu.memory_space<vmem>> -> memref<125x64xf32, #tpu.memory_space<vmem>>
      %dma_start3A_142 = arith.constant 0 : i32
      %dma_start3A_143 = tpu.memref_slice %arg7[%dma_start3A, %dma_start3A_142] : memref<160x125xi32, #tpu.memory_space<vmem>> -> memref<1x125xi32, #tpu.memory_space<vmem>>
      %dma_start3A_144 = tpu.memref_squeeze %dma_start3A_143 : memref<1x125xi32, #tpu.memory_space<vmem>> -> memref<125xi32, #tpu.memory_space<vmem>>
      %dma_start3A_145 = arith.constant 0 : i32
      %dma_start3A_146 = arith.constant 0 : i32
      %dma_start3A_147 = tpu.memref_slice %arg3[%dma_start3A_145, %dma_start3A_146] : memref<10000x64xf32, #tpu.memory_space<hbm>> -> memref<10000x64xf32, #tpu.memory_space<hbm>>
      tpu.enqueue_indirect_dma source(%dma_start3A_147 : memref<10000x64xf32, #tpu.memory_space<hbm>>) target(%dma_start3A_141 : memref<125x64xf32, #tpu.memory_space<vmem>>) offsets(%dma_start3A_144 : memref<125xi32, #tpu.memory_space<vmem>>) semaphore(%arg12 : memref<!tpu.dma_semaphore, #tpu.memory_space<semaphore_mem>>)
    } else {
    }
    %eq3A_58 = arith.constant 0 : i32
    %eq3A_59 = arith.cmpi eq, %arg0, %eq3A_58 : i32
    %convert_element_type3A_60 = arith.extui %eq3A_59 : i1 to i32
    %cond3A_61 = arith.constant 0 : i32
    %cond3A_62 = arith.cmpi ne, %convert_element_type3A_60, %cond3A_61 : i32
    scf.if %cond3A_62 {
      %dma_start3A = arith.constant 1 : i32
      %dma_start3A_137 = arith.constant 1 : i32
      %dma_start3A_138 = arith.constant 0 : i32
      %dma_start3A_139 = arith.constant 0 : i32
      %dma_start3A_140 = tpu.memref_slice %arg9[%dma_start3A_137, %dma_start3A_138, %dma_start3A_139] : memref<4x125x64xf32, #tpu.memory_space<vmem>> -> memref<1x125x64xf32, #tpu.memory_space<vmem>>
      %dma_start3A_141 = tpu.memref_squeeze %dma_start3A_140 : memref<1x125x64xf32, #tpu.memory_space<vmem>> -> memref<125x64xf32, #tpu.memory_space<vmem>>
      %dma_start3A_142 = arith.constant 0 : i32
      %dma_start3A_143 = tpu.memref_slice %arg7[%dma_start3A, %dma_start3A_142] : memref<160x125xi32, #tpu.memory_space<vmem>> -> memref<1x125xi32, #tpu.memory_space<vmem>>
      %dma_start3A_144 = tpu.memref_squeeze %dma_start3A_143 : memref<1x125xi32, #tpu.memory_space<vmem>> -> memref<125xi32, #tpu.memory_space<vmem>>
      %dma_start3A_145 = arith.constant 0 : i32
      %dma_start3A_146 = arith.constant 0 : i32
      %dma_start3A_147 = tpu.memref_slice %arg2[%dma_start3A_145, %dma_start3A_146] : memref<10000x64xf32, #tpu.memory_space<hbm>> -> memref<10000x64xf32, #tpu.memory_space<hbm>>
      tpu.enqueue_indirect_dma source(%dma_start3A_147 : memref<10000x64xf32, #tpu.memory_space<hbm>>) target(%dma_start3A_141 : memref<125x64xf32, #tpu.memory_space<vmem>>) offsets(%dma_start3A_144 : memref<125xi32, #tpu.memory_space<vmem>>) semaphore(%arg13 : memref<!tpu.dma_semaphore, #tpu.memory_space<semaphore_mem>>)
    } else {
    }
    %eq3A_63 = arith.constant 1 : i32
    %eq3A_64 = arith.cmpi eq, %arg0, %eq3A_63 : i32
    %convert_element_type3A_65 = arith.extui %eq3A_64 : i1 to i32
    %cond3A_66 = arith.constant 0 : i32
    %cond3A_67 = arith.cmpi ne, %convert_element_type3A_65, %cond3A_66 : i32
    scf.if %cond3A_67 {
      %dma_start3A = arith.constant 1 : i32
      %dma_start3A_137 = arith.constant 1 : i32
      %dma_start3A_138 = arith.constant 0 : i32
      %dma_start3A_139 = arith.constant 0 : i32
      %dma_start3A_140 = tpu.memref_slice %arg9[%dma_start3A_137, %dma_start3A_138, %dma_start3A_139] : memref<4x125x64xf32, #tpu.memory_space<vmem>> -> memref<1x125x64xf32, #tpu.memory_space<vmem>>
      %dma_start3A_141 = tpu.memref_squeeze %dma_start3A_140 : memref<1x125x64xf32, #tpu.memory_space<vmem>> -> memref<125x64xf32, #tpu.memory_space<vmem>>
      %dma_start3A_142 = arith.constant 0 : i32
      %dma_start3A_143 = tpu.memref_slice %arg7[%dma_start3A, %dma_start3A_142] : memref<160x125xi32, #tpu.memory_space<vmem>> -> memref<1x125xi32, #tpu.memory_space<vmem>>
      %dma_start3A_144 = tpu.memref_squeeze %dma_start3A_143 : memref<1x125xi32, #tpu.memory_space<vmem>> -> memref<125xi32, #tpu.memory_space<vmem>>
      %dma_start3A_145 = arith.constant 0 : i32
      %dma_start3A_146 = arith.constant 0 : i32
      %dma_start3A_147 = tpu.memref_slice %arg3[%dma_start3A_145, %dma_start3A_146] : memref<10000x64xf32, #tpu.memory_space<hbm>> -> memref<10000x64xf32, #tpu.memory_space<hbm>>
      tpu.enqueue_indirect_dma source(%dma_start3A_147 : memref<10000x64xf32, #tpu.memory_space<hbm>>) target(%dma_start3A_141 : memref<125x64xf32, #tpu.memory_space<vmem>>) offsets(%dma_start3A_144 : memref<125xi32, #tpu.memory_space<vmem>>) semaphore(%arg13 : memref<!tpu.dma_semaphore, #tpu.memory_space<semaphore_mem>>)
    } else {
    }
    %barrier3A = arith.constant 0 : index
    tpu.barrier barrier_id(%barrier3A)
    %scan3A_68 = arith.constant 0 : i32
    %scan3A_69 = arith.constant 0 : i32
    %scan3A_70 = arith.constant 40 : i32
    %scan3A_71 = arith.addi %scan3A_69, %scan3A_70 : i32
    %scan3A_72 = arith.constant 1 : i32
    %scan3A_73 = scf.for %scan3A_137 = %scan3A_69 to %scan3A_71 step %scan3A_72 iter_args(%scan3A_138 = %scan3A_68) -> (i32)  : i32 {
      %mul3A_139 = arith.constant 4 : i32
      %mul3A_140 = arith.muli %mul3A_139, %scan3A_137 : i32
      %add3A_141 = arith.constant 0 : i32
      %add3A_142 = arith.addi %mul3A_140, %add3A_141 : i32
      %dma_wait3A_143 = arith.constant 0 : i32
      %dma_wait3A_144 = arith.constant 0 : i32
      %dma_wait3A_145 = arith.constant 0 : i32
      %dma_wait3A_146 = tpu.memref_slice %arg9[%dma_wait3A_143, %dma_wait3A_144, %dma_wait3A_145] : memref<4x125x64xf32, #tpu.memory_space<vmem>> -> memref<1x125x64xf32, #tpu.memory_space<vmem>>
      %dma_wait3A_147 = tpu.memref_squeeze %dma_wait3A_146 : memref<1x125x64xf32, #tpu.memory_space<vmem>> -> memref<125x64xf32, #tpu.memory_space<vmem>>
      %dma_wait3A_148 = arith.constant 0 : i32
      %dma_wait3A_149 = arith.constant 0 : i32
      %dma_wait3A_150 = tpu.memref_slice %arg2[%dma_wait3A_148, %dma_wait3A_149] : memref<10000x64xf32, #tpu.memory_space<hbm>> -> memref<125x64xf32, #tpu.memory_space<hbm>>
      %dma_wait3A_151 = arith.constant 0 : i32
      %dma_wait3A_152 = arith.constant 0 : i32
      %dma_wait3A_153 = tpu.memref_slice %arg9[%dma_wait3A_143, %dma_wait3A_151, %dma_wait3A_152] : memref<4x125x64xf32, #tpu.memory_space<vmem>> -> memref<1x125x64xf32, #tpu.memory_space<vmem>>
      %dma_wait3A_154 = tpu.memref_squeeze %dma_wait3A_153 : memref<1x125x64xf32, #tpu.memory_space<vmem>> -> memref<125x64xf32, #tpu.memory_space<vmem>>
      %dma_wait3A_155 = arith.constant 0 : i32
      %dma_wait3A_156 = arith.constant 0 : i32
      %dma_wait3A_157 = tpu.memref_slice %arg2[%dma_wait3A_155, %dma_wait3A_156] : memref<10000x64xf32, #tpu.memory_space<hbm>> -> memref<125x64xf32, #tpu.memory_space<hbm>>
      tpu.wait_dma2 semaphore(%arg12 : memref<!tpu.dma_semaphore, #tpu.memory_space<semaphore_mem>>) src(%dma_wait3A_157 : memref<125x64xf32, #tpu.memory_space<hbm>>) dst(%dma_wait3A_154 : memref<125x64xf32, #tpu.memory_space<vmem>>)
      %dma_start3A = arith.constant 0 : i32
      %dma_start3A_158 = arith.constant 0 : i32
      %dma_start3A_159 = arith.constant 0 : i32
      %dma_start3A_160 = tpu.memref_slice %arg9[%dma_start3A, %dma_start3A_158, %dma_start3A_159] : memref<4x125x64xf32, #tpu.memory_space<vmem>> -> memref<1x125x64xf32, #tpu.memory_space<vmem>>
      %dma_start3A_161 = tpu.memref_squeeze %dma_start3A_160 : memref<1x125x64xf32, #tpu.memory_space<vmem>> -> memref<125x64xf32, #tpu.memory_space<vmem>>
      %dma_start3A_162 = arith.constant 0 : i32
      %dma_start3A_163 = tpu.memref_slice %arg8[%add3A_142, %dma_start3A_162] : memref<160x125xi32, #tpu.memory_space<vmem>> -> memref<1x125xi32, #tpu.memory_space<vmem>>
      %dma_start3A_164 = tpu.memref_squeeze %dma_start3A_163 : memref<1x125xi32, #tpu.memory_space<vmem>> -> memref<125xi32, #tpu.memory_space<vmem>>
      %dma_start3A_165 = arith.constant 0 : i32
      %dma_start3A_166 = arith.constant 0 : i32
      %dma_start3A_167 = tpu.memref_slice %arg11[%dma_start3A_165, %dma_start3A_166] : memref<10240x64xf32, #tpu.memory_space<vmem_shared>> -> memref<10240x64xf32, #tpu.memory_space<vmem_shared>>
      tpu.enqueue_indirect_dma source(%dma_start3A_161 : memref<125x64xf32, #tpu.memory_space<vmem>>) target(%dma_start3A_167 : memref<10240x64xf32, #tpu.memory_space<vmem_shared>>) offsets(%dma_start3A_164 : memref<125xi32, #tpu.memory_space<vmem>>) semaphore(%arg16 : memref<!tpu.dma_semaphore, #tpu.memory_space<semaphore_mem>>) {add = true}
      %gt3A = arith.constant 0 : i32
      %gt3A_168 = arith.cmpi sgt, %scan3A_137, %gt3A : i32
      %convert_element_type3A_169 = arith.extui %gt3A_168 : i1 to i32
      %cond3A_170 = arith.constant 0 : i32
      %cond3A_171 = arith.cmpi ne, %convert_element_type3A_169, %cond3A_170 : i32
      scf.if %cond3A_171 {
        %dma_wait3A_367 = arith.constant 2 : i32
        %dma_wait3A_368 = arith.constant 0 : i32
        %dma_wait3A_369 = arith.constant 0 : i32
        %dma_wait3A_370 = tpu.memref_slice %arg9[%dma_wait3A_367, %dma_wait3A_368, %dma_wait3A_369] : memref<4x125x64xf32, #tpu.memory_space<vmem>> -> memref<1x125x64xf32, #tpu.memory_space<vmem>>
        %dma_wait3A_371 = tpu.memref_squeeze %dma_wait3A_370 : memref<1x125x64xf32, #tpu.memory_space<vmem>> -> memref<125x64xf32, #tpu.memory_space<vmem>>
        %dma_wait3A_372 = arith.constant 0 : i32
        %dma_wait3A_373 = arith.constant 0 : i32
        %dma_wait3A_374 = tpu.memref_slice %arg2[%dma_wait3A_372, %dma_wait3A_373] : memref<10000x64xf32, #tpu.memory_space<hbm>> -> memref<125x64xf32, #tpu.memory_space<hbm>>
        %dma_wait3A_375 = arith.constant 0 : i32
        %dma_wait3A_376 = arith.constant 0 : i32
        %dma_wait3A_377 = tpu.memref_slice %arg9[%dma_wait3A_367, %dma_wait3A_375, %dma_wait3A_376] : memref<4x125x64xf32, #tpu.memory_space<vmem>> -> memref<1x125x64xf32, #tpu.memory_space<vmem>>
        %dma_wait3A_378 = tpu.memref_squeeze %dma_wait3A_377 : memref<1x125x64xf32, #tpu.memory_space<vmem>> -> memref<125x64xf32, #tpu.memory_space<vmem>>
        %dma_wait3A_379 = arith.constant 0 : i32
        %dma_wait3A_380 = arith.constant 0 : i32
        %dma_wait3A_381 = tpu.memref_slice %arg2[%dma_wait3A_379, %dma_wait3A_380] : memref<10000x64xf32, #tpu.memory_space<hbm>> -> memref<125x64xf32, #tpu.memory_space<hbm>>
        tpu.wait_dma2 semaphore(%arg18 : memref<!tpu.dma_semaphore, #tpu.memory_space<semaphore_mem>>) src(%dma_wait3A_381 : memref<125x64xf32, #tpu.memory_space<hbm>>) dst(%dma_wait3A_378 : memref<125x64xf32, #tpu.memory_space<vmem>>)
      } else {
      }
      %add3A_172 = arith.constant 2 : i32
      %add3A_173 = arith.addi %add3A_142, %add3A_172 : i32
      %lt3A = arith.constant 160 : i32
      %lt3A_174 = arith.cmpi slt, %add3A_173, %lt3A : i32
      %add3A_175 = arith.constant 2 : i32
      %add3A_176 = arith.addi %add3A_142, %add3A_175 : i32
      %jit3A = arith.constant 0 : i32
      %select_n3A = arith.select %lt3A_174, %add3A_176, %jit3A : i32
      %eq3A_177 = arith.constant 0 : i32
      %eq3A_178 = arith.cmpi eq, %arg0, %eq3A_177 : i32
      %convert_element_type3A_179 = arith.extui %eq3A_178 : i1 to i32
      %cond3A_180 = arith.constant 0 : i32
      %cond3A_181 = arith.cmpi ne, %convert_element_type3A_179, %cond3A_180 : i32
      scf.if %cond3A_181 {
        %dma_start3A_367 = arith.constant 2 : i32
        %dma_start3A_368 = arith.constant 0 : i32
        %dma_start3A_369 = arith.constant 0 : i32
        %dma_start3A_370 = tpu.memref_slice %arg9[%dma_start3A_367, %dma_start3A_368, %dma_start3A_369] : memref<4x125x64xf32, #tpu.memory_space<vmem>> -> memref<1x125x64xf32, #tpu.memory_space<vmem>>
        %dma_start3A_371 = tpu.memref_squeeze %dma_start3A_370 : memref<1x125x64xf32, #tpu.memory_space<vmem>> -> memref<125x64xf32, #tpu.memory_space<vmem>>
        %dma_start3A_372 = arith.constant 0 : i32
        %dma_start3A_373 = tpu.memref_slice %arg7[%select_n3A, %dma_start3A_372] : memref<160x125xi32, #tpu.memory_space<vmem>> -> memref<1x125xi32, #tpu.memory_space<vmem>>
        %dma_start3A_374 = tpu.memref_squeeze %dma_start3A_373 : memref<1x125xi32, #tpu.memory_space<vmem>> -> memref<125xi32, #tpu.memory_space<vmem>>
        %dma_start3A_375 = arith.constant 0 : i32
        %dma_start3A_376 = arith.constant 0 : i32
        %dma_start3A_377 = tpu.memref_slice %arg2[%dma_start3A_375, %dma_start3A_376] : memref<10000x64xf32, #tpu.memory_space<hbm>> -> memref<10000x64xf32, #tpu.memory_space<hbm>>
        tpu.enqueue_indirect_dma source(%dma_start3A_377 : memref<10000x64xf32, #tpu.memory_space<hbm>>) target(%dma_start3A_371 : memref<125x64xf32, #tpu.memory_space<vmem>>) offsets(%dma_start3A_374 : memref<125xi32, #tpu.memory_space<vmem>>) semaphore(%arg14 : memref<!tpu.dma_semaphore, #tpu.memory_space<semaphore_mem>>)
      } else {
      }
      %eq3A_182 = arith.constant 1 : i32
      %eq3A_183 = arith.cmpi eq, %arg0, %eq3A_182 : i32
      %convert_element_type3A_184 = arith.extui %eq3A_183 : i1 to i32
      %cond3A_185 = arith.constant 0 : i32
      %cond3A_186 = arith.cmpi ne, %convert_element_type3A_184, %cond3A_185 : i32
      scf.if %cond3A_186 {
        %dma_start3A_367 = arith.constant 2 : i32
        %dma_start3A_368 = arith.constant 0 : i32
        %dma_start3A_369 = arith.constant 0 : i32
        %dma_start3A_370 = tpu.memref_slice %arg9[%dma_start3A_367, %dma_start3A_368, %dma_start3A_369] : memref<4x125x64xf32, #tpu.memory_space<vmem>> -> memref<1x125x64xf32, #tpu.memory_space<vmem>>
        %dma_start3A_371 = tpu.memref_squeeze %dma_start3A_370 : memref<1x125x64xf32, #tpu.memory_space<vmem>> -> memref<125x64xf32, #tpu.memory_space<vmem>>
        %dma_start3A_372 = arith.constant 0 : i32
        %dma_start3A_373 = tpu.memref_slice %arg7[%select_n3A, %dma_start3A_372] : memref<160x125xi32, #tpu.memory_space<vmem>> -> memref<1x125xi32, #tpu.memory_space<vmem>>
        %dma_start3A_374 = tpu.memref_squeeze %dma_start3A_373 : memref<1x125xi32, #tpu.memory_space<vmem>> -> memref<125xi32, #tpu.memory_space<vmem>>
        %dma_start3A_375 = arith.constant 0 : i32
        %dma_start3A_376 = arith.constant 0 : i32
        %dma_start3A_377 = tpu.memref_slice %arg3[%dma_start3A_375, %dma_start3A_376] : memref<10000x64xf32, #tpu.memory_space<hbm>> -> memref<10000x64xf32, #tpu.memory_space<hbm>>
        tpu.enqueue_indirect_dma source(%dma_start3A_377 : memref<10000x64xf32, #tpu.memory_space<hbm>>) target(%dma_start3A_371 : memref<125x64xf32, #tpu.memory_space<vmem>>) offsets(%dma_start3A_374 : memref<125xi32, #tpu.memory_space<vmem>>) semaphore(%arg14 : memref<!tpu.dma_semaphore, #tpu.memory_space<semaphore_mem>>)
      } else {
      }
      %mul3A_187 = arith.constant 4 : i32
      %mul3A_188 = arith.muli %mul3A_187, %scan3A_137 : i32
      %add3A_189 = arith.constant 1 : i32
      %add3A_190 = arith.addi %mul3A_188, %add3A_189 : i32
      %dma_wait3A_191 = arith.constant 1 : i32
      %dma_wait3A_192 = arith.constant 0 : i32
      %dma_wait3A_193 = arith.constant 0 : i32
      %dma_wait3A_194 = tpu.memref_slice %arg9[%dma_wait3A_191, %dma_wait3A_192, %dma_wait3A_193] : memref<4x125x64xf32, #tpu.memory_space<vmem>> -> memref<1x125x64xf32, #tpu.memory_space<vmem>>
      %dma_wait3A_195 = tpu.memref_squeeze %dma_wait3A_194 : memref<1x125x64xf32, #tpu.memory_space<vmem>> -> memref<125x64xf32, #tpu.memory_space<vmem>>
      %dma_wait3A_196 = arith.constant 0 : i32
      %dma_wait3A_197 = arith.constant 0 : i32
      %dma_wait3A_198 = tpu.memref_slice %arg2[%dma_wait3A_196, %dma_wait3A_197] : memref<10000x64xf32, #tpu.memory_space<hbm>> -> memref<125x64xf32, #tpu.memory_space<hbm>>
      %dma_wait3A_199 = arith.constant 0 : i32
      %dma_wait3A_200 = arith.constant 0 : i32
      %dma_wait3A_201 = tpu.memref_slice %arg9[%dma_wait3A_191, %dma_wait3A_199, %dma_wait3A_200] : memref<4x125x64xf32, #tpu.memory_space<vmem>> -> memref<1x125x64xf32, #tpu.memory_space<vmem>>
      %dma_wait3A_202 = tpu.memref_squeeze %dma_wait3A_201 : memref<1x125x64xf32, #tpu.memory_space<vmem>> -> memref<125x64xf32, #tpu.memory_space<vmem>>
      %dma_wait3A_203 = arith.constant 0 : i32
      %dma_wait3A_204 = arith.constant 0 : i32
      %dma_wait3A_205 = tpu.memref_slice %arg2[%dma_wait3A_203, %dma_wait3A_204] : memref<10000x64xf32, #tpu.memory_space<hbm>> -> memref<125x64xf32, #tpu.memory_space<hbm>>
      tpu.wait_dma2 semaphore(%arg13 : memref<!tpu.dma_semaphore, #tpu.memory_space<semaphore_mem>>) src(%dma_wait3A_205 : memref<125x64xf32, #tpu.memory_space<hbm>>) dst(%dma_wait3A_202 : memref<125x64xf32, #tpu.memory_space<vmem>>)
      %dma_start3A_206 = arith.constant 1 : i32
      %dma_start3A_207 = arith.constant 0 : i32
      %dma_start3A_208 = arith.constant 0 : i32
      %dma_start3A_209 = tpu.memref_slice %arg9[%dma_start3A_206, %dma_start3A_207, %dma_start3A_208] : memref<4x125x64xf32, #tpu.memory_space<vmem>> -> memref<1x125x64xf32, #tpu.memory_space<vmem>>
      %dma_start3A_210 = tpu.memref_squeeze %dma_start3A_209 : memref<1x125x64xf32, #tpu.memory_space<vmem>> -> memref<125x64xf32, #tpu.memory_space<vmem>>
      %dma_start3A_211 = arith.constant 0 : i32
      %dma_start3A_212 = tpu.memref_slice %arg8[%add3A_190, %dma_start3A_211] : memref<160x125xi32, #tpu.memory_space<vmem>> -> memref<1x125xi32, #tpu.memory_space<vmem>>
      %dma_start3A_213 = tpu.memref_squeeze %dma_start3A_212 : memref<1x125xi32, #tpu.memory_space<vmem>> -> memref<125xi32, #tpu.memory_space<vmem>>
      %dma_start3A_214 = arith.constant 0 : i32
      %dma_start3A_215 = arith.constant 0 : i32
      %dma_start3A_216 = tpu.memref_slice %arg11[%dma_start3A_214, %dma_start3A_215] : memref<10240x64xf32, #tpu.memory_space<vmem_shared>> -> memref<10240x64xf32, #tpu.memory_space<vmem_shared>>
      tpu.enqueue_indirect_dma source(%dma_start3A_210 : memref<125x64xf32, #tpu.memory_space<vmem>>) target(%dma_start3A_216 : memref<10240x64xf32, #tpu.memory_space<vmem_shared>>) offsets(%dma_start3A_213 : memref<125xi32, #tpu.memory_space<vmem>>) semaphore(%arg17 : memref<!tpu.dma_semaphore, #tpu.memory_space<semaphore_mem>>) {add = true}
      %gt3A_217 = arith.constant 0 : i32
      %gt3A_218 = arith.cmpi sgt, %scan3A_137, %gt3A_217 : i32
      %convert_element_type3A_219 = arith.extui %gt3A_218 : i1 to i32
      %cond3A_220 = arith.constant 0 : i32
      %cond3A_221 = arith.cmpi ne, %convert_element_type3A_219, %cond3A_220 : i32
      scf.if %cond3A_221 {
        %dma_wait3A_367 = arith.constant 3 : i32
        %dma_wait3A_368 = arith.constant 0 : i32
        %dma_wait3A_369 = arith.constant 0 : i32
        %dma_wait3A_370 = tpu.memref_slice %arg9[%dma_wait3A_367, %dma_wait3A_368, %dma_wait3A_369] : memref<4x125x64xf32, #tpu.memory_space<vmem>> -> memref<1x125x64xf32, #tpu.memory_space<vmem>>
        %dma_wait3A_371 = tpu.memref_squeeze %dma_wait3A_370 : memref<1x125x64xf32, #tpu.memory_space<vmem>> -> memref<125x64xf32, #tpu.memory_space<vmem>>
        %dma_wait3A_372 = arith.constant 0 : i32
        %dma_wait3A_373 = arith.constant 0 : i32
        %dma_wait3A_374 = tpu.memref_slice %arg2[%dma_wait3A_372, %dma_wait3A_373] : memref<10000x64xf32, #tpu.memory_space<hbm>> -> memref<125x64xf32, #tpu.memory_space<hbm>>
        %dma_wait3A_375 = arith.constant 0 : i32
        %dma_wait3A_376 = arith.constant 0 : i32
        %dma_wait3A_377 = tpu.memref_slice %arg9[%dma_wait3A_367, %dma_wait3A_375, %dma_wait3A_376] : memref<4x125x64xf32, #tpu.memory_space<vmem>> -> memref<1x125x64xf32, #tpu.memory_space<vmem>>
        %dma_wait3A_378 = tpu.memref_squeeze %dma_wait3A_377 : memref<1x125x64xf32, #tpu.memory_space<vmem>> -> memref<125x64xf32, #tpu.memory_space<vmem>>
        %dma_wait3A_379 = arith.constant 0 : i32
        %dma_wait3A_380 = arith.constant 0 : i32
        %dma_wait3A_381 = tpu.memref_slice %arg2[%dma_wait3A_379, %dma_wait3A_380] : memref<10000x64xf32, #tpu.memory_space<hbm>> -> memref<125x64xf32, #tpu.memory_space<hbm>>
        tpu.wait_dma2 semaphore(%arg19 : memref<!tpu.dma_semaphore, #tpu.memory_space<semaphore_mem>>) src(%dma_wait3A_381 : memref<125x64xf32, #tpu.memory_space<hbm>>) dst(%dma_wait3A_378 : memref<125x64xf32, #tpu.memory_space<vmem>>)
      } else {
      }
      %add3A_222 = arith.constant 2 : i32
      %add3A_223 = arith.addi %add3A_190, %add3A_222 : i32
      %lt3A_224 = arith.constant 160 : i32
      %lt3A_225 = arith.cmpi slt, %add3A_223, %lt3A_224 : i32
      %add3A_226 = arith.constant 2 : i32
      %add3A_227 = arith.addi %add3A_190, %add3A_226 : i32
      %jit3A_228 = arith.constant 1 : i32
      %select_n3A_229 = arith.select %lt3A_225, %add3A_227, %jit3A_228 : i32
      %eq3A_230 = arith.constant 0 : i32
      %eq3A_231 = arith.cmpi eq, %arg0, %eq3A_230 : i32
      %convert_element_type3A_232 = arith.extui %eq3A_231 : i1 to i32
      %cond3A_233 = arith.constant 0 : i32
      %cond3A_234 = arith.cmpi ne, %convert_element_type3A_232, %cond3A_233 : i32
      scf.if %cond3A_234 {
        %dma_start3A_367 = arith.constant 3 : i32
        %dma_start3A_368 = arith.constant 0 : i32
        %dma_start3A_369 = arith.constant 0 : i32
        %dma_start3A_370 = tpu.memref_slice %arg9[%dma_start3A_367, %dma_start3A_368, %dma_start3A_369] : memref<4x125x64xf32, #tpu.memory_space<vmem>> -> memref<1x125x64xf32, #tpu.memory_space<vmem>>
        %dma_start3A_371 = tpu.memref_squeeze %dma_start3A_370 : memref<1x125x64xf32, #tpu.memory_space<vmem>> -> memref<125x64xf32, #tpu.memory_space<vmem>>
        %dma_start3A_372 = arith.constant 0 : i32
        %dma_start3A_373 = tpu.memref_slice %arg7[%select_n3A_229, %dma_start3A_372] : memref<160x125xi32, #tpu.memory_space<vmem>> -> memref<1x125xi32, #tpu.memory_space<vmem>>
        %dma_start3A_374 = tpu.memref_squeeze %dma_start3A_373 : memref<1x125xi32, #tpu.memory_space<vmem>> -> memref<125xi32, #tpu.memory_space<vmem>>
        %dma_start3A_375 = arith.constant 0 : i32
        %dma_start3A_376 = arith.constant 0 : i32
        %dma_start3A_377 = tpu.memref_slice %arg2[%dma_start3A_375, %dma_start3A_376] : memref<10000x64xf32, #tpu.memory_space<hbm>> -> memref<10000x64xf32, #tpu.memory_space<hbm>>
        tpu.enqueue_indirect_dma source(%dma_start3A_377 : memref<10000x64xf32, #tpu.memory_space<hbm>>) target(%dma_start3A_371 : memref<125x64xf32, #tpu.memory_space<vmem>>) offsets(%dma_start3A_374 : memref<125xi32, #tpu.memory_space<vmem>>) semaphore(%arg15 : memref<!tpu.dma_semaphore, #tpu.memory_space<semaphore_mem>>)
      } else {
      }
      %eq3A_235 = arith.constant 1 : i32
      %eq3A_236 = arith.cmpi eq, %arg0, %eq3A_235 : i32
      %convert_element_type3A_237 = arith.extui %eq3A_236 : i1 to i32
      %cond3A_238 = arith.constant 0 : i32
      %cond3A_239 = arith.cmpi ne, %convert_element_type3A_237, %cond3A_238 : i32
      scf.if %cond3A_239 {
        %dma_start3A_367 = arith.constant 3 : i32
        %dma_start3A_368 = arith.constant 0 : i32
        %dma_start3A_369 = arith.constant 0 : i32
        %dma_start3A_370 = tpu.memref_slice %arg9[%dma_start3A_367, %dma_start3A_368, %dma_start3A_369] : memref<4x125x64xf32, #tpu.memory_space<vmem>> -> memref<1x125x64xf32, #tpu.memory_space<vmem>>
        %dma_start3A_371 = tpu.memref_squeeze %dma_start3A_370 : memref<1x125x64xf32, #tpu.memory_space<vmem>> -> memref<125x64xf32, #tpu.memory_space<vmem>>
        %dma_start3A_372 = arith.constant 0 : i32
        %dma_start3A_373 = tpu.memref_slice %arg7[%select_n3A_229, %dma_start3A_372] : memref<160x125xi32, #tpu.memory_space<vmem>> -> memref<1x125xi32, #tpu.memory_space<vmem>>
        %dma_start3A_374 = tpu.memref_squeeze %dma_start3A_373 : memref<1x125xi32, #tpu.memory_space<vmem>> -> memref<125xi32, #tpu.memory_space<vmem>>
        %dma_start3A_375 = arith.constant 0 : i32
        %dma_start3A_376 = arith.constant 0 : i32
        %dma_start3A_377 = tpu.memref_slice %arg3[%dma_start3A_375, %dma_start3A_376] : memref<10000x64xf32, #tpu.memory_space<hbm>> -> memref<10000x64xf32, #tpu.memory_space<hbm>>
        tpu.enqueue_indirect_dma source(%dma_start3A_377 : memref<10000x64xf32, #tpu.memory_space<hbm>>) target(%dma_start3A_371 : memref<125x64xf32, #tpu.memory_space<vmem>>) offsets(%dma_start3A_374 : memref<125xi32, #tpu.memory_space<vmem>>) semaphore(%arg15 : memref<!tpu.dma_semaphore, #tpu.memory_space<semaphore_mem>>)
      } else {
      }
      %mul3A_240 = arith.constant 4 : i32
      %mul3A_241 = arith.muli %mul3A_240, %scan3A_137 : i32
      %add3A_242 = arith.constant 2 : i32
      %add3A_243 = arith.addi %mul3A_241, %add3A_242 : i32
      %dma_wait3A_244 = arith.constant 2 : i32
      %dma_wait3A_245 = arith.constant 0 : i32
      %dma_wait3A_246 = arith.constant 0 : i32
      %dma_wait3A_247 = tpu.memref_slice %arg9[%dma_wait3A_244, %dma_wait3A_245, %dma_wait3A_246] : memref<4x125x64xf32, #tpu.memory_space<vmem>> -> memref<1x125x64xf32, #tpu.memory_space<vmem>>
      %dma_wait3A_248 = tpu.memref_squeeze %dma_wait3A_247 : memref<1x125x64xf32, #tpu.memory_space<vmem>> -> memref<125x64xf32, #tpu.memory_space<vmem>>
      %dma_wait3A_249 = arith.constant 0 : i32
      %dma_wait3A_250 = arith.constant 0 : i32
      %dma_wait3A_251 = tpu.memref_slice %arg2[%dma_wait3A_249, %dma_wait3A_250] : memref<10000x64xf32, #tpu.memory_space<hbm>> -> memref<125x64xf32, #tpu.memory_space<hbm>>
      %dma_wait3A_252 = arith.constant 0 : i32
      %dma_wait3A_253 = arith.constant 0 : i32
      %dma_wait3A_254 = tpu.memref_slice %arg9[%dma_wait3A_244, %dma_wait3A_252, %dma_wait3A_253] : memref<4x125x64xf32, #tpu.memory_space<vmem>> -> memref<1x125x64xf32, #tpu.memory_space<vmem>>
      %dma_wait3A_255 = tpu.memref_squeeze %dma_wait3A_254 : memref<1x125x64xf32, #tpu.memory_space<vmem>> -> memref<125x64xf32, #tpu.memory_space<vmem>>
      %dma_wait3A_256 = arith.constant 0 : i32
      %dma_wait3A_257 = arith.constant 0 : i32
      %dma_wait3A_258 = tpu.memref_slice %arg2[%dma_wait3A_256, %dma_wait3A_257] : memref<10000x64xf32, #tpu.memory_space<hbm>> -> memref<125x64xf32, #tpu.memory_space<hbm>>
      tpu.wait_dma2 semaphore(%arg14 : memref<!tpu.dma_semaphore, #tpu.memory_space<semaphore_mem>>) src(%dma_wait3A_258 : memref<125x64xf32, #tpu.memory_space<hbm>>) dst(%dma_wait3A_255 : memref<125x64xf32, #tpu.memory_space<vmem>>)
      %dma_start3A_259 = arith.constant 2 : i32
      %dma_start3A_260 = arith.constant 0 : i32
      %dma_start3A_261 = arith.constant 0 : i32
      %dma_start3A_262 = tpu.memref_slice %arg9[%dma_start3A_259, %dma_start3A_260, %dma_start3A_261] : memref<4x125x64xf32, #tpu.memory_space<vmem>> -> memref<1x125x64xf32, #tpu.memory_space<vmem>>
      %dma_start3A_263 = tpu.memref_squeeze %dma_start3A_262 : memref<1x125x64xf32, #tpu.memory_space<vmem>> -> memref<125x64xf32, #tpu.memory_space<vmem>>
      %dma_start3A_264 = arith.constant 0 : i32
      %dma_start3A_265 = tpu.memref_slice %arg8[%add3A_243, %dma_start3A_264] : memref<160x125xi32, #tpu.memory_space<vmem>> -> memref<1x125xi32, #tpu.memory_space<vmem>>
      %dma_start3A_266 = tpu.memref_squeeze %dma_start3A_265 : memref<1x125xi32, #tpu.memory_space<vmem>> -> memref<125xi32, #tpu.memory_space<vmem>>
      %dma_start3A_267 = arith.constant 0 : i32
      %dma_start3A_268 = arith.constant 0 : i32
      %dma_start3A_269 = tpu.memref_slice %arg11[%dma_start3A_267, %dma_start3A_268] : memref<10240x64xf32, #tpu.memory_space<vmem_shared>> -> memref<10240x64xf32, #tpu.memory_space<vmem_shared>>
      tpu.enqueue_indirect_dma source(%dma_start3A_263 : memref<125x64xf32, #tpu.memory_space<vmem>>) target(%dma_start3A_269 : memref<10240x64xf32, #tpu.memory_space<vmem_shared>>) offsets(%dma_start3A_266 : memref<125xi32, #tpu.memory_space<vmem>>) semaphore(%arg18 : memref<!tpu.dma_semaphore, #tpu.memory_space<semaphore_mem>>) {add = true}
      %dma_wait3A_270 = arith.constant 0 : i32
      %dma_wait3A_271 = arith.constant 0 : i32
      %dma_wait3A_272 = arith.constant 0 : i32
      %dma_wait3A_273 = tpu.memref_slice %arg9[%dma_wait3A_270, %dma_wait3A_271, %dma_wait3A_272] : memref<4x125x64xf32, #tpu.memory_space<vmem>> -> memref<1x125x64xf32, #tpu.memory_space<vmem>>
      %dma_wait3A_274 = tpu.memref_squeeze %dma_wait3A_273 : memref<1x125x64xf32, #tpu.memory_space<vmem>> -> memref<125x64xf32, #tpu.memory_space<vmem>>
      %dma_wait3A_275 = arith.constant 0 : i32
      %dma_wait3A_276 = arith.constant 0 : i32
      %dma_wait3A_277 = tpu.memref_slice %arg2[%dma_wait3A_275, %dma_wait3A_276] : memref<10000x64xf32, #tpu.memory_space<hbm>> -> memref<125x64xf32, #tpu.memory_space<hbm>>
      %dma_wait3A_278 = arith.constant 0 : i32
      %dma_wait3A_279 = arith.constant 0 : i32
      %dma_wait3A_280 = tpu.memref_slice %arg9[%dma_wait3A_270, %dma_wait3A_278, %dma_wait3A_279] : memref<4x125x64xf32, #tpu.memory_space<vmem>> -> memref<1x125x64xf32, #tpu.memory_space<vmem>>
      %dma_wait3A_281 = tpu.memref_squeeze %dma_wait3A_280 : memref<1x125x64xf32, #tpu.memory_space<vmem>> -> memref<125x64xf32, #tpu.memory_space<vmem>>
      %dma_wait3A_282 = arith.constant 0 : i32
      %dma_wait3A_283 = arith.constant 0 : i32
      %dma_wait3A_284 = tpu.memref_slice %arg2[%dma_wait3A_282, %dma_wait3A_283] : memref<10000x64xf32, #tpu.memory_space<hbm>> -> memref<125x64xf32, #tpu.memory_space<hbm>>
      tpu.wait_dma2 semaphore(%arg16 : memref<!tpu.dma_semaphore, #tpu.memory_space<semaphore_mem>>) src(%dma_wait3A_284 : memref<125x64xf32, #tpu.memory_space<hbm>>) dst(%dma_wait3A_281 : memref<125x64xf32, #tpu.memory_space<vmem>>)
      %add3A_285 = arith.constant 2 : i32
      %add3A_286 = arith.addi %add3A_243, %add3A_285 : i32
      %lt3A_287 = arith.constant 160 : i32
      %lt3A_288 = arith.cmpi slt, %add3A_286, %lt3A_287 : i32
      %add3A_289 = arith.constant 2 : i32
      %add3A_290 = arith.addi %add3A_243, %add3A_289 : i32
      %jit3A_291 = arith.constant 2 : i32
      %select_n3A_292 = arith.select %lt3A_288, %add3A_290, %jit3A_291 : i32
      %eq3A_293 = arith.constant 0 : i32
      %eq3A_294 = arith.cmpi eq, %arg0, %eq3A_293 : i32
      %convert_element_type3A_295 = arith.extui %eq3A_294 : i1 to i32
      %cond3A_296 = arith.constant 0 : i32
      %cond3A_297 = arith.cmpi ne, %convert_element_type3A_295, %cond3A_296 : i32
      scf.if %cond3A_297 {
        %dma_start3A_367 = arith.constant 0 : i32
        %dma_start3A_368 = arith.constant 0 : i32
        %dma_start3A_369 = arith.constant 0 : i32
        %dma_start3A_370 = tpu.memref_slice %arg9[%dma_start3A_367, %dma_start3A_368, %dma_start3A_369] : memref<4x125x64xf32, #tpu.memory_space<vmem>> -> memref<1x125x64xf32, #tpu.memory_space<vmem>>
        %dma_start3A_371 = tpu.memref_squeeze %dma_start3A_370 : memref<1x125x64xf32, #tpu.memory_space<vmem>> -> memref<125x64xf32, #tpu.memory_space<vmem>>
        %dma_start3A_372 = arith.constant 0 : i32
        %dma_start3A_373 = tpu.memref_slice %arg7[%select_n3A_292, %dma_start3A_372] : memref<160x125xi32, #tpu.memory_space<vmem>> -> memref<1x125xi32, #tpu.memory_space<vmem>>
        %dma_start3A_374 = tpu.memref_squeeze %dma_start3A_373 : memref<1x125xi32, #tpu.memory_space<vmem>> -> memref<125xi32, #tpu.memory_space<vmem>>
        %dma_start3A_375 = arith.constant 0 : i32
        %dma_start3A_376 = arith.constant 0 : i32
        %dma_start3A_377 = tpu.memref_slice %arg2[%dma_start3A_375, %dma_start3A_376] : memref<10000x64xf32, #tpu.memory_space<hbm>> -> memref<10000x64xf32, #tpu.memory_space<hbm>>
        tpu.enqueue_indirect_dma source(%dma_start3A_377 : memref<10000x64xf32, #tpu.memory_space<hbm>>) target(%dma_start3A_371 : memref<125x64xf32, #tpu.memory_space<vmem>>) offsets(%dma_start3A_374 : memref<125xi32, #tpu.memory_space<vmem>>) semaphore(%arg12 : memref<!tpu.dma_semaphore, #tpu.memory_space<semaphore_mem>>)
      } else {
      }
      %eq3A_298 = arith.constant 1 : i32
      %eq3A_299 = arith.cmpi eq, %arg0, %eq3A_298 : i32
      %convert_element_type3A_300 = arith.extui %eq3A_299 : i1 to i32
      %cond3A_301 = arith.constant 0 : i32
      %cond3A_302 = arith.cmpi ne, %convert_element_type3A_300, %cond3A_301 : i32
      scf.if %cond3A_302 {
        %dma_start3A_367 = arith.constant 0 : i32
        %dma_start3A_368 = arith.constant 0 : i32
        %dma_start3A_369 = arith.constant 0 : i32
        %dma_start3A_370 = tpu.memref_slice %arg9[%dma_start3A_367, %dma_start3A_368, %dma_start3A_369] : memref<4x125x64xf32, #tpu.memory_space<vmem>> -> memref<1x125x64xf32, #tpu.memory_space<vmem>>
        %dma_start3A_371 = tpu.memref_squeeze %dma_start3A_370 : memref<1x125x64xf32, #tpu.memory_space<vmem>> -> memref<125x64xf32, #tpu.memory_space<vmem>>
        %dma_start3A_372 = arith.constant 0 : i32
        %dma_start3A_373 = tpu.memref_slice %arg7[%select_n3A_292, %dma_start3A_372] : memref<160x125xi32, #tpu.memory_space<vmem>> -> memref<1x125xi32, #tpu.memory_space<vmem>>
        %dma_start3A_374 = tpu.memref_squeeze %dma_start3A_373 : memref<1x125xi32, #tpu.memory_space<vmem>> -> memref<125xi32, #tpu.memory_space<vmem>>
        %dma_start3A_375 = arith.constant 0 : i32
        %dma_start3A_376 = arith.constant 0 : i32
        %dma_start3A_377 = tpu.memref_slice %arg3[%dma_start3A_375, %dma_start3A_376] : memref<10000x64xf32, #tpu.memory_space<hbm>> -> memref<10000x64xf32, #tpu.memory_space<hbm>>
        tpu.enqueue_indirect_dma source(%dma_start3A_377 : memref<10000x64xf32, #tpu.memory_space<hbm>>) target(%dma_start3A_371 : memref<125x64xf32, #tpu.memory_space<vmem>>) offsets(%dma_start3A_374 : memref<125xi32, #tpu.memory_space<vmem>>) semaphore(%arg12 : memref<!tpu.dma_semaphore, #tpu.memory_space<semaphore_mem>>)
      } else {
      }
      %mul3A_303 = arith.constant 4 : i32
      %mul3A_304 = arith.muli %mul3A_303, %scan3A_137 : i32
      %add3A_305 = arith.constant 3 : i32
      %add3A_306 = arith.addi %mul3A_304, %add3A_305 : i32
      %dma_wait3A_307 = arith.constant 3 : i32
      %dma_wait3A_308 = arith.constant 0 : i32
      %dma_wait3A_309 = arith.constant 0 : i32
      %dma_wait3A_310 = tpu.memref_slice %arg9[%dma_wait3A_307, %dma_wait3A_308, %dma_wait3A_309] : memref<4x125x64xf32, #tpu.memory_space<vmem>> -> memref<1x125x64xf32, #tpu.memory_space<vmem>>
      %dma_wait3A_311 = tpu.memref_squeeze %dma_wait3A_310 : memref<1x125x64xf32, #tpu.memory_space<vmem>> -> memref<125x64xf32, #tpu.memory_space<vmem>>
      %dma_wait3A_312 = arith.constant 0 : i32
      %dma_wait3A_313 = arith.constant 0 : i32
      %dma_wait3A_314 = tpu.memref_slice %arg2[%dma_wait3A_312, %dma_wait3A_313] : memref<10000x64xf32, #tpu.memory_space<hbm>> -> memref<125x64xf32, #tpu.memory_space<hbm>>
      %dma_wait3A_315 = arith.constant 0 : i32
      %dma_wait3A_316 = arith.constant 0 : i32
      %dma_wait3A_317 = tpu.memref_slice %arg9[%dma_wait3A_307, %dma_wait3A_315, %dma_wait3A_316] : memref<4x125x64xf32, #tpu.memory_space<vmem>> -> memref<1x125x64xf32, #tpu.memory_space<vmem>>
      %dma_wait3A_318 = tpu.memref_squeeze %dma_wait3A_317 : memref<1x125x64xf32, #tpu.memory_space<vmem>> -> memref<125x64xf32, #tpu.memory_space<vmem>>
      %dma_wait3A_319 = arith.constant 0 : i32
      %dma_wait3A_320 = arith.constant 0 : i32
      %dma_wait3A_321 = tpu.memref_slice %arg2[%dma_wait3A_319, %dma_wait3A_320] : memref<10000x64xf32, #tpu.memory_space<hbm>> -> memref<125x64xf32, #tpu.memory_space<hbm>>
      tpu.wait_dma2 semaphore(%arg15 : memref<!tpu.dma_semaphore, #tpu.memory_space<semaphore_mem>>) src(%dma_wait3A_321 : memref<125x64xf32, #tpu.memory_space<hbm>>) dst(%dma_wait3A_318 : memref<125x64xf32, #tpu.memory_space<vmem>>)
      %dma_start3A_322 = arith.constant 3 : i32
      %dma_start3A_323 = arith.constant 0 : i32
      %dma_start3A_324 = arith.constant 0 : i32
      %dma_start3A_325 = tpu.memref_slice %arg9[%dma_start3A_322, %dma_start3A_323, %dma_start3A_324] : memref<4x125x64xf32, #tpu.memory_space<vmem>> -> memref<1x125x64xf32, #tpu.memory_space<vmem>>
      %dma_start3A_326 = tpu.memref_squeeze %dma_start3A_325 : memref<1x125x64xf32, #tpu.memory_space<vmem>> -> memref<125x64xf32, #tpu.memory_space<vmem>>
      %dma_start3A_327 = arith.constant 0 : i32
      %dma_start3A_328 = tpu.memref_slice %arg8[%add3A_306, %dma_start3A_327] : memref<160x125xi32, #tpu.memory_space<vmem>> -> memref<1x125xi32, #tpu.memory_space<vmem>>
      %dma_start3A_329 = tpu.memref_squeeze %dma_start3A_328 : memref<1x125xi32, #tpu.memory_space<vmem>> -> memref<125xi32, #tpu.memory_space<vmem>>
      %dma_start3A_330 = arith.constant 0 : i32
      %dma_start3A_331 = arith.constant 0 : i32
      %dma_start3A_332 = tpu.memref_slice %arg11[%dma_start3A_330, %dma_start3A_331] : memref<10240x64xf32, #tpu.memory_space<vmem_shared>> -> memref<10240x64xf32, #tpu.memory_space<vmem_shared>>
      tpu.enqueue_indirect_dma source(%dma_start3A_326 : memref<125x64xf32, #tpu.memory_space<vmem>>) target(%dma_start3A_332 : memref<10240x64xf32, #tpu.memory_space<vmem_shared>>) offsets(%dma_start3A_329 : memref<125xi32, #tpu.memory_space<vmem>>) semaphore(%arg19 : memref<!tpu.dma_semaphore, #tpu.memory_space<semaphore_mem>>) {add = true}
      %dma_wait3A_333 = arith.constant 1 : i32
      %dma_wait3A_334 = arith.constant 0 : i32
      %dma_wait3A_335 = arith.constant 0 : i32
      %dma_wait3A_336 = tpu.memref_slice %arg9[%dma_wait3A_333, %dma_wait3A_334, %dma_wait3A_335] : memref<4x125x64xf32, #tpu.memory_space<vmem>> -> memref<1x125x64xf32, #tpu.memory_space<vmem>>
      %dma_wait3A_337 = tpu.memref_squeeze %dma_wait3A_336 : memref<1x125x64xf32, #tpu.memory_space<vmem>> -> memref<125x64xf32, #tpu.memory_space<vmem>>
      %dma_wait3A_338 = arith.constant 0 : i32
      %dma_wait3A_339 = arith.constant 0 : i32
      %dma_wait3A_340 = tpu.memref_slice %arg2[%dma_wait3A_338, %dma_wait3A_339] : memref<10000x64xf32, #tpu.memory_space<hbm>> -> memref<125x64xf32, #tpu.memory_space<hbm>>
      %dma_wait3A_341 = arith.constant 0 : i32
      %dma_wait3A_342 = arith.constant 0 : i32
      %dma_wait3A_343 = tpu.memref_slice %arg9[%dma_wait3A_333, %dma_wait3A_341, %dma_wait3A_342] : memref<4x125x64xf32, #tpu.memory_space<vmem>> -> memref<1x125x64xf32, #tpu.memory_space<vmem>>
      %dma_wait3A_344 = tpu.memref_squeeze %dma_wait3A_343 : memref<1x125x64xf32, #tpu.memory_space<vmem>> -> memref<125x64xf32, #tpu.memory_space<vmem>>
      %dma_wait3A_345 = arith.constant 0 : i32
      %dma_wait3A_346 = arith.constant 0 : i32
      %dma_wait3A_347 = tpu.memref_slice %arg2[%dma_wait3A_345, %dma_wait3A_346] : memref<10000x64xf32, #tpu.memory_space<hbm>> -> memref<125x64xf32, #tpu.memory_space<hbm>>
      tpu.wait_dma2 semaphore(%arg17 : memref<!tpu.dma_semaphore, #tpu.memory_space<semaphore_mem>>) src(%dma_wait3A_347 : memref<125x64xf32, #tpu.memory_space<hbm>>) dst(%dma_wait3A_344 : memref<125x64xf32, #tpu.memory_space<vmem>>)
      %add3A_348 = arith.constant 2 : i32
      %add3A_349 = arith.addi %add3A_306, %add3A_348 : i32
      %lt3A_350 = arith.constant 160 : i32
      %lt3A_351 = arith.cmpi slt, %add3A_349, %lt3A_350 : i32
      %add3A_352 = arith.constant 2 : i32
      %add3A_353 = arith.addi %add3A_306, %add3A_352 : i32
      %jit3A_354 = arith.constant 3 : i32
      %select_n3A_355 = arith.select %lt3A_351, %add3A_353, %jit3A_354 : i32
      %eq3A_356 = arith.constant 0 : i32
      %eq3A_357 = arith.cmpi eq, %arg0, %eq3A_356 : i32
      %convert_element_type3A_358 = arith.extui %eq3A_357 : i1 to i32
      %cond3A_359 = arith.constant 0 : i32
      %cond3A_360 = arith.cmpi ne, %convert_element_type3A_358, %cond3A_359 : i32
      scf.if %cond3A_360 {
        %dma_start3A_367 = arith.constant 1 : i32
        %dma_start3A_368 = arith.constant 0 : i32
        %dma_start3A_369 = arith.constant 0 : i32
        %dma_start3A_370 = tpu.memref_slice %arg9[%dma_start3A_367, %dma_start3A_368, %dma_start3A_369] : memref<4x125x64xf32, #tpu.memory_space<vmem>> -> memref<1x125x64xf32, #tpu.memory_space<vmem>>
        %dma_start3A_371 = tpu.memref_squeeze %dma_start3A_370 : memref<1x125x64xf32, #tpu.memory_space<vmem>> -> memref<125x64xf32, #tpu.memory_space<vmem>>
        %dma_start3A_372 = arith.constant 0 : i32
        %dma_start3A_373 = tpu.memref_slice %arg7[%select_n3A_355, %dma_start3A_372] : memref<160x125xi32, #tpu.memory_space<vmem>> -> memref<1x125xi32, #tpu.memory_space<vmem>>
        %dma_start3A_374 = tpu.memref_squeeze %dma_start3A_373 : memref<1x125xi32, #tpu.memory_space<vmem>> -> memref<125xi32, #tpu.memory_space<vmem>>
        %dma_start3A_375 = arith.constant 0 : i32
        %dma_start3A_376 = arith.constant 0 : i32
        %dma_start3A_377 = tpu.memref_slice %arg2[%dma_start3A_375, %dma_start3A_376] : memref<10000x64xf32, #tpu.memory_space<hbm>> -> memref<10000x64xf32, #tpu.memory_space<hbm>>
        tpu.enqueue_indirect_dma source(%dma_start3A_377 : memref<10000x64xf32, #tpu.memory_space<hbm>>) target(%dma_start3A_371 : memref<125x64xf32, #tpu.memory_space<vmem>>) offsets(%dma_start3A_374 : memref<125xi32, #tpu.memory_space<vmem>>) semaphore(%arg13 : memref<!tpu.dma_semaphore, #tpu.memory_space<semaphore_mem>>)
      } else {
      }
      %eq3A_361 = arith.constant 1 : i32
      %eq3A_362 = arith.cmpi eq, %arg0, %eq3A_361 : i32
      %convert_element_type3A_363 = arith.extui %eq3A_362 : i1 to i32
      %cond3A_364 = arith.constant 0 : i32
      %cond3A_365 = arith.cmpi ne, %convert_element_type3A_363, %cond3A_364 : i32
      scf.if %cond3A_365 {
        %dma_start3A_367 = arith.constant 1 : i32
        %dma_start3A_368 = arith.constant 0 : i32
        %dma_start3A_369 = arith.constant 0 : i32
        %dma_start3A_370 = tpu.memref_slice %arg9[%dma_start3A_367, %dma_start3A_368, %dma_start3A_369] : memref<4x125x64xf32, #tpu.memory_space<vmem>> -> memref<1x125x64xf32, #tpu.memory_space<vmem>>
        %dma_start3A_371 = tpu.memref_squeeze %dma_start3A_370 : memref<1x125x64xf32, #tpu.memory_space<vmem>> -> memref<125x64xf32, #tpu.memory_space<vmem>>
        %dma_start3A_372 = arith.constant 0 : i32
        %dma_start3A_373 = tpu.memref_slice %arg7[%select_n3A_355, %dma_start3A_372] : memref<160x125xi32, #tpu.memory_space<vmem>> -> memref<1x125xi32, #tpu.memory_space<vmem>>
        %dma_start3A_374 = tpu.memref_squeeze %dma_start3A_373 : memref<1x125xi32, #tpu.memory_space<vmem>> -> memref<125xi32, #tpu.memory_space<vmem>>
        %dma_start3A_375 = arith.constant 0 : i32
        %dma_start3A_376 = arith.constant 0 : i32
        %dma_start3A_377 = tpu.memref_slice %arg3[%dma_start3A_375, %dma_start3A_376] : memref<10000x64xf32, #tpu.memory_space<hbm>> -> memref<10000x64xf32, #tpu.memory_space<hbm>>
        tpu.enqueue_indirect_dma source(%dma_start3A_377 : memref<10000x64xf32, #tpu.memory_space<hbm>>) target(%dma_start3A_371 : memref<125x64xf32, #tpu.memory_space<vmem>>) offsets(%dma_start3A_374 : memref<125xi32, #tpu.memory_space<vmem>>) semaphore(%arg13 : memref<!tpu.dma_semaphore, #tpu.memory_space<semaphore_mem>>)
      } else {
      }
      %scan3A_366 = arith.constant 0 : i32
      scf.yield %scan3A_366 : i32
    }
    %scan3A_74 = arith.constant 40 : i32
    %dma_wait3A = arith.constant 0 : i32
    %dma_wait3A_75 = arith.constant 0 : i32
    %dma_wait3A_76 = arith.constant 0 : i32
    %dma_wait3A_77 = tpu.memref_slice %arg9[%dma_wait3A, %dma_wait3A_75, %dma_wait3A_76] : memref<4x125x64xf32, #tpu.memory_space<vmem>> -> memref<1x125x64xf32, #tpu.memory_space<vmem>>
    %dma_wait3A_78 = tpu.memref_squeeze %dma_wait3A_77 : memref<1x125x64xf32, #tpu.memory_space<vmem>> -> memref<125x64xf32, #tpu.memory_space<vmem>>
    %dma_wait3A_79 = arith.constant 0 : i32
    %dma_wait3A_80 = arith.constant 0 : i32
    %dma_wait3A_81 = tpu.memref_slice %arg2[%dma_wait3A_79, %dma_wait3A_80] : memref<10000x64xf32, #tpu.memory_space<hbm>> -> memref<125x64xf32, #tpu.memory_space<hbm>>
    %dma_wait3A_82 = arith.constant 0 : i32
    %dma_wait3A_83 = arith.constant 0 : i32
    %dma_wait3A_84 = tpu.memref_slice %arg9[%dma_wait3A, %dma_wait3A_82, %dma_wait3A_83] : memref<4x125x64xf32, #tpu.memory_space<vmem>> -> memref<1x125x64xf32, #tpu.memory_space<vmem>>
    %dma_wait3A_85 = tpu.memref_squeeze %dma_wait3A_84 : memref<1x125x64xf32, #tpu.memory_space<vmem>> -> memref<125x64xf32, #tpu.memory_space<vmem>>
    %dma_wait3A_86 = arith.constant 0 : i32
    %dma_wait3A_87 = arith.constant 0 : i32
    %dma_wait3A_88 = tpu.memref_slice %arg2[%dma_wait3A_86, %dma_wait3A_87] : memref<10000x64xf32, #tpu.memory_space<hbm>> -> memref<125x64xf32, #tpu.memory_space<hbm>>
    tpu.wait_dma2 semaphore(%arg12 : memref<!tpu.dma_semaphore, #tpu.memory_space<semaphore_mem>>) src(%dma_wait3A_88 : memref<125x64xf32, #tpu.memory_space<hbm>>) dst(%dma_wait3A_85 : memref<125x64xf32, #tpu.memory_space<vmem>>)
    %dma_wait3A_89 = arith.constant 1 : i32
    %dma_wait3A_90 = arith.constant 0 : i32
    %dma_wait3A_91 = arith.constant 0 : i32
    %dma_wait3A_92 = tpu.memref_slice %arg9[%dma_wait3A_89, %dma_wait3A_90, %dma_wait3A_91] : memref<4x125x64xf32, #tpu.memory_space<vmem>> -> memref<1x125x64xf32, #tpu.memory_space<vmem>>
    %dma_wait3A_93 = tpu.memref_squeeze %dma_wait3A_92 : memref<1x125x64xf32, #tpu.memory_space<vmem>> -> memref<125x64xf32, #tpu.memory_space<vmem>>
    %dma_wait3A_94 = arith.constant 0 : i32
    %dma_wait3A_95 = arith.constant 0 : i32
    %dma_wait3A_96 = tpu.memref_slice %arg2[%dma_wait3A_94, %dma_wait3A_95] : memref<10000x64xf32, #tpu.memory_space<hbm>> -> memref<125x64xf32, #tpu.memory_space<hbm>>
    %dma_wait3A_97 = arith.constant 0 : i32
    %dma_wait3A_98 = arith.constant 0 : i32
    %dma_wait3A_99 = tpu.memref_slice %arg9[%dma_wait3A_89, %dma_wait3A_97, %dma_wait3A_98] : memref<4x125x64xf32, #tpu.memory_space<vmem>> -> memref<1x125x64xf32, #tpu.memory_space<vmem>>
    %dma_wait3A_100 = tpu.memref_squeeze %dma_wait3A_99 : memref<1x125x64xf32, #tpu.memory_space<vmem>> -> memref<125x64xf32, #tpu.memory_space<vmem>>
    %dma_wait3A_101 = arith.constant 0 : i32
    %dma_wait3A_102 = arith.constant 0 : i32
    %dma_wait3A_103 = tpu.memref_slice %arg2[%dma_wait3A_101, %dma_wait3A_102] : memref<10000x64xf32, #tpu.memory_space<hbm>> -> memref<125x64xf32, #tpu.memory_space<hbm>>
    tpu.wait_dma2 semaphore(%arg13 : memref<!tpu.dma_semaphore, #tpu.memory_space<semaphore_mem>>) src(%dma_wait3A_103 : memref<125x64xf32, #tpu.memory_space<hbm>>) dst(%dma_wait3A_100 : memref<125x64xf32, #tpu.memory_space<vmem>>)
    %dma_wait3A_104 = arith.constant 2 : i32
    %dma_wait3A_105 = arith.constant 0 : i32
    %dma_wait3A_106 = arith.constant 0 : i32
    %dma_wait3A_107 = tpu.memref_slice %arg9[%dma_wait3A_104, %dma_wait3A_105, %dma_wait3A_106] : memref<4x125x64xf32, #tpu.memory_space<vmem>> -> memref<1x125x64xf32, #tpu.memory_space<vmem>>
    %dma_wait3A_108 = tpu.memref_squeeze %dma_wait3A_107 : memref<1x125x64xf32, #tpu.memory_space<vmem>> -> memref<125x64xf32, #tpu.memory_space<vmem>>
    %dma_wait3A_109 = arith.constant 0 : i32
    %dma_wait3A_110 = arith.constant 0 : i32
    %dma_wait3A_111 = tpu.memref_slice %arg2[%dma_wait3A_109, %dma_wait3A_110] : memref<10000x64xf32, #tpu.memory_space<hbm>> -> memref<125x64xf32, #tpu.memory_space<hbm>>
    %dma_wait3A_112 = arith.constant 0 : i32
    %dma_wait3A_113 = arith.constant 0 : i32
    %dma_wait3A_114 = tpu.memref_slice %arg9[%dma_wait3A_104, %dma_wait3A_112, %dma_wait3A_113] : memref<4x125x64xf32, #tpu.memory_space<vmem>> -> memref<1x125x64xf32, #tpu.memory_space<vmem>>
    %dma_wait3A_115 = tpu.memref_squeeze %dma_wait3A_114 : memref<1x125x64xf32, #tpu.memory_space<vmem>> -> memref<125x64xf32, #tpu.memory_space<vmem>>
    %dma_wait3A_116 = arith.constant 0 : i32
    %dma_wait3A_117 = arith.constant 0 : i32
    %dma_wait3A_118 = tpu.memref_slice %arg2[%dma_wait3A_116, %dma_wait3A_117] : memref<10000x64xf32, #tpu.memory_space<hbm>> -> memref<125x64xf32, #tpu.memory_space<hbm>>
    tpu.wait_dma2 semaphore(%arg18 : memref<!tpu.dma_semaphore, #tpu.memory_space<semaphore_mem>>) src(%dma_wait3A_118 : memref<125x64xf32, #tpu.memory_space<hbm>>) dst(%dma_wait3A_115 : memref<125x64xf32, #tpu.memory_space<vmem>>)
    %dma_wait3A_119 = arith.constant 3 : i32
    %dma_wait3A_120 = arith.constant 0 : i32
    %dma_wait3A_121 = arith.constant 0 : i32
    %dma_wait3A_122 = tpu.memref_slice %arg9[%dma_wait3A_119, %dma_wait3A_120, %dma_wait3A_121] : memref<4x125x64xf32, #tpu.memory_space<vmem>> -> memref<1x125x64xf32, #tpu.memory_space<vmem>>
    %dma_wait3A_123 = tpu.memref_squeeze %dma_wait3A_122 : memref<1x125x64xf32, #tpu.memory_space<vmem>> -> memref<125x64xf32, #tpu.memory_space<vmem>>
    %dma_wait3A_124 = arith.constant 0 : i32
    %dma_wait3A_125 = arith.constant 0 : i32
    %dma_wait3A_126 = tpu.memref_slice %arg2[%dma_wait3A_124, %dma_wait3A_125] : memref<10000x64xf32, #tpu.memory_space<hbm>> -> memref<125x64xf32, #tpu.memory_space<hbm>>
    %dma_wait3A_127 = arith.constant 0 : i32
    %dma_wait3A_128 = arith.constant 0 : i32
    %dma_wait3A_129 = tpu.memref_slice %arg9[%dma_wait3A_119, %dma_wait3A_127, %dma_wait3A_128] : memref<4x125x64xf32, #tpu.memory_space<vmem>> -> memref<1x125x64xf32, #tpu.memory_space<vmem>>
    %dma_wait3A_130 = tpu.memref_squeeze %dma_wait3A_129 : memref<1x125x64xf32, #tpu.memory_space<vmem>> -> memref<125x64xf32, #tpu.memory_space<vmem>>
    %dma_wait3A_131 = arith.constant 0 : i32
    %dma_wait3A_132 = arith.constant 0 : i32
    %dma_wait3A_133 = tpu.memref_slice %arg2[%dma_wait3A_131, %dma_wait3A_132] : memref<10000x64xf32, #tpu.memory_space<hbm>> -> memref<125x64xf32, #tpu.memory_space<hbm>>
    tpu.wait_dma2 semaphore(%arg19 : memref<!tpu.dma_semaphore, #tpu.memory_space<semaphore_mem>>) src(%dma_wait3A_133 : memref<125x64xf32, #tpu.memory_space<hbm>>) dst(%dma_wait3A_130 : memref<125x64xf32, #tpu.memory_space<vmem>>)
    %barrier3A_134 = arith.constant 0 : index
    tpu.barrier barrier_id(%barrier3A_134)
    %mul3A_135 = arith.constant 640 : i32
    %mul3A_136 = arith.muli %arg1, %mul3A_135 : i32
    "tpu.region"() ({
      %run_scoped3A_137 = tpu.sem_alloc : memref<!tpu.dma_semaphore, #tpu.memory_space<semaphore_mem>>
      %dma_start3A = arith.constant 0 : i32
      %dma_start3A_138 = tpu.memref_slice %arg6[%arg0, %mul3A_136, %dma_start3A] : memref<2x10240x64xf32, #tpu.memory_space<hbm>> -> memref<1x640x64xf32, #tpu.memory_space<hbm>>
      %dma_start3A_139 = tpu.memref_squeeze %dma_start3A_138 : memref<1x640x64xf32, #tpu.memory_space<hbm>> -> memref<640x64xf32, #tpu.memory_space<hbm>>
      %dma_start3A_140 = arith.constant 0 : i32
      %dma_start3A_141 = tpu.memref_slice %arg11[%mul3A_136, %dma_start3A_140] : memref<10240x64xf32, #tpu.memory_space<vmem_shared>> -> memref<640x64xf32, #tpu.memory_space<vmem_shared>>
      tpu.enqueue_dma source(%dma_start3A_141 : memref<640x64xf32, #tpu.memory_space<vmem_shared>>) target(%dma_start3A_139 : memref<640x64xf32, #tpu.memory_space<hbm>>) target_semaphore(%run_scoped3A_137 : memref<!tpu.dma_semaphore, #tpu.memory_space<semaphore_mem>>)
      %dma_wait3A_142 = arith.constant 0 : i32
      %dma_wait3A_143 = tpu.memref_slice %arg6[%arg0, %mul3A_136, %dma_wait3A_142] : memref<2x10240x64xf32, #tpu.memory_space<hbm>> -> memref<1x640x64xf32, #tpu.memory_space<hbm>>
      %dma_wait3A_144 = tpu.memref_squeeze %dma_wait3A_143 : memref<1x640x64xf32, #tpu.memory_space<hbm>> -> memref<640x64xf32, #tpu.memory_space<hbm>>
      %dma_wait3A_145 = arith.constant 0 : i32
      %dma_wait3A_146 = tpu.memref_slice %arg11[%mul3A_136, %dma_wait3A_145] : memref<10240x64xf32, #tpu.memory_space<vmem_shared>> -> memref<640x64xf32, #tpu.memory_space<vmem_shared>>
      tpu.wait_dma2 semaphore(%run_scoped3A_137 : memref<!tpu.dma_semaphore, #tpu.memory_space<semaphore_mem>>) src(%dma_wait3A_146 : memref<640x64xf32, #tpu.memory_space<vmem_shared>>) dst(%dma_wait3A_144 : memref<640x64xf32, #tpu.memory_space<hbm>>)
      tpu.yield
    }) : () -> ()
    return
  }
}

module attributes {stable_mosaic.version = 14 : i64} {
  func.func @body(%arg0: i32, %arg1: memref<2x1000x64xf32, #tpu.memory_space<vmem>>, %arg2: memref<128x128xf32, #tpu.memory_space<vmem>>, %arg3: memref<1x128xf32, #tpu.memory_space<vmem>>, %arg4: memref<1000x128xf32, #tpu.memory_space<vmem>>) attributes {dimension_semantics = [#tpu.dimension_semantics<arbitrary>], iteration_bounds = array<i64: 10>, scalar_prefetch = 0 : i64, scratch_operands = 0 : i64, tpu.core_type = #tpu.core_type<tc>, window_params = [{transform_indices = @transform_0, window_bounds = array<i64: 2, 1000, 64>}, {pipeline_mode = #tpu.pipeline_mode<synchronous>, transform_indices = @transform_1, window_bounds = array<i64: 128, 128>}, {pipeline_mode = #tpu.pipeline_mode<synchronous>, transform_indices = @transform_2, window_bounds = array<i64: 1, 128>}, {transform_indices = @transform_3, window_bounds = array<i64: 1000, 128>}]} {
    %get3A = arith.constant 0 : index
    %get3A_0 = arith.constant 0 : index
    %get3A_1 = vector.load %arg3[%get3A, %get3A_0] : memref<1x128xf32, #tpu.memory_space<vmem>>, vector<1x128xf32>
    %get3A_2 = arith.constant 0 : index
    %get3A_3 = arith.constant 0 : index
    %get3A_4 = arith.constant 0 : index
    %get3A_5 = vector.load %arg1[%get3A_2, %get3A_3, %get3A_4] : memref<2x1000x64xf32, #tpu.memory_space<vmem>>, vector<1x1000x64xf32>
    %get3A_6 = vector.shape_cast %get3A_5 : vector<1x1000x64xf32> to vector<1000x64xf32>
    %get3A_7 = arith.constant 0 : index
    %get3A_8 = arith.constant 0 : index
    %get3A_9 = vector.load %arg2[%get3A_7, %get3A_8] : memref<128x128xf32, #tpu.memory_space<vmem>>, vector<128x64xf32>
    %dot_general3A = arith.constant dense<0.000000e+00> : vector<1000x128xf32>
    %dot_general3A_10 = tpu.matmul %get3A_6, %get3A_9, %dot_general3A {dimension_numbers = #tpu.dot_dimension_numbers<[1], [1], [0], [0], [0, 0, 1, 0], [], []>, transpose_lhs_hint = false} : vector<1000x64xf32>, vector<128x64xf32>, vector<1000x128xf32> -> vector<1000x128xf32>
    %add3A = vector.broadcast %get3A_1 : vector<1x128xf32> to vector<1000x128xf32>
    %add3A_11 = arith.addf %add3A, %dot_general3A_10 : vector<1000x128xf32>
    %get3A_12 = arith.constant 1 : index
    %get3A_13 = arith.constant 0 : index
    %get3A_14 = arith.constant 0 : index
    %get3A_15 = vector.load %arg1[%get3A_12, %get3A_13, %get3A_14] : memref<2x1000x64xf32, #tpu.memory_space<vmem>>, vector<1x1000x64xf32>
    %get3A_16 = vector.shape_cast %get3A_15 : vector<1x1000x64xf32> to vector<1000x64xf32>
    %get3A_17 = arith.constant 0 : index
    %get3A_18 = arith.constant 64 : index
    %get3A_19 = vector.load %arg2[%get3A_17, %get3A_18] : memref<128x128xf32, #tpu.memory_space<vmem>>, vector<128x64xf32>
    %dot_general3A_20 = arith.constant dense<0.000000e+00> : vector<1000x128xf32>
    %dot_general3A_21 = tpu.matmul %get3A_16, %get3A_19, %dot_general3A_20 {dimension_numbers = #tpu.dot_dimension_numbers<[1], [1], [0], [0], [0, 0, 1, 0], [], []>, transpose_lhs_hint = false} : vector<1000x64xf32>, vector<128x64xf32>, vector<1000x128xf32> -> vector<1000x128xf32>
    %add3A_22 = arith.addf %add3A_11, %dot_general3A_21 : vector<1000x128xf32>
    %swap3A = arith.constant 0 : index
    %swap3A_23 = arith.constant 0 : index
    %swap3A_24 = vector.load %arg4[%swap3A, %swap3A_23] : memref<1000x128xf32, #tpu.memory_space<vmem>>, vector<1000x128xf32>
    tpu.vector_store %arg4[%swap3A, %swap3A_23], %add3A_22 {strides = array<i32>} : memref<1000x128xf32, #tpu.memory_space<vmem>>, vector<1000x128xf32>,
    return
  }
  func.func @transform_0(%arg0: i32) -> (i32, i32, i32) {
    %c0_i32 = arith.constant 0 : i32
    %c0_i32_0 = arith.constant 0 : i32
    %c0_i32_1 = arith.constant 0 : i32
    return %c0_i32, %arg0, %c0_i32_0 : i32, i32, i32
  }
  func.func @transform_1(%arg0: i32) -> (i32, i32) {
    %c0_i32 = arith.constant 0 : i32
    %c0_i32_0 = arith.constant 0 : i32
    %c0_i32_1 = arith.constant 0 : i32
    return %c0_i32, %c0_i32_0 : i32, i32
  }
  func.func @transform_2(%arg0: i32) -> (i32, i32) {
    %c0_i32 = arith.constant 0 : i32
    %c0_i32_0 = arith.constant 0 : i32
    %c0_i32_1 = arith.constant 0 : i32
    return %c0_i32, %c0_i32_0 : i32, i32
  }
  func.func @transform_3(%arg0: i32) -> (i32, i32) {
    %c0_i32 = arith.constant 0 : i32
    %c0_i32_0 = arith.constant 0 : i32
    return %arg0, %c0_i32 : i32, i32
  }
}

module attributes {stable_mosaic.version = 14 : i64} {
  func.func @body(%arg0: i32, %arg1: memref<2x1000x64xf32, #tpu.memory_space<vmem>>, %arg2: memref<2x1000x16xf32, #tpu.memory_space<vmem>>, %arg3: memref<1000x128xf32, #tpu.memory_space<vmem>>, %arg4: memref<128x128xf32, #tpu.memory_space<vmem>>, %arg5: memref<2x1000x64xf32, #tpu.memory_space<vmem>>) attributes {dimension_semantics = [#tpu.dimension_semantics<arbitrary>], iteration_bounds = array<i64: 10>, scalar_prefetch = 0 : i64, scratch_operands = 0 : i64, tpu.core_type = #tpu.core_type<tc>, window_params = [{transform_indices = @transform_0, window_bounds = array<i64: 2, 1000, 64>}, {transform_indices = @transform_1, window_bounds = array<i64: 2, 1000, 16>}, {transform_indices = @transform_2, window_bounds = array<i64: 1000, 128>}, {pipeline_mode = #tpu.pipeline_mode<synchronous>, transform_indices = @transform_3, window_bounds = array<i64: 128, 128>}, {transform_indices = @transform_4, window_bounds = array<i64: 2, 1000, 64>}]} {
    %get3A = arith.constant 0 : index
    %get3A_0 = arith.constant 0 : index
    %get3A_1 = arith.constant 0 : index
    %get3A_2 = vector.load %arg2[%get3A, %get3A_0, %get3A_1] : memref<2x1000x16xf32, #tpu.memory_space<vmem>>, vector<1x1000x1xf32>
    %get3A_3 = vector.shape_cast %get3A_2 : vector<1x1000x1xf32> to vector<1000x1xf32>
    %get3A_4 = arith.constant 1 : index
    %get3A_5 = arith.constant 0 : index
    %get3A_6 = arith.constant 0 : index
    %get3A_7 = vector.load %arg2[%get3A_4, %get3A_5, %get3A_6] : memref<2x1000x16xf32, #tpu.memory_space<vmem>>, vector<1x1000x1xf32>
    %get3A_8 = vector.shape_cast %get3A_7 : vector<1x1000x1xf32> to vector<1000x1xf32>
    %add3A = arith.addf %get3A_3, %get3A_8 : vector<1000x1xf32>
    %max3A = arith.constant 1.000000e+00 : f32
    %max3A_9 = vector.broadcast %max3A : f32 to vector<1000x1xf32>
    %max3A_10 = arith.maximumf %add3A, %max3A_9 : vector<1000x1xf32>
    %div3A = arith.constant 1.000000e+00 : f32
    %div3A_11 = vector.broadcast %div3A : f32 to vector<1000x1xf32>
    %div3A_12 = arith.divf %div3A_11, %max3A_10 : vector<1000x1xf32>
    %get3A_13 = arith.constant 0 : index
    %get3A_14 = arith.constant 0 : index
    %get3A_15 = vector.load %arg3[%get3A_13, %get3A_14] : memref<1000x128xf32, #tpu.memory_space<vmem>>, vector<1000x128xf32>
    %get3A_16 = arith.constant 0 : index
    %get3A_17 = arith.constant 0 : index
    %get3A_18 = arith.constant 0 : index
    %get3A_19 = vector.load %arg1[%get3A_16, %get3A_17, %get3A_18] : memref<2x1000x64xf32, #tpu.memory_space<vmem>>, vector<1x1000x64xf32>
    %get3A_20 = vector.shape_cast %get3A_19 : vector<1x1000x64xf32> to vector<1000x64xf32>
    %mul3A = vector.broadcast %div3A_12 : vector<1000x1xf32> to vector<1000x64xf32>
    %mul3A_21 = arith.mulf %get3A_20, %mul3A : vector<1000x64xf32>
    %get3A_22 = arith.constant 0 : index
    %get3A_23 = arith.constant 0 : index
    %get3A_24 = vector.load %arg4[%get3A_22, %get3A_23] : memref<128x128xf32, #tpu.memory_space<vmem>>, vector<128x64xf32>
    %dot_general3A = arith.constant dense<0.000000e+00> : vector<1000x128xf32>
    %dot_general3A_25 = tpu.matmul %mul3A_21, %get3A_24, %dot_general3A {dimension_numbers = #tpu.dot_dimension_numbers<[1], [1], [0], [0], [0, 0, 1, 0], [], []>, transpose_lhs_hint = false} : vector<1000x64xf32>, vector<128x64xf32>, vector<1000x128xf32> -> vector<1000x128xf32>
    %add3A_26 = arith.addf %get3A_15, %dot_general3A_25 : vector<1000x128xf32>
    %get3A_27 = arith.constant 1 : index
    %get3A_28 = arith.constant 0 : index
    %get3A_29 = arith.constant 0 : index
    %get3A_30 = vector.load %arg1[%get3A_27, %get3A_28, %get3A_29] : memref<2x1000x64xf32, #tpu.memory_space<vmem>>, vector<1x1000x64xf32>
    %get3A_31 = vector.shape_cast %get3A_30 : vector<1x1000x64xf32> to vector<1000x64xf32>
    %mul3A_32 = vector.broadcast %div3A_12 : vector<1000x1xf32> to vector<1000x64xf32>
    %mul3A_33 = arith.mulf %get3A_31, %mul3A_32 : vector<1000x64xf32>
    %get3A_34 = arith.constant 0 : index
    %get3A_35 = arith.constant 64 : index
    %get3A_36 = vector.load %arg4[%get3A_34, %get3A_35] : memref<128x128xf32, #tpu.memory_space<vmem>>, vector<128x64xf32>
    %dot_general3A_37 = arith.constant dense<0.000000e+00> : vector<1000x128xf32>
    %dot_general3A_38 = tpu.matmul %mul3A_33, %get3A_36, %dot_general3A_37 {dimension_numbers = #tpu.dot_dimension_numbers<[1], [1], [0], [0], [0, 0, 1, 0], [], []>, transpose_lhs_hint = false} : vector<1000x64xf32>, vector<128x64xf32>, vector<1000x128xf32> -> vector<1000x128xf32>
    %add3A_39 = arith.addf %add3A_26, %dot_general3A_38 : vector<1000x128xf32>
    %max3A_40 = arith.constant 0.000000e+00 : f32
    %max3A_41 = vector.broadcast %max3A_40 : f32 to vector<1000x128xf32>
    %max3A_42 = arith.maximumf %add3A_39, %max3A_41 : vector<1000x128xf32>
    %slice3A = vector.extract_strided_slice %max3A_42 {offsets = [0, 0], sizes = [1000, 64], strides = [1, 1]} : vector<1000x128xf32> to vector<1000x64xf32>
    %swap3A = arith.constant 0 : index
    %swap3A_43 = arith.constant 0 : index
    %swap3A_44 = arith.constant 0 : index
    %swap3A_45 = vector.load %arg5[%swap3A, %swap3A_43, %swap3A_44] : memref<2x1000x64xf32, #tpu.memory_space<vmem>>, vector<1x1000x64xf32>
    %swap3A_46 = vector.shape_cast %swap3A_45 : vector<1x1000x64xf32> to vector<1000x64xf32>
    %swap3A_47 = vector.shape_cast %slice3A : vector<1000x64xf32> to vector<1x1000x64xf32>
    tpu.vector_store %arg5[%swap3A, %swap3A_43, %swap3A_44], %swap3A_47 {strides = array<i32>} : memref<2x1000x64xf32, #tpu.memory_space<vmem>>, vector<1x1000x64xf32>,
    %slice3A_48 = vector.extract_strided_slice %max3A_42 {offsets = [0, 64], sizes = [1000, 64], strides = [1, 1]} : vector<1000x128xf32> to vector<1000x64xf32>
    %swap3A_49 = arith.constant 1 : index
    %swap3A_50 = arith.constant 0 : index
    %swap3A_51 = arith.constant 0 : index
    %swap3A_52 = vector.load %arg5[%swap3A_49, %swap3A_50, %swap3A_51] : memref<2x1000x64xf32, #tpu.memory_space<vmem>>, vector<1x1000x64xf32>
    %swap3A_53 = vector.shape_cast %swap3A_52 : vector<1x1000x64xf32> to vector<1000x64xf32>
    %swap3A_54 = vector.shape_cast %slice3A_48 : vector<1000x64xf32> to vector<1x1000x64xf32>
    tpu.vector_store %arg5[%swap3A_49, %swap3A_50, %swap3A_51], %swap3A_54 {strides = array<i32>} : memref<2x1000x64xf32, #tpu.memory_space<vmem>>, vector<1x1000x64xf32>,
    return
  }
  func.func @transform_0(%arg0: i32) -> (i32, i32, i32) {
    %c0_i32 = arith.constant 0 : i32
    %c0_i32_0 = arith.constant 0 : i32
    %c0_i32_1 = arith.constant 0 : i32
    return %c0_i32, %arg0, %c0_i32_0 : i32, i32, i32
  }
  func.func @transform_1(%arg0: i32) -> (i32, i32, i32) {
    %c0_i32 = arith.constant 0 : i32
    %c0_i32_0 = arith.constant 0 : i32
    %c0_i32_1 = arith.constant 0 : i32
    return %c0_i32, %arg0, %c0_i32_0 : i32, i32, i32
  }
  func.func @transform_2(%arg0: i32) -> (i32, i32) {
    %c0_i32 = arith.constant 0 : i32
    %c0_i32_0 = arith.constant 0 : i32
    return %arg0, %c0_i32 : i32, i32
  }
  func.func @transform_3(%arg0: i32) -> (i32, i32) {
    %c0_i32 = arith.constant 0 : i32
    %c0_i32_0 = arith.constant 0 : i32
    %c0_i32_1 = arith.constant 0 : i32
    return %c0_i32, %c0_i32_0 : i32, i32
  }
  func.func @transform_4(%arg0: i32) -> (i32, i32, i32) {
    %c0_i32 = arith.constant 0 : i32
    %c0_i32_0 = arith.constant 0 : i32
    %c0_i32_1 = arith.constant 0 : i32
    return %c0_i32, %arg0, %c0_i32_0 : i32, i32, i32
  }
}

module attributes {stable_mosaic.version = 14 : i64} {
  func.func @body(%arg0: i32, %arg1: memref<2x1000x64xf32, #tpu.memory_space<vmem>>, %arg2: memref<2x1000x16xf32, #tpu.memory_space<vmem>>, %arg3: memref<1000x128xf32, #tpu.memory_space<vmem>>, %arg4: memref<128x128xf32, #tpu.memory_space<vmem>>, %arg5: memref<1000x128xf32, #tpu.memory_space<vmem>>) attributes {dimension_semantics = [#tpu.dimension_semantics<arbitrary>], iteration_bounds = array<i64: 10>, scalar_prefetch = 0 : i64, scratch_operands = 0 : i64, tpu.core_type = #tpu.core_type<tc>, window_params = [{transform_indices = @transform_0, window_bounds = array<i64: 2, 1000, 64>}, {transform_indices = @transform_1, window_bounds = array<i64: 2, 1000, 16>}, {transform_indices = @transform_2, window_bounds = array<i64: 1000, 128>}, {pipeline_mode = #tpu.pipeline_mode<synchronous>, transform_indices = @transform_3, window_bounds = array<i64: 128, 128>}, {transform_indices = @transform_4, window_bounds = array<i64: 1000, 128>}]} {
    %get3A = arith.constant 0 : index
    %get3A_0 = arith.constant 0 : index
    %get3A_1 = arith.constant 0 : index
    %get3A_2 = vector.load %arg2[%get3A, %get3A_0, %get3A_1] : memref<2x1000x16xf32, #tpu.memory_space<vmem>>, vector<1x1000x1xf32>
    %get3A_3 = vector.shape_cast %get3A_2 : vector<1x1000x1xf32> to vector<1000x1xf32>
    %get3A_4 = arith.constant 1 : index
    %get3A_5 = arith.constant 0 : index
    %get3A_6 = arith.constant 0 : index
    %get3A_7 = vector.load %arg2[%get3A_4, %get3A_5, %get3A_6] : memref<2x1000x16xf32, #tpu.memory_space<vmem>>, vector<1x1000x1xf32>
    %get3A_8 = vector.shape_cast %get3A_7 : vector<1x1000x1xf32> to vector<1000x1xf32>
    %add3A = arith.addf %get3A_3, %get3A_8 : vector<1000x1xf32>
    %max3A = arith.constant 1.000000e+00 : f32
    %max3A_9 = vector.broadcast %max3A : f32 to vector<1000x1xf32>
    %max3A_10 = arith.maximumf %add3A, %max3A_9 : vector<1000x1xf32>
    %div3A = arith.constant 1.000000e+00 : f32
    %div3A_11 = vector.broadcast %div3A : f32 to vector<1000x1xf32>
    %div3A_12 = arith.divf %div3A_11, %max3A_10 : vector<1000x1xf32>
    %get3A_13 = arith.constant 0 : index
    %get3A_14 = arith.constant 0 : index
    %get3A_15 = vector.load %arg3[%get3A_13, %get3A_14] : memref<1000x128xf32, #tpu.memory_space<vmem>>, vector<1000x128xf32>
    %get3A_16 = arith.constant 0 : index
    %get3A_17 = arith.constant 0 : index
    %get3A_18 = arith.constant 0 : index
    %get3A_19 = vector.load %arg1[%get3A_16, %get3A_17, %get3A_18] : memref<2x1000x64xf32, #tpu.memory_space<vmem>>, vector<1x1000x64xf32>
    %get3A_20 = vector.shape_cast %get3A_19 : vector<1x1000x64xf32> to vector<1000x64xf32>
    %mul3A = vector.broadcast %div3A_12 : vector<1000x1xf32> to vector<1000x64xf32>
    %mul3A_21 = arith.mulf %get3A_20, %mul3A : vector<1000x64xf32>
    %get3A_22 = arith.constant 0 : index
    %get3A_23 = arith.constant 0 : index
    %get3A_24 = vector.load %arg4[%get3A_22, %get3A_23] : memref<128x128xf32, #tpu.memory_space<vmem>>, vector<128x64xf32>
    %dot_general3A = arith.constant dense<0.000000e+00> : vector<1000x128xf32>
    %dot_general3A_25 = tpu.matmul %mul3A_21, %get3A_24, %dot_general3A {dimension_numbers = #tpu.dot_dimension_numbers<[1], [1], [0], [0], [0, 0, 1, 0], [], []>, transpose_lhs_hint = false} : vector<1000x64xf32>, vector<128x64xf32>, vector<1000x128xf32> -> vector<1000x128xf32>
    %add3A_26 = arith.addf %get3A_15, %dot_general3A_25 : vector<1000x128xf32>
    %get3A_27 = arith.constant 1 : index
    %get3A_28 = arith.constant 0 : index
    %get3A_29 = arith.constant 0 : index
    %get3A_30 = vector.load %arg1[%get3A_27, %get3A_28, %get3A_29] : memref<2x1000x64xf32, #tpu.memory_space<vmem>>, vector<1x1000x64xf32>
    %get3A_31 = vector.shape_cast %get3A_30 : vector<1x1000x64xf32> to vector<1000x64xf32>
    %mul3A_32 = vector.broadcast %div3A_12 : vector<1000x1xf32> to vector<1000x64xf32>
    %mul3A_33 = arith.mulf %get3A_31, %mul3A_32 : vector<1000x64xf32>
    %get3A_34 = arith.constant 0 : index
    %get3A_35 = arith.constant 64 : index
    %get3A_36 = vector.load %arg4[%get3A_34, %get3A_35] : memref<128x128xf32, #tpu.memory_space<vmem>>, vector<128x64xf32>
    %dot_general3A_37 = arith.constant dense<0.000000e+00> : vector<1000x128xf32>
    %dot_general3A_38 = tpu.matmul %mul3A_33, %get3A_36, %dot_general3A_37 {dimension_numbers = #tpu.dot_dimension_numbers<[1], [1], [0], [0], [0, 0, 1, 0], [], []>, transpose_lhs_hint = false} : vector<1000x64xf32>, vector<128x64xf32>, vector<1000x128xf32> -> vector<1000x128xf32>
    %add3A_39 = arith.addf %add3A_26, %dot_general3A_38 : vector<1000x128xf32>
    %swap3A = arith.constant 0 : index
    %swap3A_40 = arith.constant 0 : index
    %swap3A_41 = vector.load %arg5[%swap3A, %swap3A_40] : memref<1000x128xf32, #tpu.memory_space<vmem>>, vector<1000x128xf32>
    tpu.vector_store %arg5[%swap3A, %swap3A_40], %add3A_39 {strides = array<i32>} : memref<1000x128xf32, #tpu.memory_space<vmem>>, vector<1000x128xf32>,
    return
  }
  func.func @transform_0(%arg0: i32) -> (i32, i32, i32) {
    %c0_i32 = arith.constant 0 : i32
    %c0_i32_0 = arith.constant 0 : i32
    %c0_i32_1 = arith.constant 0 : i32
    return %c0_i32, %arg0, %c0_i32_0 : i32, i32, i32
  }
  func.func @transform_1(%arg0: i32) -> (i32, i32, i32) {
    %c0_i32 = arith.constant 0 : i32
    %c0_i32_0 = arith.constant 0 : i32
    %c0_i32_1 = arith.constant 0 : i32
    return %c0_i32, %arg0, %c0_i32_0 : i32, i32, i32
  }
  func.func @transform_2(%arg0: i32) -> (i32, i32) {
    %c0_i32 = arith.constant 0 : i32
    %c0_i32_0 = arith.constant 0 : i32
    return %arg0, %c0_i32 : i32, i32
  }
  func.func @transform_3(%arg0: i32) -> (i32, i32) {
    %c0_i32 = arith.constant 0 : i32
    %c0_i32_0 = arith.constant 0 : i32
    %c0_i32_1 = arith.constant 0 : i32
    return %c0_i32, %c0_i32_0 : i32, i32
  }
  func.func @transform_4(%arg0: i32) -> (i32, i32) {
    %c0_i32 = arith.constant 0 : i32
    %c0_i32_0 = arith.constant 0 : i32
    return %arg0, %c0_i32 : i32, i32
  }
}

</mosaic_0001>

<sc_bundles>
// kernel: kernel.11.cloned.1.call-start
scs
__scs_entry_jumppad:
0x0: {  	(pc) =	sbr.rel $0x88, $3  }
0x1: {  	(tag) =	ssettag $0x0;
	lr =	simm.s32 $0x1  }
0x2: {  	[smem:$0x3F99] =	sst lr;
	_ =	strace $0xD0000000  }
0x3: {  	_ = 	snop  }
0x4: {  	_ = 	snop  }
0x5: {  	_ = 	snop  }
0x6: {  	_ = 	snop  }
0x7: {  	_ = 	snop  }
__scs_overlays_trampoline_lowered:
0x8: {  	[smem:$0x3FA8] =	sst s0  }
0x9: {  	[smem:$0x3FA9] =	sst s1  }
0xa: {  	[smem:$0x3FAA] =	sst s2  }
0xb: {  	[smem:$0x3FAB] =	sst s3  }
0xc: {  	[smem:$0x3FAC] =	sst s4  }
0xd: {  	[smem:$0x3FAD] =	sst s5  }
0xe: {  	[smem:$0x3FAE] =	sst s6  }
0xf: {  	[smem:$0x3FAF] =	sst s7  }
0x10: {  	[smem:$0x3FB0] =	sst s8  }
0x11: {  	[smem:$0x3FB1] =	sst s9;
	s0 =	simm.s32 @!p0 $0x0  }
0x12: {  	s1 =	sld [smem:$0x3F97];
	s0 =	simm.s32 @p0 $0x1  }
0x13: {  	[smem:$0x3FB2] =	sst s0;
	s0 =	simm.s32 @!p1 $0x0  }
0x14: {  	s2 =	sld [smem:$0x3F96];
	s0 =	simm.s32 @p1 $0x1  }
0x15: {  	[smem:$0x3FB3] =	sst s0;
	s0 =	simm.s32 @!p2 $0x0  }
0x16: {  	s3 =	sld [smem:$0x3FDB];
	s0 =	simm.s32 @p2 $0x1  }
0x17: {  	s4 =	simm.s32 $0x1BF5;
	[smem:$0x3FB5] =	sst s0  }
0x18: {  	s0 =	sld [smem:$0x3F98];
	_ =	swait.ge [sflag:s4], $0x0  }
0x19: {  	s7 =	sld [smem:$0x3F99]  }
0x1a: {  	s8 =	sadd.s32 $0xFFFFE003, lr  }
0x1b: {  	s9 =	sadd.s32 $0xFFFFFEF7, lr;
	s5 =	simm.s32 $0xFFFFFFFF;
	p2 =	slt.u32 s8, $0xFFFFF086  }
0x1c: {  	p1 =	slt.u32 s9, $0xF7A;
	s5 =	simm.s32 @!p2 $0x0  }
0x1d: {  	s5 =	simm.s32 @p1 $0x1;
	p0 =	seq.s32 s7, s2  }
0x1e: {  	s7 =	smul.u32 @!p0 $0xF7A, s2;
	p2 =	seq.s32 @!p0 s5, $0x0  }
0x1f: {  	s9 =	smul.u32 $0xF7A, s1;
	s8 =	simm.s32 @!p0 $0x1BF5;
	p2 =	por !p2, p0  }
0x20: {  	[sflag:s8] =	ssyncset.s32 @!p0 $0xFFFFF086;
	s6 =	sadd.s32 @!p0 s3, s7;
	s7 =	simm.s32 @!p0 $0x108  }
0x21: {  	s3 =	sadd.s32 s3, s9;
	s6 =	sadd.s32 @!p0 $0x88, s6;
	s7 =	simm.s32 @p2 $0x1082  }
0x22: {  	[simem:s7], [sflag:s8] =	dma.local @!p0 [hbm:s6], $0xF7A  }
0x23: {  	s9 =	sor.u32 $0xD0000000, s2;
	s6 =	simm.s32 $0x108;
	_ =	swait.ge @!p0 [sflag:s8], $0x0  }
0x24: {  	s3 =	sadd.s32 $0x88, s3;
	s6 =	simm.s32 @!p1 $0x1082;
	[sflag:s4] =	ssyncset.s32 $0xFFFFF086  }
0x25: {  	[simem:s6], [sflag:s4] =	dma.local [hbm:s3], $0xF7A  }
0x26: {  	[smem:$0x3F99] =	sst s1;
	(tag) =	ssettag s2;
	_ =	strace s9  }
0x27: {  	s1 =	sld [smem:$0x3FA9]  }
0x28: {  	s2 =	sld [smem:$0x3FAA]  }
0x29: {  	s4 =	sld [smem:$0x3FAC]  }
0x2a: {  	p0 =	seq.s32 s5, $0x0;
	s5 =	sld [smem:$0x3FAD]  }
0x2b: {  	s6 =	sld [smem:$0x3FAE]  }
0x2c: {  	s7 =	sld [smem:$0x3FAF]  }
0x2d: {  	s3 =	simm.s32 $0x108;
	s8 =	sld [smem:$0x3FB0]  }
0x2e: {  	s3 =	simm.s32 @!p0 $0x1082;
	s9 =	sld [smem:$0x3FB1]  }
0x2f: {  	lr =	sadd.s32 s0, s3;
	s0 =	sld [smem:$0x3FA8]  }
0x30: {  	s3 =	sld [smem:$0x3FAB]  }
0x31: {  	[smem:$0x3FB4] =	sst s10  }
0x32: {  	s10 =	sld [smem:$0x3FB2];
	_ =	sdelay $0x3  }
0x33: {  	p0 =	seq.s32 s10, $0x1;
	s10 =	sld [smem:$0x3FB4];
	_ =	sdelay $0x3  }
0x34: {  	[smem:$0x3FB4] =	sst s10  }
0x35: {  	s10 =	sld [smem:$0x3FB3];
	_ =	sdelay $0x3  }
0x36: {  	p1 =	seq.s32 s10, $0x1;
	s10 =	sld [smem:$0x3FB4];
	_ =	sdelay $0x3  }
0x37: {  	[smem:$0x3FB4] =	sst s10  }
0x38: {  	s10 =	sld [smem:$0x3FB5]  }
0x39: {  	_ = 	snop;
	(pc) =	sbr.ind lr, $3  }
0x3a: {  	_ = 	snop  }
0x3b: {  	_ = 	snop  }
0x3c: {  	p2 =	seq.s32 s10, $0x1;
	s10 =	sld [smem:$0x3FB4]  }
0x3d: {  	_ =	shalt  }
0x3e: {  	_ =	shalt  }
0x3f: {  	_ =	shalt  }
0x40: {  	_ =	shalt  }
0x41: {  	_ =	shalt  }
0x42: {  	_ =	shalt  }
0x43: {  	_ =	shalt  }
0x44: {  	_ =	shalt  }
0x45: {  	_ =	shalt  }
0x46: {  	_ =	shalt  }
0x47: {  	_ =	shalt  }
0x48: {  	_ =	shalt  }
0x49: {  	_ =	shalt  }
0x4a: {  	_ =	shalt  }
0x4b: {  	_ =	shalt  }
0x4c: {  	_ =	shalt  }
0x4d: {  	_ =	shalt  }
0x4e: {  	_ =	shalt  }
0x4f: {  	_ =	shalt  }
0x50: {  	_ =	shalt  }
0x51: {  	_ =	shalt  }
0x52: {  	_ =	shalt  }
0x53: {  	_ =	shalt  }
0x54: {  	_ =	shalt  }
0x55: {  	_ =	shalt  }
0x56: {  	_ =	shalt  }
0x57: {  	_ =	shalt  }
0x58: {  	_ =	shalt  }
0x59: {  	_ =	shalt  }
0x5a: {  	_ =	shalt  }
0x5b: {  	_ =	shalt  }
0x5c: {  	_ =	shalt  }
0x5d: {  	_ =	shalt  }
0x5e: {  	_ =	shalt  }
0x5f: {  	_ =	shalt  }
0x60: {  	_ =	shalt  }
0x61: {  	_ =	shalt  }
0x62: {  	_ =	shalt  }
0x63: {  	_ =	shalt  }
0x64: {  	_ =	shalt  }
0x65: {  	_ =	shalt  }
0x66: {  	_ =	shalt  }
0x67: {  	_ =	shalt  }
0x68: {  	_ =	shalt  }
0x69: {  	_ =	shalt  }
0x6a: {  	_ =	shalt  }
0x6b: {  	_ =	shalt  }
0x6c: {  	_ =	shalt  }
0x6d: {  	_ =	shalt  }
0x6e: {  	_ =	shalt  }
0x6f: {  	_ =	shalt  }
0x70: {  	_ =	shalt  }
0x71: {  	_ =	shalt  }
0x72: {  	_ =	shalt  }
0x73: {  	_ =	shalt  }
0x74: {  	_ =	shalt  }
0x75: {  	_ =	shalt  }
0x76: {  	_ =	shalt  }
0x77: {  	_ =	shalt  }
0x78: {  	_ =	shalt  }
0x79: {  	_ =	shalt  }
0x7a: {  	_ =	shalt  }
0x7b: {  	_ =	shalt  }
0x7c: {  	_ =	shalt  }
0x7d: {  	_ =	shalt  }
0x7e: {  	_ =	shalt  }
0x7f: {  	_ =	shalt  }
0x80: {  	_ =	shalt  }
0x81: {  	_ =	shalt  }
0x82: {  	_ =	shalt  }
0x83: {  	_ =	shalt  }
0x84: {  	_ =	shalt  }
0x85: {  	_ =	shalt  }
0x86: {  	_ =	shalt  }
0x87: {  	_ =	shalt  }
.Lfunc_end0:
.L_simem_size_0:
called_computation.1_lowered:
.L_overlay_start_0:
0x88: {  	s2 =	sld [smem:$0x3FD9]  }
0x89: {  	s3 =	sld [smem:$0x3FFE];
	_ =	sdelay $0x1  }
0x8a: {  	s1 =	srdreg.scid  }
0x8b: {  	s0 =	sand.u32 $0x1, s1  }
0x8c: {  	s17 =	sshll.u32 s0, $0xA;
	s2 =	sadd.s32 s3, s2  }
0x8d: {  	s2 =	sadd.s32 s2, s17  }
0x8e: {  	[smem:$0x3FC0] =	sst s2  }
0x8f: {  	_ = 	snop  }
0x90: {  	s2 =	sld [smem:$0x3FD0];
	(tm) =	ssettm $0x1  }
0x91: {  	s18 =	sld [smem:$0x3FFB];
	_ =	sdelay $0x3  }
0x92: {  	_ =	strace s18  }
0x93: {  	s3 =	sld [smem:$0x3FFC];
	_ =	sdelay $0x3  }
0x94: {  	_ =	strace s3  }
0x95: {  	s3 =	sld [smem:$0x3FFD];
	_ =	sdelay $0x3  }
0x96: {  	_ =	strace s3  }
0x97: {  	_ =	strace $0x8FFFFFFF  }
0x98: {  	s19 =	sld [smem:$0x3FDB];
	_ =	sdelay $0x1  }
0x99: {  	s4 =	simm.s32 $_scs_section_size  }
0x9a: {  	s5 =	simm.s32 $_size__tile_overlayer_lowered;
	s6 =	simm.s32 $_tile_overlayer_lowered  }
0x9b: {  	s22 =	simm.s32 $0x1BFF;
	s21 =	sshll.u32 s6, $0x1;
	s3 =	sadd.s32 s4, s19  }
0x9c: {  	s7 =	simm.s32 $0x0;
	s20 =	sshll.u32 s5, $0x1;
	s5 =	sadd.s32 s21, s3  }
0x9d: {  	[timem:s7], [sflag:s22] =	dma.local [hbm:s5], s20  }
0x9e: {  	_ =	swait.ge [sflag:s22], s20  }
0x9f: {  	s4 =	ssub.s32 $0x0, s20;
	[sflag:s22] =	ssyncset.done $0x0  }
0xa0: {  	[sflag:s22] =	ssyncadd.s32 s4;
	_ =	sdelay $0x1  }
0xa1: {  	s23 =	simm.s32 $0x1B8B  }
0xa2: {  	_ =	swait.ge [sflag:s23], $0x1  }
0xa3: {  	[sflag:s23] =	ssyncset.done $0x0  }
0xa4: {  	s25 =	simm.s32 $0x1B8E;
	s24 =	sld [smem:$0x3FFE];
	[sflag:s23] =	ssyncadd.s32 $0xFFFFFFFF  }
0xa5: {  	s26 =	simm.s32 $execute0_lowered;
	[smem:$0x3FD2] =	sst s25  }
0xa6: {  	s5 =	sshll.u32 s26, $0x1;
	_ =	strace $0x80000049;
	[dreg:$0x1] =	wrdreg $0xFFFFFFFF  }
0xa7: {  	s28 =	simm.s32 $_size_execute0_lowered;
	s3 =	sadd.s32 s3, s5;
	[dreg:$0x0] =	wrdreg $0x0  }
0xa8: {  	s5 =	sshll.u32 s28, $0x1;
	[dreg:$0x2] =	wrdreg s3  }
0xa9: {  	[dreg:$0x3] =	wrdreg s5  }
0xaa: {  	[dreg:$0x4] =	wrdreg $0xC0  }
0xab: {  	_ =	task [dreg:s7], $0x5FFFF  }
0xac: {  	[dreg:$0x1] =	wrdreg $0xFFFFFFFF  }
0xad: {  	[dreg:$0x0] =	wrdreg $0x60  }
0xae: {  	[dreg:$0x2] =	wrdreg s2  }
0xaf: {  	[dreg:$0x3] =	wrdreg s24  }
0xb0: {  	[dreg:$0x4] =	wrdreg $0x124D00  }
0xb1: {  	[dreg:$0x5] =	wrdreg $0x9  }
0xb2: {  	_ =	task.clear_ibuf [dreg:s7], $0x6FFFF;
	_ =	strace $0x90000049  }
0xb3: {  	s29 =	simm.s32 $0x9;
	_ =	strace $0x8000004B  }
0xb4: {  	_ =	swait.ge [sflag:s29], $0x1  }
0xb5: {  	[sflag:s29] =	ssyncadd.s32 $0xFFFFFFFF  }
0xb6: {  	_ =	strace $0x9000004B  }
0xb7: {  	_ =	sfence  }
0xb8: {  	s30 =	sld [smem:$0x0];
	_ =	sdelay $0x2  }
0xb9: {  	s31 =	sshll.u32 s1, $0xD;
	s1 =	sshrl.u32 s1, $0x2  }
0xba: {  	s3 =	sand.u32 $0x4000, s31;
	s1 =	sadd.s32 s1, s30  }
0xbb: {  	s0 =	sor.u32 s3, s0;
	s1 =	sshll.u32 s1, $0x11  }
0xbc: {  	s0 =	sor.u32 s1, s0  }
0xbd: {  	s0 =	sadd.s32 $0x8F2B, s0  }
0xbe: {  	[sflag:s0] =	ssyncadd.remote.s32 $0x1  }
0xbf: {  	_ =	sfence.sel $0xFFFF  }
0xc0: {  	[dreg:$0x0] =	wrdreg $0xFFFFFFFF;
	(pc) =	sbr.abs _section_cstart, $3  }
0xc1: {  	[dreg:$0x1] =	wrdreg $0xFFFFFFFF  }
0xc2: {  	_ =	task.clear_ibuf [dreg:s7], $0x2FFFF;
	_ =	strace $0x9FFFFFFF  }
0xc3: {  	(tm) =	ssettm $0x7FFFFFFF  }
tec
execute0_lowered:
.L_overlay_start_1:
0x0: {  	(tag) =	ssettag $0x1  }
0x1: {  	s2 =	rddreg [dreg:$0x0]  }
0x2: {  	s0 =	rddreg [dreg:$0x1]  }
0x3: {  	s3 =	rddreg [dreg:$0x2]  }
0x4: {  	s9 =	stileid.u32;
	s1 =	srdreg.scid  }
0x5: {  	s4 =	simm.s32 $0x0;
	s17 =	simm.s32 $0x9;
	s18 =	simm.s32 $0x5000  }
0x6: {  	s19 =	simm.s32 $0xA000;
	s20 =	simm.s32 $0x7D;
	s22 =	simm.s32 $0xBF40  }
0x7: {  	s29 =	simm.s32 $0xDE80;
	s30 =	simm.s32 $0x5;
	s6 =	smul.u32 $0xA000, s9  }
0x8: {  	s31 =	simm.s32 $0x4;
	s21 =	simm.s32 $0xFDC0;
	s8 =	smul.u32 $0xA00, s9  }
0x9: {  	s28 =	simm.s32 $0x8;
	s1 =	sand.u32 $0x1, s1;
	s9 =	smul.u32 $0x28000, s9  }
0xa: {  	[smem:$0x7FF] =	sst s4;
	s5 =	sadd.s32 $0x15E00, s0;
	s7 =	smul.u32 $0xA0000, s1  }
0xb: {  	_ =	strace $0x8000004A;
	s10 =	ssub.s32 $0x2, s1;
	p0 =	seq.s32 s1, $0x0  }
0xc: {  	s15 =	smov.u32 s5;
	s1 =	simm.s32 $0x6;
	s8 =	sadd.s32 s8, s0  }
0xd: {  	s23 =	sshrl.u32 s10, $0x1;
	s9 =	sshrl.u32 s9, $0x2;
	s15 =	smov.u32 @p0 s2  }
0xe: {  	s7 =	sadd.s32 s6, s7;
	s24 =	sadd.s32 $0xBE00, s8;
	s13 =	sadd.s32 s9, s3  }
0xf: {  	s8 =	sadd.s32 $0x1E00, s8;
	s7 =	sshrl.u32 s7, $0x3;
	[dreg:$0x4] =	wrdreg s24  }
0x10: {  	[dreg:$0x5] =	wrdreg s8;
	s8 =	sadd.s32 s6, s3;
	s25 =	sadd.s32 $0x1E00, s13  }
0x11: {  	s26 =	sadd.s32 $0x3C00, s13;
	s11 =	sadd.s32 $0x5A00, s13;
	s12 =	sadd.s32 $0x7800, s13  }
0x12: {  	s13 =	sadd.s32 $0x9600, s13;
	s24 =	simm.s32 $0x2;
	[dreg:$0x6] =	wrdreg s25  }
0x13: {  	s0 =	sadd.s32 s7, s0;
	s7 =	ssub.s32 s10, s23;
	[dreg:$0x7] =	wrdreg s26  }
0x14: {  	s23 =	simm.s32 $0x1;
	s26 =	simm.s32 $0x3;
	s25 =	simm.s32 $0x7  }
0x15: {  	v0 =	vimm.f32 $0.0e+00;
	v1 =	vimm.f32 $1.000000000e+00;
	s14 =	sadd.s32 $0x29800, s0;
	s16 =	smax.u32 s7, $0x1;
	s0 =	simm.s32 $0x0  }
.LBB2_1:
0x16: {  	s6 =	rddreg [dreg:$0x4]  }
0x17: {  	[tilespmem:s4], [sflag:$0x9] =	stream.linear.gather [hbm4b:s6+s4], $0x5000, $0x38;
	[tilespmem:$0x1C4D0] =	vst v63  }
0x18: {  	_ =	swait.ge [sflag:s17], $0x5000  }
0x19: {  	[sflag:s17] =	ssyncset.done $0x0  }
0x1a: {  	s10 =	rddreg [dreg:$0x5];
	[sflag:s17] =	ssyncadd.s32 $0xFFFFB000  }
0x1b: {  	[tilespmem:s18], [sflag:$0x9] =	stream.linear.gather [hbm4b:s10+s4], $0x5000, $0x38;
	[tilespmem:$0x1C4D0] =	vst v63  }
0x1c: {  	_ =	swait.ge [sflag:s17], $0x5000  }
0x1d: {  	[sflag:s17] =	ssyncset.done $0x0  }
0x1e: {  	s6 =	simm.s32 $0x0;
	[sflag:s17] =	ssyncadd.s32 $0xFFFFB000  }
.LBB2_2:
0x1f: {  	p1 =	sne.s32 s6, $0x7C00  }
.Ltmp0:
0x20: {  	s7 =	sshra.s32 s6, $0x2;
	(pc) =	sbr.rel @p1 .LBB2_2-.Ltmp0, $4  }
0x21: {  	[tilespmem:s7+$0xA000] =	vst v0  }
0x22: {  	[tilespmem:s7+$0xA010] =	vst v0  }
0x23: {  	[tilespmem:s7+$0xA020] =	vst v0  }
0x24: {  	s6 =	sadd.s32 $0x100, s6;
	[tilespmem:s7+$0xA030] =	vst v0  }
0x25: {  	s6 =	simm.s32 $0x40;
	s7 =	simm.s32 $0x0  }
.LBB2_4:
0x26: {  	p1 =	sne.s32 s6, $0x1F00;
	[tilespmem:s7+$0x11D00] =	vst v0;
	s7 =	smov.u32 s6;
	s6 =	sadd.s32 $0x40, s6  }
.Ltmp1:
0x27: {  	(pc) =	sbr.rel @p1 .LBB2_4-.Ltmp1, $2  }
0x28: {  	_ =	sdelay $0x2  }
0x29: {  	s7 =	sshra.s32 s7, $0x2  }
0x2a: {  	[tilespmem:s7+$0x11D00] =	vst v0  }
0x2b: {  	[spmem:s8] =	stream.linear.scatter [tilespmem:s19], [sflag:$0x9], $0x1E00, $0x38;
	[tilespmem:$0x1C4D0] =	vst v63  }
0x2c: {  	_ =	swait.ge [sflag:s17], $0x1E00  }
0x2d: {  	[sflag:s17] =	ssyncset.done $0x0  }
0x2e: {  	s6 =	rddreg [dreg:$0x6];
	[sflag:s17] =	ssyncadd.s32 $0xFFFFE200  }
0x2f: {  	[spmem:s6] =	stream.linear.scatter [tilespmem:s19], [sflag:$0x9], $0x1E00, $0x38;
	[tilespmem:$0x1C4D0] =	vst v63  }
0x30: {  	_ =	swait.ge [sflag:s17], $0x1E00  }
0x31: {  	[sflag:s17] =	ssyncset.done $0x0  }
0x32: {  	s10 =	rddreg [dreg:$0x7];
	[sflag:s17] =	ssyncadd.s32 $0xFFFFE200  }
0x33: {  	[spmem:s10] =	stream.linear.scatter [tilespmem:s19], [sflag:$0x9], $0x1E00, $0x38;
	[tilespmem:$0x1C4D0] =	vst v63  }
0x34: {  	_ =	swait.ge [sflag:s17], $0x1E00  }
0x35: {  	[sflag:s17] =	ssyncset.done $0x0  }
0x36: {  	[sflag:s17] =	ssyncadd.s32 $0xFFFFE200  }
0x37: {  	[spmem:s11] =	stream.linear.scatter [tilespmem:s19], [sflag:$0x9], $0x1E00, $0x38;
	[tilespmem:$0x1C4D0] =	vst v63  }
0x38: {  	_ =	swait.ge [sflag:s17], $0x1E00  }
0x39: {  	[sflag:s17] =	ssyncset.done $0x0  }
0x3a: {  	[sflag:s17] =	ssyncadd.s32 $0xFFFFE200  }
0x3b: {  	[spmem:s12] =	stream.linear.scatter [tilespmem:s19], [sflag:$0x9], $0x1E00, $0x38;
	[tilespmem:$0x1C4D0] =	vst v63  }
0x3c: {  	_ =	swait.ge [sflag:s17], $0x1E00  }
0x3d: {  	[sflag:s17] =	ssyncset.done $0x0  }
0x3e: {  	[sflag:s17] =	ssyncadd.s32 $0xFFFFE200  }
0x3f: {  	[spmem:s13] =	stream.linear.scatter [tilespmem:s19], [sflag:$0x9], $0xA00, $0x38;
	[tilespmem:$0x1C4D0] =	vst v63  }
0x40: {  	_ =	swait.ge [sflag:s17], $0xA00  }
0x41: {  	[sflag:s17] =	ssyncset.done $0x0  }
0x42: {  	s7 =	simm.s32 $0x0;
	s6 =	simm.s32 $0x40;
	[sflag:s17] =	ssyncadd.s32 $0xFFFFF600  }
.LBB2_6:
0x43: {  	p1 =	sne.s32 s6, $0x1F00;
	[tilespmem:s7+$0x11D00] =	vst v1;
	s7 =	smov.u32 s6;
	s6 =	sadd.s32 $0x40, s6  }
.Ltmp2:
0x44: {  	(pc) =	sbr.rel @p1 .LBB2_6-.Ltmp2, $2  }
0x45: {  	_ =	sdelay $0x2  }
0x46: {  	s7 =	sshra.s32 s7, $0x2  }
0x47: {  	[tilespmem:s7+$0x11D00] =	vst v1  }
0x48: {  	[tilespmem:s19], [sflag:$0x1] =	stream.indirect.gather [hbm4b:s15+s20], $0x40, s4, s20, $0xb8;
	[tilespmem:$0x1C4D0] =	vst v63  }
0x49: {  	s6 =	simm.s32 $0x80  }
0x4a: {  	[tilespmem:s22], [sflag:$0x2] =	stream.indirect.gather [hbm4b:s15+s20], $0x40, s6, s20, $0xb8;
	[tilespmem:$0x1C4D0] =	vst v63  }
0x4b: {  	[bflag:$0x0] =	sbarrier.arrive $0xFFFF  }
0x4c: {  	_ =	swait.ge [sflag:s23], $0x1F40  }
0x4d: {  	[sflag:s23] =	ssyncset.done $0x0  }
0x4e: {  	[sflag:s23] =	ssyncadd.s32 $0xFFFFE0C0  }
0x4f: {  	[spmem:s3] =	stream.indirect.scatter.add.f32 [tilespmem:s19], [sflag:$0x5], $0x40, s18, s20, $0xb8;
	[tilespmem:$0x1C4D0] =	vst v63  }
0x50: {  	s7 =	simm.s32 @p0 $0x100;
	s9 =	simm.s32 @p0 $0xDE80;
	s6 =	simm.s32 @p0 $0x7D  }
0x51: {  	[tilespmem:s9], [sflag:$0x3] =	stream.indirect.gather @p0 [hbm4b:s2+s6], $0x40, s7, s6, $0xb8;
	[tilespmem:$0x1C4D0] =	vst v63  }
0x52: {  	s10 =	simm.s32 @!p0 $0xDE80;
	s7 =	simm.s32 @!p0 $0x7D;
	s9 =	simm.s32 @!p0 $0x100  }
0x53: {  	[tilespmem:s10], [sflag:$0x3] =	stream.indirect.gather @!p0 [hbm4b:s5+s7], $0x40, s9, s7, $0xb8;
	[tilespmem:$0x1C4D0] =	vst v63  }
0x54: {  	_ =	swait.ge [sflag:s24], $0x1F40  }
0x55: {  	[sflag:s24] =	ssyncset.done $0x0  }
0x56: {  	s10 =	simm.s32 $0x5080;
	[sflag:s24] =	ssyncadd.s32 $0xFFFFE0C0  }
0x57: {  	[spmem:s3] =	stream.indirect.scatter.add.f32 [tilespmem:s22], [sflag:$0x6], $0x40, s10, s20, $0xb8;
	[tilespmem:$0x1C4D0] =	vst v63  }
0x58: {  	s9 =	simm.s32 @p0 $0x180;
	s10 =	simm.s32 @p0 $0xFDC0  }
0x59: {  	[tilespmem:s10], [sflag:$0x4] =	stream.indirect.gather @p0 [hbm4b:s2+s6], $0x40, s9, s6, $0xb8;
	[tilespmem:$0x1C4D0] =	vst v63  }
0x5a: {  	s9 =	simm.s32 @!p0 $0x180;
	s10 =	simm.s32 @!p0 $0xFDC0  }
0x5b: {  	[tilespmem:s10], [sflag:$0x4] =	stream.indirect.gather @!p0 [hbm4b:s5+s7], $0x40, s9, s7, $0xb8;
	[tilespmem:$0x1C4D0] =	vst v63  }
0x5c: {  	_ =	swait.ge [sflag:s26], $0x1F40  }
0x5d: {  	[sflag:s26] =	ssyncset.done $0x0  }
0x5e: {  	s10 =	simm.s32 $0x5100;
	[sflag:s26] =	ssyncadd.s32 $0xFFFFE0C0  }
0x5f: {  	[spmem:s3] =	stream.indirect.scatter.add.f32 [tilespmem:s29], [sflag:$0x7], $0x40, s10, s20, $0xb8;
	[tilespmem:$0x1C4D0] =	vst v63  }
0x60: {  	_ =	swait.ge [sflag:s30], $0x1F40  }
0x61: {  	[sflag:s30] =	ssyncset.done $0x0  }
0x62: {  	s9 =	simm.s32 @p0 $0x200;
	s10 =	simm.s32 @p0 $0xA000;
	[sflag:s30] =	ssyncadd.s32 $0xFFFFE0C0  }
0x63: {  	[tilespmem:s10], [sflag:$0x1] =	stream.indirect.gather @p0 [hbm4b:s2+s6], $0x40, s9, s6, $0xb8;
	[tilespmem:$0x1C4D0] =	vst v63  }
0x64: {  	s9 =	simm.s32 @!p0 $0x200;
	s10 =	simm.s32 @!p0 $0xA000  }
0x65: {  	[tilespmem:s10], [sflag:$0x1] =	stream.indirect.gather @!p0 [hbm4b:s5+s7], $0x40, s9, s7, $0xb8;
	[tilespmem:$0x1C4D0] =	vst v63  }
0x66: {  	_ =	swait.ge [sflag:s31], $0x1F40  }
0x67: {  	[sflag:s31] =	ssyncset.done $0x0  }
0x68: {  	s10 =	simm.s32 $0x5180;
	[sflag:s31] =	ssyncadd.s32 $0xFFFFE0C0  }
0x69: {  	[spmem:s3] =	stream.indirect.scatter.add.f32 [tilespmem:s21], [sflag:$0x8], $0x40, s10, s20, $0xb8;
	[tilespmem:$0x1C4D0] =	vst v63  }
0x6a: {  	_ =	swait.ge [sflag:s1], $0x1F40  }
0x6b: {  	[sflag:s1] =	ssyncset.done $0x0  }
0x6c: {  	s9 =	simm.s32 @p0 $0x280;
	s10 =	simm.s32 @p0 $0xBF40;
	[sflag:s1] =	ssyncadd.s32 $0xFFFFE0C0  }
0x6d: {  	[tilespmem:s10], [sflag:$0x2] =	stream.indirect.gather @p0 [hbm4b:s2+s6], $0x40, s9, s6, $0xb8;
	[tilespmem:$0x1C4D0] =	vst v63  }
0x6e: {  	s6 =	simm.s32 @!p0 $0x280;
	s9 =	simm.s32 @!p0 $0xBF40  }
0x6f: {  	[tilespmem:s9], [sflag:$0x2] =	stream.indirect.gather @!p0 [hbm4b:s5+s7], $0x40, s6, s7, $0xb8;
	[tilespmem:$0x1C4D0] =	vst v63  }
0x70: {  	_ =	swait.ge [sflag:s23], $0x1F40  }
0x71: {  	[sflag:s23] =	ssyncset.done $0x0  }
0x72: {  	s10 =	simm.s32 $0x5200;
	[sflag:s23] =	ssyncadd.s32 $0xFFFFE0C0  }
0x73: {  	[spmem:s3] =	stream.indirect.scatter.add.f32 [tilespmem:s19], [sflag:$0x5], $0x40, s10, s20, $0xb8;
	[tilespmem:$0x1C4D0] =	vst v63  }
0x74: {  	_ =	swait.ge [sflag:s25], $0x1F40  }
0x75: {  	[sflag:s25] =	ssyncset.done $0x0  }
0x76: {  	s7 =	simm.s32 $0x300;
	[sflag:s25] =	ssyncadd.s32 $0xFFFFE0C0  }
0x77: {  	[tilespmem:s29], [sflag:$0x3] =	stream.indirect.gather [hbm4b:s15+s20], $0x40, s7, s20, $0xb8;
	[tilespmem:$0x1C4D0] =	vst v63  }
0x78: {  	_ =	swait.ge [sflag:s24], $0x1F40  }
0x79: {  	[sflag:s24] =	ssyncset.done $0x0  }
0x7a: {  	s9 =	simm.s32 $0x5280;
	[sflag:s24] =	ssyncadd.s32 $0xFFFFE0C0  }
0x7b: {  	[spmem:s3] =	stream.indirect.scatter.add.f32 [tilespmem:s22], [sflag:$0x6], $0x40, s9, s20, $0xb8;
	[tilespmem:$0x1C4D0] =	vst v63  }
0x7c: {  	_ =	swait.ge [sflag:s28], $0x1F40  }
0x7d: {  	[sflag:s28] =	ssyncset.done $0x0  }
0x7e: {  	s10 =	simm.s32 $0x380;
	[sflag:s28] =	ssyncadd.s32 $0xFFFFE0C0  }
0x7f: {  	[tilespmem:s21], [sflag:$0x4] =	stream.indirect.gather [hbm4b:s15+s20], $0x40, s10, s20, $0xb8;
	[tilespmem:$0x1C4D0] =	vst v63  }
0x80: {  	_ =	swait.ge [sflag:s26], $0x1F40  }
0x81: {  	[sflag:s26] =	ssyncset.done $0x0  }
0x82: {  	s7 =	simm.s32 $0x5300;
	[sflag:s26] =	ssyncadd.s32 $0xFFFFE0C0  }
0x83: {  	[spmem:s3] =	stream.indirect.scatter.add.f32 [tilespmem:s29], [sflag:$0x7], $0x40, s7, s20, $0xb8;
	[tilespmem:$0x1C4D0] =	vst v63  }
0x84: {  	_ =	swait.ge [sflag:s30], $0x1F40  }
0x85: {  	[sflag:s30] =	ssyncset.done $0x0  }
0x86: {  	s9 =	simm.s32 $0x400;
	[sflag:s30] =	ssyncadd.s32 $0xFFFFE0C0  }
0x87: {  	[tilespmem:s19], [sflag:$0x1] =	stream.indirect.gather [hbm4b:s15+s20], $0x40, s9, s20, $0xb8;
	[tilespmem:$0x1C4D0] =	vst v63  }
0x88: {  	_ =	swait.ge [sflag:s31], $0x1F40  }
0x89: {  	[sflag:s31] =	ssyncset.done $0x0  }
0x8a: {  	s10 =	simm.s32 $0x5380;
	[sflag:s31] =	ssyncadd.s32 $0xFFFFE0C0  }
0x8b: {  	[spmem:s3] =	stream.indirect.scatter.add.f32 [tilespmem:s21], [sflag:$0x8], $0x40, s10, s20, $0xb8;
	[tilespmem:$0x1C4D0] =	vst v63  }
0x8c: {  	_ =	swait.ge [sflag:s1], $0x1F40  }
0x8d: {  	[sflag:s1] =	ssyncset.done $0x0  }
0x8e: {  	s6 =	simm.s32 $0x800;
	s7 =	simm.s32 $0x480;
	[sflag:s1] =	ssyncadd.s32 $0xFFFFE0C0  }
.LBB2_8:
0x8f: {  	[tilespmem:s22], [sflag:$0x2] =	stream.indirect.gather [hbm4b:s15+s20], $0x40, s7, s20, $0xb8;
	[tilespmem:$0x1C4D0] =	vst v63  }
0x90: {  	s7 =	smov.u32 s6  }
0x91: {  	p1 =	sne.s32 s6, $0x12800;
	s6 =	sadd.s32 $0x800, s6;
	_ =	swait.ge [sflag:s23], $0x1F40  }
0x92: {  	s7 =	sshra.s32 s7, $0x2;
	[sflag:s23] =	ssyncset.done $0x0  }
0x93: {  	s9 =	sadd.s32 $0x5200, s7;
	[sflag:s23] =	ssyncadd.s32 $0xFFFFE0C0  }
0x94: {  	[spmem:s3] =	stream.indirect.scatter.add.f32 [tilespmem:s19], [sflag:$0x5], $0x40, s9, s20, $0xb8;
	[tilespmem:$0x1C4D0] =	vst v63  }
0x95: {  	_ =	swait.ge [sflag:s25], $0x1F40  }
0x96: {  	[sflag:s25] =	ssyncset.done $0x0  }
0x97: {  	s9 =	sadd.s32 $0x300, s7;
	[sflag:s25] =	ssyncadd.s32 $0xFFFFE0C0  }
0x98: {  	[tilespmem:s29], [sflag:$0x3] =	stream.indirect.gather [hbm4b:s15+s20], $0x40, s9, s20, $0xb8;
	[tilespmem:$0x1C4D0] =	vst v63  }
0x99: {  	_ =	swait.ge [sflag:s24], $0x1F40  }
0x9a: {  	[sflag:s24] =	ssyncset.done $0x0  }
0x9b: {  	s9 =	sadd.s32 $0x5280, s7;
	[sflag:s24] =	ssyncadd.s32 $0xFFFFE0C0  }
0x9c: {  	[spmem:s3] =	stream.indirect.scatter.add.f32 [tilespmem:s22], [sflag:$0x6], $0x40, s9, s20, $0xb8;
	[tilespmem:$0x1C4D0] =	vst v63  }
0x9d: {  	_ =	swait.ge [sflag:s28], $0x1F40  }
0x9e: {  	[sflag:s28] =	ssyncset.done $0x0  }
0x9f: {  	s9 =	sadd.s32 $0x380, s7;
	[sflag:s28] =	ssyncadd.s32 $0xFFFFE0C0  }
0xa0: {  	[tilespmem:s21], [sflag:$0x4] =	stream.indirect.gather [hbm4b:s15+s20], $0x40, s9, s20, $0xb8;
	[tilespmem:$0x1C4D0] =	vst v63  }
0xa1: {  	_ =	swait.ge [sflag:s26], $0x1F40  }
0xa2: {  	[sflag:s26] =	ssyncset.done $0x0  }
0xa3: {  	s9 =	sadd.s32 $0x5300, s7;
	[sflag:s26] =	ssyncadd.s32 $0xFFFFE0C0  }
0xa4: {  	[spmem:s3] =	stream.indirect.scatter.add.f32 [tilespmem:s29], [sflag:$0x7], $0x40, s9, s20, $0xb8;
	[tilespmem:$0x1C4D0] =	vst v63  }
0xa5: {  	_ =	swait.ge [sflag:s30], $0x1F40  }
0xa6: {  	[sflag:s30] =	ssyncset.done $0x0  }
0xa7: {  	s9 =	sadd.s32 $0x400, s7;
	[sflag:s30] =	ssyncadd.s32 $0xFFFFE0C0  }
0xa8: {  	[tilespmem:s19], [sflag:$0x1] =	stream.indirect.gather [hbm4b:s15+s20], $0x40, s9, s20, $0xb8;
	[tilespmem:$0x1C4D0] =	vst v63  }
0xa9: {  	_ =	swait.ge [sflag:s31], $0x1F40  }
0xaa: {  	[sflag:s31] =	ssyncset.done $0x0  }
.Ltmp3:
0xab: {  	s9 =	sadd.s32 $0x5380, s7;
	[sflag:s31] =	ssyncadd.s32 $0xFFFFE0C0;
	(pc) =	sbr.rel @p1 .LBB2_8-.Ltmp3, $4  }
0xac: {  	[spmem:s3] =	stream.indirect.scatter.add.f32 [tilespmem:s21], [sflag:$0x8], $0x40, s9, s20, $0xb8;
	[tilespmem:$0x1C4D0] =	vst v63  }
0xad: {  	_ =	swait.ge [sflag:s1], $0x1F40  }
0xae: {  	[sflag:s1] =	ssyncset.done $0x0  }
0xaf: {  	s7 =	sadd.s32 $0x480, s7;
	[sflag:s1] =	ssyncadd.s32 $0xFFFFE0C0  }
0xb0: {  	[tilespmem:s22], [sflag:$0x2] =	stream.indirect.gather [hbm4b:s15+s20], $0x40, s7, s20, $0xb8;
	[tilespmem:$0x1C4D0] =	vst v63  }
0xb1: {  	_ =	swait.ge [sflag:s23], $0x1F40  }
0xb2: {  	[sflag:s23] =	ssyncset.done $0x0  }
0xb3: {  	s6 =	simm.s32 $0x9E00;
	[sflag:s23] =	ssyncadd.s32 $0xFFFFE0C0  }
0xb4: {  	[spmem:s3] =	stream.indirect.scatter.add.f32 [tilespmem:s19], [sflag:$0x5], $0x40, s6, s20, $0xb8;
	[tilespmem:$0x1C4D0] =	vst v63  }
0xb5: {  	_ =	swait.ge [sflag:s25], $0x1F40  }
0xb6: {  	[sflag:s25] =	ssyncset.done $0x0  }
0xb7: {  	s7 =	simm.s32 $0x4F00;
	[sflag:s25] =	ssyncadd.s32 $0xFFFFE0C0  }
0xb8: {  	[tilespmem:s29], [sflag:$0x3] =	stream.indirect.gather [hbm4b:s15+s20], $0x40, s7, s20, $0xb8;
	[tilespmem:$0x1C4D0] =	vst v63  }
0xb9: {  	_ =	swait.ge [sflag:s24], $0x1F40  }
0xba: {  	[sflag:s24] =	ssyncset.done $0x0  }
0xbb: {  	s9 =	simm.s32 $0x9E80;
	[sflag:s24] =	ssyncadd.s32 $0xFFFFE0C0  }
0xbc: {  	[spmem:s3] =	stream.indirect.scatter.add.f32 [tilespmem:s22], [sflag:$0x6], $0x40, s9, s20, $0xb8;
	[tilespmem:$0x1C4D0] =	vst v63  }
0xbd: {  	_ =	swait.ge [sflag:s28], $0x1F40  }
0xbe: {  	[sflag:s28] =	ssyncset.done $0x0  }
0xbf: {  	s10 =	simm.s32 $0x4F80;
	[sflag:s28] =	ssyncadd.s32 $0xFFFFE0C0  }
0xc0: {  	[tilespmem:s21], [sflag:$0x4] =	stream.indirect.gather [hbm4b:s15+s20], $0x40, s10, s20, $0xb8;
	[tilespmem:$0x1C4D0] =	vst v63  }
0xc1: {  	_ =	swait.ge [sflag:s26], $0x1F40  }
0xc2: {  	[sflag:s26] =	ssyncset.done $0x0  }
0xc3: {  	s7 =	simm.s32 $0x9F00;
	[sflag:s26] =	ssyncadd.s32 $0xFFFFE0C0  }
0xc4: {  	[spmem:s3] =	stream.indirect.scatter.add.f32 [tilespmem:s29], [sflag:$0x7], $0x40, s7, s20, $0xb8;
	[tilespmem:$0x1C4D0] =	vst v63  }
0xc5: {  	_ =	swait.ge [sflag:s30], $0x1F40  }
0xc6: {  	[sflag:s30] =	ssyncset.done $0x0  }
0xc7: {  	s9 =	simm.s32 $0x100;
	[sflag:s30] =	ssyncadd.s32 $0xFFFFE0C0  }
0xc8: {  	[tilespmem:s19], [sflag:$0x1] =	stream.indirect.gather [hbm4b:s15+s20], $0x40, s9, s20, $0xb8;
	[tilespmem:$0x1C4D0] =	vst v63  }
0xc9: {  	_ =	swait.ge [sflag:s31], $0x1F40  }
0xca: {  	[sflag:s31] =	ssyncset.done $0x0  }
0xcb: {  	s10 =	simm.s32 $0x9F80;
	[sflag:s31] =	ssyncadd.s32 $0xFFFFE0C0  }
0xcc: {  	[spmem:s3] =	stream.indirect.scatter.add.f32 [tilespmem:s21], [sflag:$0x8], $0x40, s10, s20, $0xb8;
	[tilespmem:$0x1C4D0] =	vst v63  }
0xcd: {  	_ =	swait.ge [sflag:s1], $0x1F40  }
0xce: {  	[sflag:s1] =	ssyncset.done $0x0  }
0xcf: {  	s7 =	simm.s32 $0x180;
	[sflag:s1] =	ssyncadd.s32 $0xFFFFE0C0  }
0xd0: {  	[tilespmem:s22], [sflag:$0x2] =	stream.indirect.gather [hbm4b:s15+s20], $0x40, s7, s20, $0xb8;
	[tilespmem:$0x1C4D0] =	vst v63  }
0xd1: {  	_ =	swait.ge [sflag:s23], $0x1F40  }
0xd2: {  	[sflag:s23] =	ssyncset.done $0x0  }
0xd3: {  	[sflag:s23] =	ssyncadd.s32 $0xFFFFE0C0  }
0xd4: {  	_ =	swait.ge [sflag:s24], $0x1F40  }
0xd5: {  	[sflag:s24] =	ssyncset.done $0x0  }
0xd6: {  	[sflag:s24] =	ssyncadd.s32 $0xFFFFE0C0  }
0xd7: {  	_ =	swait.ge [sflag:s25], $0x1F40  }
0xd8: {  	[sflag:s25] =	ssyncset.done $0x0  }
0xd9: {  	[sflag:s25] =	ssyncadd.s32 $0xFFFFE0C0  }
0xda: {  	s9 =	stileid.u32;
	_ =	swait.ge [sflag:s28], $0x1F40  }
0xdb: {  	s0 =	sadd.s32 $0x1, s0;
	s6 =	sshll.u32 s9, $0x6;
	[sflag:s28] =	ssyncset.done $0x0  }
0xdc: {  	p1 =	sne.s32 s0, s16;
	s6 =	sor.u32 $0x1C09, s6;
	[sflag:s28] =	ssyncadd.s32 $0xFFFFE0C0  }
.Ltmp4:
0xdd: {  	s10 =	sshrl.u32 s8, $0x3;
	[bflag:$0x0] =	sbarrier.arrive $0xFFFF;
	(pc) =	sbr.rel @p1 .LBB2_1-.Ltmp4, $4  }
0xde: {  	[hbm:s14], [sflag:s6] =	dma.local [spmem:s10], $0x1400  }
0xdf: {  	_ =	swait.ge [sflag:s17], $0x1400  }
0xe0: {  	[sflag:s17] =	ssyncset.done $0x0  }
0xe1: {  	[sflag:s17] =	ssyncadd.s32 $0xFFFFEC00  }
0xe2: {  	_ =	sfence.sel $0x180000  }
0xe3: {  	[bflag:$0x0] =	sbarrier.arrive $0xFFFF  }
0xe4: {  	_ =	strace $0x9000004A  }
0xe5: {  	s0 =	stileid.u32;
	[bflag:$0x2] =	sbarrier.arrive $0xFFFF  }
0xe6: {  	p0 =	sne.s32 s0, $0x0;
	s0 =	rddreg [dreg:$0x3]  }
0xe7: {  	s0 =	sadd.s32 @!p0 $0x100000, s0  }
0xe8: {  	[sflag:s0] =	ssyncadd.tile.s32 @!p0 $0x1;
	_ =	shalt  }
.Lfunc_end2:
_tile_overlayer_lowered:
.L_overlay_start_2:
0xe9: {  	(tag) =	ssettag $0x2  }
0xea: {  	s0 =	rddreg [dreg:$0x0];
	s2 =	stileid.u32  }
0xeb: {  	s1 =	rddreg [dreg:$0x1];
	p0 =	sne.s32 s2, $0x0  }
0xec: {  	s3 =	rddreg [dreg:$0x2];
	[bflag:$0x3] =	sbarrier.arrive $0xFFFF;
	s2 =	simm.s32 @!p0 $0x1C09  }
0xed: {  	[timem:s3], [sflag:s2] =	dma.local @!p0 [hbm:s0], s1  }
0xee: {  	s0 =	simm.s32 @!p0 $0x9  }
0xef: {  	_ =	swait.ge @!p0 [sflag:s0], s1  }
0xf0: {  	s1 =	ssub.s32 @!p0 $0x0, s1;
	[sflag:s0] =	ssyncset.done @!p0 $0x0  }
0xf1: {  	[sflag:s0] =	ssyncadd.s32 @!p0 s1  }
0xf2: {  	[bflag:$0x3] =	sbarrier.arrive $0xFFFF  }
0xf3: {  	_ =	shalt  }

// kernel: kernel.8.cloned.1.call-start
scs
__scs_entry_jumppad:
0x0: {  	(pc) =	sbr.rel $0x88, $3  }
0x1: {  	(tag) =	ssettag $0x0;
	lr =	simm.s32 $0x1  }
0x2: {  	[smem:$0x3F99] =	sst lr;
	_ =	strace $0xD0000000  }
0x3: {  	_ = 	snop  }
0x4: {  	_ = 	snop  }
0x5: {  	_ = 	snop  }
0x6: {  	_ = 	snop  }
0x7: {  	_ = 	snop  }
__scs_overlays_trampoline_lowered:
0x8: {  	[smem:$0x3FA8] =	sst s0  }
0x9: {  	[smem:$0x3FA9] =	sst s1  }
0xa: {  	[smem:$0x3FAA] =	sst s2  }
0xb: {  	[smem:$0x3FAB] =	sst s3  }
0xc: {  	[smem:$0x3FAC] =	sst s4  }
0xd: {  	[smem:$0x3FAD] =	sst s5  }
0xe: {  	[smem:$0x3FAE] =	sst s6  }
0xf: {  	[smem:$0x3FAF] =	sst s7  }
0x10: {  	[smem:$0x3FB0] =	sst s8  }
0x11: {  	[smem:$0x3FB1] =	sst s9;
	s0 =	simm.s32 @!p0 $0x0  }
0x12: {  	s1 =	sld [smem:$0x3F97];
	s0 =	simm.s32 @p0 $0x1  }
0x13: {  	[smem:$0x3FB2] =	sst s0;
	s0 =	simm.s32 @!p1 $0x0  }
0x14: {  	s2 =	sld [smem:$0x3F96];
	s0 =	simm.s32 @p1 $0x1  }
0x15: {  	[smem:$0x3FB3] =	sst s0;
	s0 =	simm.s32 @!p2 $0x0  }
0x16: {  	s3 =	sld [smem:$0x3FDB];
	s0 =	simm.s32 @p2 $0x1  }
0x17: {  	s4 =	simm.s32 $0x1BF5;
	[smem:$0x3FB5] =	sst s0  }
0x18: {  	s0 =	sld [smem:$0x3F98];
	_ =	swait.ge [sflag:s4], $0x0  }
0x19: {  	s7 =	sld [smem:$0x3F99]  }
0x1a: {  	s8 =	sadd.s32 $0xFFFFE003, lr  }
0x1b: {  	s9 =	sadd.s32 $0xFFFFFEF7, lr;
	s5 =	simm.s32 $0xFFFFFFFF;
	p2 =	slt.u32 s8, $0xFFFFF086  }
0x1c: {  	p1 =	slt.u32 s9, $0xF7A;
	s5 =	simm.s32 @!p2 $0x0  }
0x1d: {  	s5 =	simm.s32 @p1 $0x1;
	p0 =	seq.s32 s7, s2  }
0x1e: {  	s7 =	smul.u32 @!p0 $0xF7A, s2;
	p2 =	seq.s32 @!p0 s5, $0x0  }
0x1f: {  	s9 =	smul.u32 $0xF7A, s1;
	s8 =	simm.s32 @!p0 $0x1BF5;
	p2 =	por !p2, p0  }
0x20: {  	[sflag:s8] =	ssyncset.s32 @!p0 $0xFFFFF086;
	s6 =	sadd.s32 @!p0 s3, s7;
	s7 =	simm.s32 @!p0 $0x108  }
0x21: {  	s3 =	sadd.s32 s3, s9;
	s6 =	sadd.s32 @!p0 $0x88, s6;
	s7 =	simm.s32 @p2 $0x1082  }
0x22: {  	[simem:s7], [sflag:s8] =	dma.local @!p0 [hbm:s6], $0xF7A  }
0x23: {  	s9 =	sor.u32 $0xD0000000, s2;
	s6 =	simm.s32 $0x108;
	_ =	swait.ge @!p0 [sflag:s8], $0x0  }
0x24: {  	s3 =	sadd.s32 $0x88, s3;
	s6 =	simm.s32 @!p1 $0x1082;
	[sflag:s4] =	ssyncset.s32 $0xFFFFF086  }
0x25: {  	[simem:s6], [sflag:s4] =	dma.local [hbm:s3], $0xF7A  }
0x26: {  	[smem:$0x3F99] =	sst s1;
	(tag) =	ssettag s2;
	_ =	strace s9  }
0x27: {  	s1 =	sld [smem:$0x3FA9]  }
0x28: {  	s2 =	sld [smem:$0x3FAA]  }
0x29: {  	s4 =	sld [smem:$0x3FAC]  }
0x2a: {  	p0 =	seq.s32 s5, $0x0;
	s5 =	sld [smem:$0x3FAD]  }
0x2b: {  	s6 =	sld [smem:$0x3FAE]  }
0x2c: {  	s7 =	sld [smem:$0x3FAF]  }
0x2d: {  	s3 =	simm.s32 $0x108;
	s8 =	sld [smem:$0x3FB0]  }
0x2e: {  	s3 =	simm.s32 @!p0 $0x1082;
	s9 =	sld [smem:$0x3FB1]  }
0x2f: {  	lr =	sadd.s32 s0, s3;
	s0 =	sld [smem:$0x3FA8]  }
0x30: {  	s3 =	sld [smem:$0x3FAB]  }
0x31: {  	[smem:$0x3FB4] =	sst s10  }
0x32: {  	s10 =	sld [smem:$0x3FB2];
	_ =	sdelay $0x3  }
0x33: {  	p0 =	seq.s32 s10, $0x1;
	s10 =	sld [smem:$0x3FB4];
	_ =	sdelay $0x3  }
0x34: {  	[smem:$0x3FB4] =	sst s10  }
0x35: {  	s10 =	sld [smem:$0x3FB3];
	_ =	sdelay $0x3  }
0x36: {  	p1 =	seq.s32 s10, $0x1;
	s10 =	sld [smem:$0x3FB4];
	_ =	sdelay $0x3  }
0x37: {  	[smem:$0x3FB4] =	sst s10  }
0x38: {  	s10 =	sld [smem:$0x3FB5]  }
0x39: {  	_ = 	snop;
	(pc) =	sbr.ind lr, $3  }
0x3a: {  	_ = 	snop  }
0x3b: {  	_ = 	snop  }
0x3c: {  	p2 =	seq.s32 s10, $0x1;
	s10 =	sld [smem:$0x3FB4]  }
0x3d: {  	_ =	shalt  }
0x3e: {  	_ =	shalt  }
0x3f: {  	_ =	shalt  }
0x40: {  	_ =	shalt  }
0x41: {  	_ =	shalt  }
0x42: {  	_ =	shalt  }
0x43: {  	_ =	shalt  }
0x44: {  	_ =	shalt  }
0x45: {  	_ =	shalt  }
0x46: {  	_ =	shalt  }
0x47: {  	_ =	shalt  }
0x48: {  	_ =	shalt  }
0x49: {  	_ =	shalt  }
0x4a: {  	_ =	shalt  }
0x4b: {  	_ =	shalt  }
0x4c: {  	_ =	shalt  }
0x4d: {  	_ =	shalt  }
0x4e: {  	_ =	shalt  }
0x4f: {  	_ =	shalt  }
0x50: {  	_ =	shalt  }
0x51: {  	_ =	shalt  }
0x52: {  	_ =	shalt  }
0x53: {  	_ =	shalt  }
0x54: {  	_ =	shalt  }
0x55: {  	_ =	shalt  }
0x56: {  	_ =	shalt  }
0x57: {  	_ =	shalt  }
0x58: {  	_ =	shalt  }
0x59: {  	_ =	shalt  }
0x5a: {  	_ =	shalt  }
0x5b: {  	_ =	shalt  }
0x5c: {  	_ =	shalt  }
0x5d: {  	_ =	shalt  }
0x5e: {  	_ =	shalt  }
0x5f: {  	_ =	shalt  }
0x60: {  	_ =	shalt  }
0x61: {  	_ =	shalt  }
0x62: {  	_ =	shalt  }
0x63: {  	_ =	shalt  }
0x64: {  	_ =	shalt  }
0x65: {  	_ =	shalt  }
0x66: {  	_ =	shalt  }
0x67: {  	_ =	shalt  }
0x68: {  	_ =	shalt  }
0x69: {  	_ =	shalt  }
0x6a: {  	_ =	shalt  }
0x6b: {  	_ =	shalt  }
0x6c: {  	_ =	shalt  }
0x6d: {  	_ =	shalt  }
0x6e: {  	_ =	shalt  }
0x6f: {  	_ =	shalt  }
0x70: {  	_ =	shalt  }
0x71: {  	_ =	shalt  }
0x72: {  	_ =	shalt  }
0x73: {  	_ =	shalt  }
0x74: {  	_ =	shalt  }
0x75: {  	_ =	shalt  }
0x76: {  	_ =	shalt  }
0x77: {  	_ =	shalt  }
0x78: {  	_ =	shalt  }
0x79: {  	_ =	shalt  }
0x7a: {  	_ =	shalt  }
0x7b: {  	_ =	shalt  }
0x7c: {  	_ =	shalt  }
0x7d: {  	_ =	shalt  }
0x7e: {  	_ =	shalt  }
0x7f: {  	_ =	shalt  }
0x80: {  	_ =	shalt  }
0x81: {  	_ =	shalt  }
0x82: {  	_ =	shalt  }
0x83: {  	_ =	shalt  }
0x84: {  	_ =	shalt  }
0x85: {  	_ =	shalt  }
0x86: {  	_ =	shalt  }
0x87: {  	_ =	shalt  }
.Lfunc_end0:
.L_simem_size_0:
called_computation_lowered:
.L_overlay_start_0:
0x88: {  	s2 =	sld [smem:$0x3FD9]  }
0x89: {  	s3 =	sld [smem:$0x3FFE];
	_ =	sdelay $0x1  }
0x8a: {  	s1 =	srdreg.scid  }
0x8b: {  	s0 =	sand.u32 $0x1, s1  }
0x8c: {  	s17 =	sshll.u32 s0, $0xA;
	s2 =	sadd.s32 s3, s2  }
0x8d: {  	s2 =	sadd.s32 s2, s17  }
0x8e: {  	[smem:$0x3FC0] =	sst s2  }
0x8f: {  	_ = 	snop  }
0x90: {  	s2 =	sld [smem:$0x3FD0];
	(tm) =	ssettm $0x1  }
0x91: {  	s18 =	sld [smem:$0x3FFB];
	_ =	sdelay $0x3  }
0x92: {  	_ =	strace s18  }
0x93: {  	s3 =	sld [smem:$0x3FFC];
	_ =	sdelay $0x3  }
0x94: {  	_ =	strace s3  }
0x95: {  	s3 =	sld [smem:$0x3FFD];
	_ =	sdelay $0x3  }
0x96: {  	_ =	strace s3  }
0x97: {  	_ =	strace $0x8FFFFFFF  }
0x98: {  	s19 =	sld [smem:$0x3FDB];
	_ =	sdelay $0x1  }
0x99: {  	s4 =	simm.s32 $_scs_section_size  }
0x9a: {  	s5 =	simm.s32 $_size__tile_overlayer_lowered;
	s6 =	simm.s32 $_tile_overlayer_lowered  }
0x9b: {  	s22 =	simm.s32 $0x1BFF;
	s21 =	sshll.u32 s6, $0x1;
	s3 =	sadd.s32 s4, s19  }
0x9c: {  	s7 =	simm.s32 $0x0;
	s20 =	sshll.u32 s5, $0x1;
	s5 =	sadd.s32 s21, s3  }
0x9d: {  	[timem:s7], [sflag:s22] =	dma.local [hbm:s5], s20  }
0x9e: {  	_ =	swait.ge [sflag:s22], s20  }
0x9f: {  	s4 =	ssub.s32 $0x0, s20;
	[sflag:s22] =	ssyncset.done $0x0  }
0xa0: {  	[sflag:s22] =	ssyncadd.s32 s4;
	_ =	sdelay $0x1  }
0xa1: {  	s23 =	simm.s32 $0x1B8B  }
0xa2: {  	_ =	swait.ge [sflag:s23], $0x1  }
0xa3: {  	[sflag:s23] =	ssyncset.done $0x0  }
0xa4: {  	s25 =	simm.s32 $0x1B8E;
	s24 =	sld [smem:$0x3FFE];
	[sflag:s23] =	ssyncadd.s32 $0xFFFFFFFF  }
0xa5: {  	s26 =	simm.s32 $execute0_lowered;
	[smem:$0x3FD2] =	sst s25  }
0xa6: {  	s5 =	sshll.u32 s26, $0x1;
	_ =	strace $0x80000046;
	[dreg:$0x1] =	wrdreg $0xFFFFFFFF  }
0xa7: {  	s28 =	simm.s32 $_size_execute0_lowered;
	s3 =	sadd.s32 s3, s5;
	[dreg:$0x0] =	wrdreg $0x0  }
0xa8: {  	s5 =	sshll.u32 s28, $0x1;
	[dreg:$0x2] =	wrdreg s3  }
0xa9: {  	[dreg:$0x3] =	wrdreg s5  }
0xaa: {  	[dreg:$0x4] =	wrdreg $0xC0  }
0xab: {  	_ =	task [dreg:s7], $0x5FFFF  }
0xac: {  	[dreg:$0x1] =	wrdreg $0xFFFFFFFF  }
0xad: {  	[dreg:$0x0] =	wrdreg $0x60  }
0xae: {  	[dreg:$0x2] =	wrdreg s2  }
0xaf: {  	[dreg:$0x3] =	wrdreg s24  }
0xb0: {  	[dreg:$0x4] =	wrdreg $0x124D00  }
0xb1: {  	[dreg:$0x5] =	wrdreg $0x1C4D00  }
0xb2: {  	[dreg:$0x6] =	wrdreg $0x9  }
0xb3: {  	_ =	task.clear_ibuf [dreg:s7], $0x7FFFF;
	_ =	strace $0x90000046  }
0xb4: {  	s29 =	simm.s32 $0x9;
	_ =	strace $0x80000048  }
0xb5: {  	_ =	swait.ge [sflag:s29], $0x1  }
0xb6: {  	[sflag:s29] =	ssyncadd.s32 $0xFFFFFFFF  }
0xb7: {  	_ =	strace $0x90000048  }
0xb8: {  	_ =	sfence  }
0xb9: {  	s30 =	sld [smem:$0x0];
	_ =	sdelay $0x2  }
0xba: {  	s31 =	sshll.u32 s1, $0xD;
	s1 =	sshrl.u32 s1, $0x2  }
0xbb: {  	s3 =	sand.u32 $0x4000, s31;
	s1 =	sadd.s32 s1, s30  }
0xbc: {  	s0 =	sor.u32 s3, s0;
	s1 =	sshll.u32 s1, $0x11  }
0xbd: {  	s0 =	sor.u32 s1, s0  }
0xbe: {  	s0 =	sadd.s32 $0x8F2B, s0  }
0xbf: {  	[sflag:s0] =	ssyncadd.remote.s32 $0x1  }
0xc0: {  	_ =	sfence.sel $0xFFFF  }
0xc1: {  	[dreg:$0x0] =	wrdreg $0xFFFFFFFF;
	(pc) =	sbr.abs _section_cstart, $3  }
0xc2: {  	[dreg:$0x1] =	wrdreg $0xFFFFFFFF  }
0xc3: {  	_ =	task.clear_ibuf [dreg:s7], $0x2FFFF;
	_ =	strace $0x9FFFFFFF  }
0xc4: {  	(tm) =	ssettm $0x7FFFFFFF  }
0xc5: {  	_ =	shalt  }
tec
execute0_lowered:
.L_overlay_start_1:
0x0: {  	(tag) =	ssettag $0x1  }
0x1: {  	s1 =	rddreg [dreg:$0x0]  }
0x2: {  	s0 =	rddreg [dreg:$0x1]  }
0x3: {  	s12 =	stileid.u32;
	s4 =	srdreg.scid  }
0x4: {  	s3 =	rddreg [dreg:$0x2];
	s6 =	simm.s32 $0x0;
	s2 =	smul.u32 $0xA00, s12  }
0x5: {  	s28 =	simm.s32 $0x11D00;
	s29 =	simm.s32 $0x1;
	s7 =	smul.u32 $0xA000, s12  }
0x6: {  	s30 =	simm.s32 $0x7D;
	s31 =	simm.s32 $0x9;
	s10 =	smul.u32 $0x2800, s12  }
0x7: {  	s5 =	sand.u32 $0x1, s4;
	s4 =	rddreg [dreg:$0x3];
	s12 =	smul.u32 $0x280, s12  }
0x8: {  	[smem:$0x7FF] =	sst s6;
	s6 =	sadd.s32 $0x15E00, s0;
	s8 =	smul.u32 $0xA0000, s5  }
0x9: {  	s9 =	smul.u32 $0x28000, s5;
	_ =	strace $0x80000047;
	s11 =	ssub.s32 $0x2, s5  }
0xa: {  	p0 =	seq.s32 s5, $0x1;
	p1 =	sne.s32 s5, $0x0;
	p2 =	seq.s32 s5, $0x0  }
0xb: {  	s5 =	simm.s32 $0xDE80;
	s2 =	sadd.s32 s2, s0;
	s23 =	sshrl.u32 s11, $0x1  }
0xc: {  	s25 =	sor.u32 $0x78, s12;
	s13 =	sadd.s32 $0xF0, s12;
	s16 =	sadd.s32 $0x168, s12  }
0xd: {  	s18 =	sadd.s32 $0x1E0, s12;
	s22 =	sadd.s32 $0x258, s12;
	s8 =	sadd.s32 s7, s8  }
0xe: {  	s9 =	sadd.s32 s10, s9;
	s11 =	ssub.s32 s11, s23;
	s24 =	sadd.s32 $0xBE00, s2  }
0xf: {  	s2 =	sadd.s32 $0x1E00, s2;
	s10 =	sadd.s32 s10, s4;
	s26 =	sshll.u32 s25, $0x6  }
0x10: {  	s14 =	sshll.u32 s13, $0x6;
	s15 =	sshll.u32 s13, $0x4;
	s17 =	sshll.u32 s16, $0x6  }
0x11: {  	s20 =	sshll.u32 s18, $0x6;
	s12 =	sshll.u32 s22, $0x6;
	[dreg:$0x5] =	wrdreg s24  }
0x12: {  	s8 =	sshrl.u32 s8, $0x3;
	s9 =	sshrl.u32 s9, $0x3;
	[dreg:$0x6] =	wrdreg s2  }
0x13: {  	s2 =	sshll.u32 s25, $0x4;
	s21 =	sadd.s32 s20, s3;
	s24 =	sadd.s32 s12, s3  }
0x14: {  	s8 =	sadd.s32 s8, s0;
	s0 =	sadd.s32 s9, s0;
	[dreg:$0xd] =	wrdreg s21  }
0x15: {  	s9 =	sadd.s32 s7, s3;
	s7 =	sadd.s32 s26, s3;
	[dreg:$0xf] =	wrdreg s24  }
0x16: {  	s19 =	sshll.u32 s16, $0x4;
	s2 =	sadd.s32 s2, s4;
	[dreg:$0x7] =	wrdreg s7  }
0x17: {  	s23 =	sshll.u32 s18, $0x4;
	s26 =	smax.u32 s11, $0x1;
	[dreg:$0x8] =	wrdreg s2  }
0x18: {  	s12 =	simm.s32 $0x6;
	s2 =	sadd.s32 s14, s3;
	[dreg:$0x13] =	wrdreg s26  }
0x19: {  	s24 =	simm.s32 $0xA;
	s7 =	sadd.s32 s23, s4;
	[dreg:$0x9] =	wrdreg s2  }
0x1a: {  	s11 =	simm.s32 $0xFDC0;
	s25 =	sadd.s32 $0x29800, s8;
	[dreg:$0xe] =	wrdreg s7  }
0x1b: {  	s0 =	sadd.s32 $0x51800, s0;
	s26 =	simm.s32 $0xA000;
	[dreg:$0x11] =	wrdreg s25  }
0x1c: {  	s8 =	simm.s32 $0x4;
	s2 =	sadd.s32 s15, s4;
	[dreg:$0x12] =	wrdreg s0  }
.Ltmp0:
0x1d: {  	[dreg:$0xa] =	wrdreg s2;
	s2 =	sadd.s32 s17, s3;
	(pc) =	sbr.rel .LBB2_1-.Ltmp0, $4  }
0x1e: {  	s14 =	simm.s32 $0x8;
	[dreg:$0xb] =	wrdreg s2;
	s2 =	sadd.s32 s19, s4  }
0x1f: {  	s0 =	simm.s32 $0xBF40;
	[dreg:$0xc] =	wrdreg s2;
	s2 =	sshll.u32 s22, $0x4  }
0x20: {  	s25 =	simm.s32 $0x3;
	s7 =	simm.s32 $0x5;
	s2 =	sadd.s32 s2, s4  }
0x21: {  	v0 =	vimm.f32 $0.0e+00;
	v1 =	vimm.f32 $1.000000000e+00;
	s15 =	simm.s32 $0x0;
	[dreg:$0x10] =	wrdreg s2;
	s2 =	simm.s32 $0x2  }
.LBB2_17:
0x22: {  	_ =	swait.ge [sflag:s29], $0x1F40  }
0x23: {  	[sflag:s29] =	ssyncset.done $0x0  }
0x24: {  	[sflag:s29] =	ssyncadd.s32 $0xFFFFE0C0  }
0x25: {  	_ =	swait.ge [sflag:s2], $0x1F40  }
0x26: {  	[sflag:s2] =	ssyncset.done $0x0  }
0x27: {  	s13 =	simm.s32 $0x7;
	[sflag:s2] =	ssyncadd.s32 $0xFFFFE0C0  }
0x28: {  	_ =	swait.ge [sflag:s13], $0x1F40  }
0x29: {  	[sflag:s13] =	ssyncset.done $0x0  }
0x2a: {  	[sflag:s13] =	ssyncadd.s32 $0xFFFFE0C0  }
0x2b: {  	_ =	swait.ge [sflag:s14], $0x1F40  }
0x2c: {  	[sflag:s14] =	ssyncset.done $0x0  }
0x2d: {  	[sflag:s14] =	ssyncadd.s32 $0xFFFFE0C0  }
0x2e: {  	_ =	swait.ge [sflag:s31], $0x7D0  }
0x2f: {  	[sflag:s31] =	ssyncset.done $0x0  }
0x30: {  	[sflag:s31] =	ssyncadd.s32 $0xFFFFF830  }
0x31: {  	_ =	swait.ge [sflag:s31], $0x7D0  }
0x32: {  	[sflag:s31] =	ssyncset.done $0x0  }
0x33: {  	s20 =	stileid.u32;
	[sflag:s31] =	ssyncadd.s32 $0xFFFFF830  }
0x34: {  	s13 =	sshll.u32 s20, $0x6;
	[bflag:$0x0] =	sbarrier.arrive $0xFFFF  }
0x35: {  	s16 =	sshrl.u32 s9, $0x3;
	s13 =	sor.u32 $0x1C0A, s13;
	s17 =	rddreg [dreg:$0x11]  }
0x36: {  	[hbm:s17], [sflag:s13] =	dma.local [spmem:s16], $0x1400  }
0x37: {  	_ =	swait.ge [sflag:s24], $0x1400  }
0x38: {  	[sflag:s24] =	ssyncset.done $0x0  }
0x39: {  	s21 =	sshrl.u32 s10, $0x3;
	s22 =	rddreg [dreg:$0x12];
	[sflag:s24] =	ssyncadd.s32 $0xFFFFEC00  }
0x3a: {  	[hbm:s22], [sflag:s13] =	dma.local [spmem:s21], $0x500  }
0x3b: {  	_ =	swait.ge [sflag:s24], $0x500  }
0x3c: {  	s15 =	sadd.s32 $0x1, s15;
	s23 =	rddreg [dreg:$0x13]  }
0x3d: {  	p3 =	sne.s32 s15, s23  }
.Ltmp1:
0x3e: {  	_ = 	snop;
	(pc) =	sbr.rel @!p3 .LBB2_18-.Ltmp1, $3  }
0x3f: {  	_ =	sdelay $0x1  }
0x40: {  	[sflag:s24] =	ssyncset.done $0x0  }
0x41: {  	[sflag:s24] =	ssyncadd.s32 $0xFFFFFB00  }
.LBB2_1:
0x42: {  	s13 =	simm.s32 $0x0;
	s16 =	rddreg [dreg:$0x5]  }
0x43: {  	[tilespmem:s13], [sflag:$0xA] =	stream.linear.gather [hbm4b:s16+s13], $0x5000, $0x38;
	[tilespmem:$0x1ECD0] =	vst v63  }
0x44: {  	_ =	swait.ge [sflag:s24], $0x5000  }
0x45: {  	[sflag:s24] =	ssyncset.done $0x0  }
0x46: {  	s17 =	simm.s32 $0x5000;
	s23 =	rddreg [dreg:$0x6];
	[sflag:s24] =	ssyncadd.s32 $0xFFFFB000  }
0x47: {  	[tilespmem:s17], [sflag:$0xA] =	stream.linear.gather [hbm4b:s23+s13], $0x5000, $0x38;
	[tilespmem:$0x1ECD0] =	vst v63  }
0x48: {  	_ =	swait.ge [sflag:s24], $0x5000  }
0x49: {  	[sflag:s24] =	ssyncset.done $0x0  }
0x4a: {  	s16 =	simm.s32 $0x0;
	[sflag:s24] =	ssyncadd.s32 $0xFFFFB000  }
.LBB2_2:
0x4b: {  	p3 =	sne.s32 s16, $0x7C00  }
.Ltmp2:
0x4c: {  	s17 =	sshra.s32 s16, $0x2;
	(pc) =	sbr.rel @p3 .LBB2_2-.Ltmp2, $4  }
0x4d: {  	[tilespmem:s17+$0xA000] =	vst v0  }
0x4e: {  	[tilespmem:s17+$0xA010] =	vst v0  }
0x4f: {  	[tilespmem:s17+$0xA020] =	vst v0  }
0x50: {  	s16 =	sadd.s32 $0x100, s16;
	[tilespmem:s17+$0xA030] =	vst v0  }
0x51: {  	s16 =	simm.s32 $0x40;
	s17 =	simm.s32 $0x0  }
.LBB2_4:
0x52: {  	p3 =	sne.s32 s16, $0x1F00;
	[tilespmem:s17+$0x11D00] =	vst v0;
	s17 =	smov.u32 s16;
	s16 =	sadd.s32 $0x40, s16  }
.Ltmp3:
0x53: {  	(pc) =	sbr.rel @p3 .LBB2_4-.Ltmp3, $2  }
0x54: {  	_ =	sdelay $0x2  }
0x55: {  	s17 =	sshra.s32 s17, $0x2  }
0x56: {  	[tilespmem:s17+$0x11D00] =	vst v0  }
0x57: {  	[spmem:s9] =	stream.linear.scatter [tilespmem:s26], [sflag:$0xA], $0x1E00, $0x38;
	[tilespmem:$0x1ECD0] =	vst v63  }
0x58: {  	_ =	swait.ge [sflag:s24], $0x1E00  }
0x59: {  	[sflag:s24] =	ssyncset.done $0x0  }
0x5a: {  	[sflag:s24] =	ssyncadd.s32 $0xFFFFE200  }
0x5b: {  	[spmem:s10] =	stream.linear.scatter [tilespmem:s28], [sflag:$0xA], $0x780, $0x38;
	[tilespmem:$0x1ECD0] =	vst v63  }
0x5c: {  	_ =	swait.ge [sflag:s24], $0x780  }
0x5d: {  	[sflag:s24] =	ssyncset.done $0x0  }
0x5e: {  	s13 =	rddreg [dreg:$0x7];
	[sflag:s24] =	ssyncadd.s32 $0xFFFFF880  }
0x5f: {  	[spmem:s13] =	stream.linear.scatter [tilespmem:s26], [sflag:$0xA], $0x1E00, $0x38;
	[tilespmem:$0x1ECD0] =	vst v63  }
0x60: {  	_ =	swait.ge [sflag:s24], $0x1E00  }
0x61: {  	[sflag:s24] =	ssyncset.done $0x0  }
0x62: {  	s23 =	rddreg [dreg:$0x8];
	[sflag:s24] =	ssyncadd.s32 $0xFFFFE200  }
0x63: {  	[spmem:s23] =	stream.linear.scatter [tilespmem:s28], [sflag:$0xA], $0x780, $0x38;
	[tilespmem:$0x1ECD0] =	vst v63  }
0x64: {  	_ =	swait.ge [sflag:s24], $0x780  }
0x65: {  	[sflag:s24] =	ssyncset.done $0x0  }
0x66: {  	s16 =	rddreg [dreg:$0x9];
	[sflag:s24] =	ssyncadd.s32 $0xFFFFF880  }
0x67: {  	[spmem:s16] =	stream.linear.scatter [tilespmem:s26], [sflag:$0xA], $0x1E00, $0x38;
	[tilespmem:$0x1ECD0] =	vst v63  }
0x68: {  	_ =	swait.ge [sflag:s24], $0x1E00  }
0x69: {  	[sflag:s24] =	ssyncset.done $0x0  }
0x6a: {  	s17 =	rddreg [dreg:$0xa];
	[sflag:s24] =	ssyncadd.s32 $0xFFFFE200  }
0x6b: {  	[spmem:s17] =	stream.linear.scatter [tilespmem:s28], [sflag:$0xA], $0x780, $0x38;
	[tilespmem:$0x1ECD0] =	vst v63  }
0x6c: {  	_ =	swait.ge [sflag:s24], $0x780  }
0x6d: {  	[sflag:s24] =	ssyncset.done $0x0  }
0x6e: {  	s18 =	rddreg [dreg:$0xb];
	[sflag:s24] =	ssyncadd.s32 $0xFFFFF880  }
0x6f: {  	[spmem:s18] =	stream.linear.scatter [tilespmem:s26], [sflag:$0xA], $0x1E00, $0x38;
	[tilespmem:$0x1ECD0] =	vst v63  }
0x70: {  	_ =	swait.ge [sflag:s24], $0x1E00  }
0x71: {  	[sflag:s24] =	ssyncset.done $0x0  }
0x72: {  	s19 =	rddreg [dreg:$0xc];
	[sflag:s24] =	ssyncadd.s32 $0xFFFFE200  }
0x73: {  	[spmem:s19] =	stream.linear.scatter [tilespmem:s28], [sflag:$0xA], $0x780, $0x38;
	[tilespmem:$0x1ECD0] =	vst v63  }
0x74: {  	_ =	swait.ge [sflag:s24], $0x780  }
0x75: {  	[sflag:s24] =	ssyncset.done $0x0  }
0x76: {  	s20 =	rddreg [dreg:$0xd];
	[sflag:s24] =	ssyncadd.s32 $0xFFFFF880  }
0x77: {  	[spmem:s20] =	stream.linear.scatter [tilespmem:s26], [sflag:$0xA], $0x1E00, $0x38;
	[tilespmem:$0x1ECD0] =	vst v63  }
0x78: {  	_ =	swait.ge [sflag:s24], $0x1E00  }
0x79: {  	[sflag:s24] =	ssyncset.done $0x0  }
0x7a: {  	s21 =	rddreg [dreg:$0xe];
	[sflag:s24] =	ssyncadd.s32 $0xFFFFE200  }
0x7b: {  	[spmem:s21] =	stream.linear.scatter [tilespmem:s28], [sflag:$0xA], $0x780, $0x38;
	[tilespmem:$0x1ECD0] =	vst v63  }
0x7c: {  	_ =	swait.ge [sflag:s24], $0x780  }
0x7d: {  	[sflag:s24] =	ssyncset.done $0x0  }
0x7e: {  	s22 =	rddreg [dreg:$0xf];
	[sflag:s24] =	ssyncadd.s32 $0xFFFFF880  }
0x7f: {  	[spmem:s22] =	stream.linear.scatter [tilespmem:s26], [sflag:$0xA], $0xA00, $0x38;
	[tilespmem:$0x1ECD0] =	vst v63  }
0x80: {  	_ =	swait.ge [sflag:s24], $0xA00  }
0x81: {  	[sflag:s24] =	ssyncset.done $0x0  }
0x82: {  	s23 =	rddreg [dreg:$0x10];
	[sflag:s24] =	ssyncadd.s32 $0xFFFFF600  }
0x83: {  	[spmem:s23] =	stream.linear.scatter [tilespmem:s28], [sflag:$0xA], $0x280, $0x38;
	[tilespmem:$0x1ECD0] =	vst v63  }
0x84: {  	_ =	swait.ge [sflag:s24], $0x280  }
0x85: {  	[sflag:s24] =	ssyncset.done $0x0  }
0x86: {  	s16 =	simm.s32 $0x40;
	s17 =	simm.s32 $0x0;
	[sflag:s24] =	ssyncadd.s32 $0xFFFFFD80  }
.LBB2_6:
0x87: {  	p3 =	sne.s32 s16, $0x1F00;
	[tilespmem:s17+$0x11D00] =	vst v1;
	s17 =	smov.u32 s16;
	s16 =	sadd.s32 $0x40, s16  }
.Ltmp4:
0x88: {  	(pc) =	sbr.rel @p3 .LBB2_6-.Ltmp4, $2  }
0x89: {  	_ =	sdelay $0x2  }
0x8a: {  	s17 =	sshra.s32 s17, $0x2  }
0x8b: {  	[tilespmem:s17+$0x11D00] =	vst v1;
	s16 =	simm.s32 @!p1 $0x7D;
	s17 =	simm.s32 @!p1 $0x0;
	s18 =	simm.s32 @!p1 $0xA000  }
0x8c: {  	[tilespmem:s18], [sflag:$0x1] =	stream.indirect.gather @!p1 [hbm4b:s1+s16], $0x40, s17, s16, $0xb8;
	[tilespmem:$0x1ECD0] =	vst v63  }
0x8d: {  	s19 =	simm.s32 @p0 $0xA000;
	s17 =	simm.s32 @p0 $0x7D;
	s18 =	simm.s32 @p0 $0x0  }
0x8e: {  	[tilespmem:s19], [sflag:$0x1] =	stream.indirect.gather @p0 [hbm4b:s6+s17], $0x40, s18, s17, $0xb8;
	[tilespmem:$0x1ECD0] =	vst v63  }
0x8f: {  	s18 =	simm.s32 @!p1 $0x80;
	s19 =	simm.s32 @!p1 $0xBF40  }
0x90: {  	[tilespmem:s19], [sflag:$0x2] =	stream.indirect.gather @!p1 [hbm4b:s1+s16], $0x40, s18, s16, $0xb8;
	[tilespmem:$0x1ECD0] =	vst v63  }
.Ltmp5:
0x91: {  	_ = 	snop;
	(pc) =	sbr.rel .LBB2_8-.Ltmp5, $4  }
0x92: {  	s16 =	simm.s32 @p0 $0x80;
	s18 =	simm.s32 @p0 $0xBF40  }
0x93: {  	[tilespmem:s18], [sflag:$0x2] =	stream.indirect.gather @p0 [hbm4b:s6+s17], $0x40, s16, s17, $0xb8;
	[tilespmem:$0x1ECD0] =	vst v63  }
0x94: {  	[bflag:$0x0] =	sbarrier.arrive $0xFFFF  }
0x95: {  	s16 =	simm.s32 $0x0;
	s17 =	simm.s32 $0x5  }
.LBB2_13:
0x96: {  	_ =	swait.ge [sflag:s31], $0x7D0  }
0x97: {  	[sflag:s31] =	ssyncset.done $0x0  }
0x98: {  	[sflag:s31] =	ssyncadd.s32 $0xFFFFF830  }
.LBB2_15:
0x99: {  	[spmem:s4] =	stream.indirect.scatter.add.f32 [tilespmem:s28], [sflag:$0x9], $0x10, s19, s30, $0xb8;
	[tilespmem:$0x1ECD0] =	vst v63  }
.LBB2_16:
0x9a: {  	s13 =	sadd.s32 $0xFFFFFFFF, s17;
	p4 =	seq.s32 s16, $0x13800  }
0x9b: {  	_ =	swait.ge [sflag:s7], $0x1F40;
	s20 =	simm.s32 @!p1 $0x7D;
	s13 =	simm.s32 @p4 $0x2  }
0x9c: {  	s21 =	simm.s32 @!p1 $0xA000;
	[sflag:s7] =	ssyncset.done $0x0;
	s19 =	sshll.u32 @!p1 s13, $0x7  }
0x9d: {  	[sflag:s7] =	ssyncadd.s32 $0xFFFFE0C0;
	s13 =	sshll.u32 @p0 s13, $0x7;
	s19 =	sand.u32 @!p1 $0x3FFFFF80, s19  }
0x9e: {  	[tilespmem:s21], [sflag:$0x1] =	stream.indirect.gather @!p1 [hbm4b:s1+s20], $0x40, s19, s20, $0xb8;
	[tilespmem:$0x1ECD0] =	vst v63  }
0x9f: {  	s13 =	sand.u32 @p0 $0x3FFFFF80, s13;
	s19 =	simm.s32 @p0 $0x7D;
	s21 =	simm.s32 @p0 $0xA000  }
0xa0: {  	[tilespmem:s21], [sflag:$0x1] =	stream.indirect.gather @p0 [hbm4b:s6+s19], $0x40, s13, s19, $0xb8;
	[tilespmem:$0x1ECD0] =	vst v63  }
0xa1: {  	_ =	swait.ge [sflag:s8], $0x1F40  }
0xa2: {  	[sflag:s8] =	ssyncset.done $0x0  }
0xa3: {  	s13 =	sadd.s32 $0x5180, s18;
	s18 =	simm.s32 @p3 $0x9;
	[sflag:s8] =	ssyncadd.s32 $0xFFFFE0C0  }
0xa4: {  	[spmem:s3] =	stream.indirect.scatter.add.f32 [tilespmem:s11], [sflag:$0x8], $0x40, s13, s30, $0xb8;
	[tilespmem:$0x1ECD0] =	vst v63  }
0xa5: {  	_ =	swait.ge @p3 [sflag:s18], $0x7D0  }
0xa6: {  	s23 =	sadd.s32 $0x4, s17;
	s16 =	sadd.s32 $0x800, s16;
	[sflag:s18] =	ssyncset.done @p3 $0x0  }
0xa7: {  	s17 =	simm.s32 @p4 $0x3;
	[sflag:s18] =	ssyncadd.s32 @p3 $0xFFFFF830;
	s18 =	simm.s32 @p0 $0x11D00  }
0xa8: {  	[spmem:s4] =	stream.indirect.scatter.add.f32 @p0 [tilespmem:s18], [sflag:$0x9], $0x10, s13, s19, $0xb8;
	[tilespmem:$0x1ECD0] =	vst v63  }
0xa9: {  	s21 =	simm.s32 @!p1 $0xBF40;
	p3 =	sne.s32 s16, $0x14000;
	_ =	swait.ge [sflag:s12], $0x1F40  }
0xaa: {  	s18 =	sshll.u32 @!p1 s17, $0x7;
	s17 =	sshll.u32 @p0 s17, $0x7;
	[sflag:s12] =	ssyncset.done $0x0  }
.Ltmp6:
0xab: {  	s18 =	sand.u32 @!p1 $0x3FFFFF80, s18;
	[sflag:s12] =	ssyncadd.s32 $0xFFFFE0C0;
	(pc) =	sbr.rel @!p3 .LBB2_17-.Ltmp6, $4  }
0xac: {  	[tilespmem:s21], [sflag:$0x2] =	stream.indirect.gather @!p1 [hbm4b:s1+s20], $0x40, s18, s20, $0xb8;
	[tilespmem:$0x1ECD0] =	vst v63  }
0xad: {  	s17 =	sand.u32 @p0 $0x3FFFFF80, s17;
	s18 =	simm.s32 @p0 $0xBF40  }
0xae: {  	[tilespmem:s18], [sflag:$0x2] =	stream.indirect.gather @p0 [hbm4b:s6+s19], $0x40, s17, s19, $0xb8;
	[tilespmem:$0x1ECD0] =	vst v63  }
0xaf: {  	s17 =	smov.u32 s23  }
.LBB2_8:
0xb0: {  	p3 =	sne.s32 s16, $0x0  }
0xb1: {  	p4 =	por !p2, !p3  }
0xb2: {  	p4 =	por !p4, !p4  }
.Ltmp7:
0xb3: {  	_ = 	snop;
	(pc) =	sbr.rel @!p4 .LBB2_10-.Ltmp7, $4  }
0xb4: {  	_ =	swait.ge [sflag:s29], $0x1F40  }
0xb5: {  	s18 =	sshra.s32 s16, $0x2;
	[sflag:s29] =	ssyncset.done $0x0  }
0xb6: {  	s19 =	sadd.s32 $0x5000, s18;
	[sflag:s29] =	ssyncadd.s32 $0xFFFFE0C0  }
0xb7: {  	[spmem:s3] =	stream.indirect.scatter.add.f32 [tilespmem:s26], [sflag:$0x5], $0x40, s19, s30, $0xb8;
	[tilespmem:$0x1ECD0] =	vst v63  }
.Ltmp8:
0xb8: {  	(pc) =	sbr.rel .LBB2_11-.Ltmp8, $4  }
0xb9: {  	_ = 	snop  }
0xba: {  	_ =	swait.ge [sflag:s31], $0x7D0  }
0xbb: {  	[sflag:s31] =	ssyncset.done $0x0  }
0xbc: {  	[sflag:s31] =	ssyncadd.s32 $0xFFFFF830  }
.LBB2_10:
.Ltmp9:
0xbd: {  	(pc) =	sbr.rel @p1 .LBB2_12-.Ltmp9, $1  }
0xbe: {  	_ =	sdelay $0x3  }
.LBB2_11:
0xbf: {  	[spmem:s4] =	stream.indirect.scatter.add.f32 [tilespmem:s28], [sflag:$0x9], $0x10, s19, s30, $0xb8;
	[tilespmem:$0x1ECD0] =	vst v63  }
.LBB2_12:
0xc0: {  	p5 =	seq.s32 s16, $0x0  }
0xc1: {  	s19 =	simm.s32 @!p5 $0x7  }
0xc2: {  	_ =	swait.ge @!p5 [sflag:s19], $0x1F40  }
0xc3: {  	[sflag:s19] =	ssyncset.done @!p5 $0x0  }
0xc4: {  	[sflag:s19] =	ssyncadd.s32 @!p5 $0xFFFFE0C0;
	s19 =	sshra.s32 @!p1 s16, $0x2  }
0xc5: {  	s21 =	simm.s32 @!p1 $0x7D;
	s22 =	simm.s32 @!p1 $0xDE80;
	s20 =	sadd.s32 @!p1 $0x100, s19  }
0xc6: {  	[tilespmem:s22], [sflag:$0x3] =	stream.indirect.gather @!p1 [hbm4b:s1+s21], $0x40, s20, s21, $0xb8;
	[tilespmem:$0x1ECD0] =	vst v63  }
0xc7: {  	s20 =	sshra.s32 @p0 s16, $0x2  }
0xc8: {  	s23 =	simm.s32 @p0 $0x7D;
	s13 =	simm.s32 @p0 $0xDE80;
	s22 =	sadd.s32 @p0 $0x100, s20  }
0xc9: {  	[tilespmem:s13], [sflag:$0x3] =	stream.indirect.gather @p0 [hbm4b:s6+s23], $0x40, s22, s23, $0xb8;
	[tilespmem:$0x1ECD0] =	vst v63  }
0xca: {  	p3 =	por !p3, !p0;
	_ =	swait.ge [sflag:s2], $0x1F40  }
0xcb: {  	p3 =	por !p3, !p3;
	[sflag:s2] =	ssyncset.done $0x0  }
0xcc: {  	s13 =	sadd.s32 $0x5080, s18;
	s22 =	simm.s32 @p3 $0x9;
	[sflag:s2] =	ssyncadd.s32 $0xFFFFE0C0  }
0xcd: {  	[spmem:s3] =	stream.indirect.scatter.add.f32 [tilespmem:s0], [sflag:$0x6], $0x40, s13, s30, $0xb8;
	[tilespmem:$0x1ECD0] =	vst v63  }
0xce: {  	_ =	swait.ge @p3 [sflag:s22], $0x7D0  }
0xcf: {  	[sflag:s22] =	ssyncset.done @p3 $0x0  }
0xd0: {  	[sflag:s22] =	ssyncadd.s32 @p3 $0xFFFFF830;
	s22 =	simm.s32 @p0 $0x11D00  }
0xd1: {  	[spmem:s4] =	stream.indirect.scatter.add.f32 @p0 [tilespmem:s22], [sflag:$0x9], $0x10, s13, s23, $0xb8;
	[tilespmem:$0x1ECD0] =	vst v63  }
0xd2: {  	s13 =	simm.s32 @!p5 $0x8  }
0xd3: {  	_ =	swait.ge @!p5 [sflag:s13], $0x1F40  }
0xd4: {  	[sflag:s13] =	ssyncset.done @!p5 $0x0  }
0xd5: {  	[sflag:s13] =	ssyncadd.s32 @!p5 $0xFFFFE0C0;
	s13 =	sadd.s32 @!p1 $0x180, s19;
	s19 =	simm.s32 @!p1 $0xFDC0  }
0xd6: {  	[tilespmem:s19], [sflag:$0x4] =	stream.indirect.gather @!p1 [hbm4b:s1+s21], $0x40, s13, s21, $0xb8;
	[tilespmem:$0x1ECD0] =	vst v63  }
0xd7: {  	s13 =	sadd.s32 @p0 $0x180, s20;
	s19 =	simm.s32 @p0 $0xFDC0  }
0xd8: {  	[tilespmem:s19], [sflag:$0x4] =	stream.indirect.gather @p0 [hbm4b:s6+s23], $0x40, s13, s23, $0xb8;
	[tilespmem:$0x1ECD0] =	vst v63  }
.Ltmp10:
0xd9: {  	_ = 	snop;
	(pc) =	sbr.rel @p4 .LBB2_13-.Ltmp10, $4  }
0xda: {  	_ =	swait.ge [sflag:s25], $0x1F40  }
0xdb: {  	[sflag:s25] =	ssyncset.done $0x0  }
0xdc: {  	s19 =	sadd.s32 $0x5100, s18;
	[sflag:s25] =	ssyncadd.s32 $0xFFFFE0C0  }
0xdd: {  	[spmem:s3] =	stream.indirect.scatter.add.f32 [tilespmem:s5], [sflag:$0x7], $0x40, s19, s30, $0xb8;
	[tilespmem:$0x1ECD0] =	vst v63  }
.Ltmp11:
0xde: {  	(pc) =	sbr.rel @p1 .LBB2_16-.Ltmp11, $4  }
.Ltmp12:
0xdf: {  	(pc) =	sbr.rel @!p1 .LBB2_15-.Ltmp12, $4  }
0xe0: {  	_ = 	snop  }
0xe1: {  	_ = 	snop  }
0xe2: {  	_ = 	snop  }
0xe3: {  	_ = 	snop  }
.LBB2_18:
0xe4: {  	_ =	sfence.sel $0x180000  }
0xe5: {  	[bflag:$0x0] =	sbarrier.arrive $0xFFFF  }
0xe6: {  	_ =	strace $0x90000047  }
0xe7: {  	s0 =	stileid.u32;
	[bflag:$0x2] =	sbarrier.arrive $0xFFFF  }
0xe8: {  	p0 =	sne.s32 s0, $0x0;
	s0 =	rddreg [dreg:$0x4]  }
0xe9: {  	s0 =	sadd.s32 @!p0 $0x100000, s0  }
0xea: {  	[sflag:s0] =	ssyncadd.tile.s32 @!p0 $0x1;
	_ =	shalt  }
.Lfunc_end2:
_tile_overlayer_lowered:
.L_overlay_start_2:
0xeb: {  	(tag) =	ssettag $0x2  }
0xec: {  	s0 =	rddreg [dreg:$0x0];
	s2 =	stileid.u32  }
0xed: {  	s1 =	rddreg [dreg:$0x1];
	p0 =	sne.s32 s2, $0x0  }
0xee: {  	s3 =	rddreg [dreg:$0x2];
	[bflag:$0x3] =	sbarrier.arrive $0xFFFF;
	s2 =	simm.s32 @!p0 $0x1C0A  }
0xef: {  	[timem:s3], [sflag:s2] =	dma.local @!p0 [hbm:s0], s1  }
0xf0: {  	s0 =	simm.s32 @!p0 $0xA  }
0xf1: {  	_ =	swait.ge @!p0 [sflag:s0], s1  }
0xf2: {  	s1 =	ssub.s32 @!p0 $0x0, s1;
	[sflag:s0] =	ssyncset.done @!p0 $0x0  }
0xf3: {  	[sflag:s0] =	ssyncadd.s32 @!p0 s1  }
0xf4: {  	[bflag:$0x3] =	sbarrier.arrive $0xFFFF  }
0xf5: {  	_ =	shalt  }

</sc_bundles>
